<compile_context>
chip_gen: v7x
topology: tpu7x:2x2x1
jax: 0.10.2.dev20260603
libtpu: 0.0.44.dev20260713+nightly
codegen_flags: <defaults>
</compile_context>

<pallas_src>
import functools

import jax
import jax.numpy as jnp
from jax import lax
from jax.experimental import pallas as pl
from jax.experimental.pallas import tpu as pltpu
from jax.experimental.pallas import tpu_sc as plsc

N = 8192
DM = 8
DE = 64
NSEG = 8
MAXP1 = 8
L = 16
NC, NS = 2, 16
SCHUNK = N // NS
CHUNK = N // (NC * NS)
SROW = 16

_mesh = plsc.VectorSubcoreMesh(
    core_axis_name="c", subcore_axis_name="s", num_cores=NC, num_subcores=NS)


def _take(v, lane):
    idx = jnp.full((L,), lane, jnp.int32) if isinstance(lane, int) else lane
    return jnp.take_along_axis(v, idx, axis=0)


def _seg_vec(tvec, bcs):
    svec = jnp.zeros((L,), jnp.int32)
    for bc in bcs:
        svec = svec + jnp.where(tvec >= bc, 1, 0).astype(jnp.int32)
    return svec


@functools.partial(
    pl.kernel,
    out_type=jax.ShapeDtypeStruct((N, DE), jnp.float32),
    mesh=_mesh,
    compiler_params=pltpu.CompilerParams(needs_layout_passes=False),
    scratch_types=[
        pltpu.VMEM((SCHUNK, DM), jnp.float32),
        pltpu.VMEM((SCHUNK,), jnp.int32),
        pltpu.VMEM((L,), jnp.int32),
        pltpu.VMEM((MAXP1, DE), jnp.float32),
        pltpu.VMEM((DM, DE), jnp.float32),
        pltpu.VMEM((NSEG * SROW,), jnp.float32),
        pltpu.VMEM_SHARED((NS * NSEG * SROW,), jnp.float32),
        pltpu.VMEM((NS * NSEG * SROW,), jnp.float32),
        pltpu.VMEM((MAXP1 * NSEG * DE,), jnp.float32),
        pltpu.VMEM((CHUNK, DE), jnp.float32),
        pltpu.VMEM((CHUNK * DM + 8,), jnp.int32),
        pltpu.SemaphoreType.DMA,
    ],
)
def _fused_call(flat_hbm, counts_hbm, cu_hbm, table_hbm, w_hbm, out_hbm,
                flat_v, counts_v, cu_v, table_v, w_v, stats_v,
                shared_x, parts_v, t2_v, out_v, flatb_v, sem):
    cid = lax.axis_index("c")
    sid = lax.axis_index("s")
    sbase = sid * SCHUNK
    obase = sbase + cid * CHUNK

    cps = []
    cps.append(pltpu.async_copy(
        flat_hbm.reshape(NS, SCHUNK, DM).at[sid], flat_v, sem))
    cps.append(pltpu.async_copy(
        counts_hbm.at[pl.ds(sbase, SCHUNK)], counts_v, sem))
    cps.append(pltpu.async_copy(cu_hbm, cu_v.at[pl.ds(0, 9)], sem))
    cps.append(pltpu.async_copy(table_hbm, table_v, sem))
    cps.append(pltpu.async_copy(w_hbm, w_v, sem))
    for cp in cps:
        cp.wait()

    zero = jnp.zeros((L,), jnp.float32)
    for s in range(NSEG):
        stats_v[pl.ds(s * SROW, L)] = zero

    iota = lax.iota(jnp.int32, L)
    cu_vec = cu_v[...]
    bcs = [_take(cu_vec, b) for b in range(1, NSEG)]
    half = jnp.where(iota >= 8, 1, 0).astype(jnp.int32)
    lane7 = iota - 8 * half
    ones = jnp.ones((L,), jnp.float32)

    def sgrp(g, carry):
        tvec = jnp.full((L,), sbase + g * L, jnp.int32) + iota
        cvec = counts_v[pl.ds(g * L, L)]
        svec = _seg_vec(tvec, bcs)
        s16 = svec * SROW
        plsc.addupdate_scatter(stats_v, [s16 + (MAXP1 + cvec)], ones)
        for jj in range(8):
            rows = jnp.full((L,), g * L + 2 * jj, jnp.int32) + half
            fv = plsc.load_gather(flat_v, [rows, lane7])
            sexp = _take(svec, jnp.full((L,), 2 * jj, jnp.int32) + half)
            plsc.addupdate_scatter(stats_v, [sexp * SROW + lane7], fv)
        return carry

    lax.fori_loop(0, SCHUNK // L, sgrp, 0)

    pltpu.sync_copy(stats_v, shared_x.at[pl.ds(sid * NSEG * SROW, NSEG * SROW)])
    plsc.subcore_barrier()
    pltpu.sync_copy(shared_x, parts_v)

    def _red(w, accs):
        return tuple(
            accs[s] + parts_v[pl.ds(w * NSEG * SROW + s * SROW, L)]
            for s in range(NSEG))

    stats = lax.fori_loop(
        0, NS, _red, tuple(jnp.zeros((L,), jnp.float32) for _ in range(NSEG)))

    def _pool_w(k, accs):
        wrows = [w_v[k, pl.ds(d * L, L)] for d in range(4)]
        kidx = jnp.full((L,), k, jnp.int32)
        return tuple(
            tuple(accs[s][d] + _take(stats[s], kidx) * wrows[d]
                  for d in range(4))
            for s in range(NSEG))

    def _pool_t(k, accs):
        wrows = [table_v[k, pl.ds(d * L, L)] for d in range(4)]
        kidx = jnp.full((L,), DM + k, jnp.int32)
        return tuple(
            tuple(accs[s][d] + _take(stats[s], kidx) * wrows[d]
                  for d in range(4))
            for s in range(NSEG))

    zero4 = tuple(tuple(jnp.zeros((L,), jnp.float32) for _ in range(4))
                  for _ in range(NSEG))
    pooled_acc = lax.fori_loop(0, DM, _pool_w, zero4)
    pooled_acc = lax.fori_loop(0, MAXP1, _pool_t, pooled_acc)

    def _t2(c, carry):
        trows = [table_v[c, pl.ds(d * L, L)] for d in range(4)]
        for s in range(NSEG):
            for d in range(4):
                t2_v[pl.ds(c * NSEG * DE + s * DE + d * L, L)] = (
                    trows[d] + pooled_acc[s][d])
        return carry

    lax.fori_loop(0, MAXP1, _t2, 0)

    ebase = [jnp.full((L,), d * L, jnp.int32) + iota for d in range(4)]
    wrb = [[plsc.pack(w_v[k, pl.ds(2 * p * L, L)],
                      w_v[k, pl.ds((2 * p + 1) * L, L)],
                      format=plsc.PackFormat.INTERLEAVED)
            for p in range(2)] for k in range(DM)]
    lbase = cid * CHUNK

    def fpk(v, carry):
        rows = jnp.full((L,), lbase + 2 * v, jnp.int32) + half
        fv = plsc.load_gather(flat_v, [rows, lane7])
        fb = plsc.pack(fv, fv, format=plsc.PackFormat.INTERLEAVED)
        flatb_v[pl.ds(v * L, L)] = plsc.bitcast(fb, jnp.int32)
        return carry

    lax.fori_loop(0, CHUNK * DM // L, fpk, 0)

    def ogrp(g, carry):
        tvec = jnp.full((L,), obase + g * L, jnp.int32) + iota
        cvec = counts_v[pl.ds(lbase + g * L, L)]
        svec = _seg_vec(tvec, bcs)
        cs64 = (cvec * NSEG + svec) * DE

        def tok4(jj, c2):
            for jo in range(4):
                j = jj * 4 + jo
                _one_token(g, j, cs64)
            return c2

        lax.fori_loop(0, 4, tok4, 0)
        return carry

    def _one_token(g, j, cs64):
        csb = _take(cs64, jnp.full((L,), j, jnp.int32))
        t2g = [plsc.load_gather(t2_v, [csb + ebase[d]]) for d in range(4)]
        fbi = flatb_v[pl.ds((g * L + j) * DM, L)]
        mac = [None, None]
        for k in range(DM):
            fkb = plsc.bitcast(
                jnp.full((L,), fbi[k], jnp.int32), jnp.bfloat16)
            for p in range(2):
                prod = fkb * wrb[k][p]
                if k == 0:
                    mac[p] = [prod, None, None, None]
                else:
                    mac[p][k % 4] = (prod if k < 4
                                     else mac[p][k % 4] + prod)
        for p in range(2):
            t = mac[p]
            acc = (t[0] + t[1]) + (t[2] + t[3])
            lo, hi = plsc.unpack(acc, format=plsc.PackFormat.INTERLEAVED)
            d0, d1 = 2 * p, 2 * p + 1
            out_v[g * L + j, pl.ds(d0 * L, L)] = t2g[d0] + lo
            out_v[g * L + j, pl.ds(d1 * L, L)] = t2g[d1] + hi

    lax.fori_loop(0, CHUNK // L, ogrp, 0)
    pltpu.sync_copy(out_v, out_hbm.reshape(NC * NS, CHUNK, DE).at[sid * NC + cid])


def kernel(flat, counts, cu_seqlens, n_repeats_table, mixer_w):
    return _fused_call(flat, counts, cu_seqlens, n_repeats_table, mixer_w)

# --- scband reference (transcript-rebuilt; emitter-appended) ---
"""Pipeline reference for scband-repeat-46583215292525 (READ-ONLY COPY).

The authoritative reference and input builder live on the scoring server;
editing this copy changes nothing except your own understanding.
"""

import jax, jax.numpy as jnp
import numpy as np

N = 8192
B = 8
D_MIXER = 8   # max + 1 (Repeat(max=7)) -> Mixer(d_mixer) and Embed(max+1)
MAXP1 = 8
D_EMB = 64

def setup_inputs(seed: int = 0) -> dict:
    key = jax.random.key(seed)
    k1, k2, k3, k4, k5 = jax.random.split(key, 5)
    flat = jax.random.normal(k1, (N, D_MIXER), dtype=jnp.float32)
    counts = jax.random.randint(k2, (N,), 0, MAXP1)
    inner = jnp.sort(jax.random.randint(k3, (B - 1,), 0, N)).astype(jnp.int32)
    cu_seqlens = jnp.concatenate([jnp.zeros((1,), jnp.int32), inner, jnp.full((1,), N, jnp.int32)])
    n_repeats_table = jax.random.normal(k4, (MAXP1, D_EMB), dtype=jnp.float32) * 0.02
    mixer_w = jax.random.normal(k5, (D_MIXER, D_EMB), dtype=jnp.float32) * 0.1
    return {"flat": flat, "counts": counts, "cu_seqlens": cu_seqlens,
            "n_repeats_table": n_repeats_table, "mixer_w": mixer_w}

def reference(flat, counts, cu_seqlens, n_repeats_table, mixer_w):
    # Numeric core of Repeat: per-match repeat-count embedding (Embed(max+1))
    # plus linear Mixer over the d_mixer=max+1 stacked child-match features,
    # applied over a ragged token stream described by cu_seqlens.
    emb = jnp.take(n_repeats_table, counts, axis=0)          # [N, D_EMB] gather
    mixed = flat @ mixer_w                                   # [N, D_EMB] linear Mixer
    out = emb + mixed
    pos = jnp.arange(flat.shape[0])
    seg_ids = jnp.searchsorted(cu_seqlens[1:], pos, side='right')
    pooled = jax.ops.segment_sum(out, seg_ids, num_segments=cu_seqlens.shape[0] - 1)
    out = out + jnp.take(pooled, seg_ids, axis=0)            # broadcast ragged pool back
    return out

if __name__ == "__main__":
    import jax
    _d = setup_inputs()
    print(jax.jit(kernel)(*tuple(_d.values())))

</pallas_src>

<mosaic_0001>
#map = affine_map<(d0, d1) -> (0, 0)>
#map1 = affine_map<(d0, d1) -> (0)>
module attributes {stable_mosaic.version = 14 : i64} {
  func.func @_fused_call(%arg0: i32, %arg1: i32, %arg2: memref<8192x8xf32, #tpu.memory_space<hbm>>, %arg3: memref<8192xi32, #tpu.memory_space<hbm>>, %arg4: memref<9xi32, #tpu.memory_space<hbm>>, %arg5: memref<8x64xf32, #tpu.memory_space<hbm>>, %arg6: memref<8x64xf32, #tpu.memory_space<hbm>>, %arg7: memref<8192x64xf32, #tpu.memory_space<hbm>>, %arg8: memref<512x8xf32, #tpu.memory_space<vmem>>, %arg9: memref<512xi32, #tpu.memory_space<vmem>>, %arg10: memref<16xi32, #tpu.memory_space<vmem>>, %arg11: memref<8x64xf32, #tpu.memory_space<vmem>>, %arg12: memref<8x64xf32, #tpu.memory_space<vmem>>, %arg13: memref<128xf32, #tpu.memory_space<vmem>>, %arg14: memref<2048xf32, #tpu.memory_space<vmem_shared>>, %arg15: memref<2048xf32, #tpu.memory_space<vmem>>, %arg16: memref<4096xf32, #tpu.memory_space<vmem>>, %arg17: memref<256x64xf32, #tpu.memory_space<vmem>>, %arg18: memref<2056xi32, #tpu.memory_space<vmem>>, %arg19: memref<!tpu.dma_semaphore, #tpu.memory_space<semaphore_mem>>) attributes {dimension_semantics = [#tpu.dimension_semantics<core_parallel>, #tpu.dimension_semantics<subcore_parallel>], iteration_bounds = array<i64: 2, 16>, scalar_prefetch = 0 : i64, scratch_operands = 12 : i64, tpu.core_type = #tpu.core_type<sc_vector_subcore>, window_params = [{transform_indices = #map}, {transform_indices = #map1}, {transform_indices = #map1}, {transform_indices = #map}, {transform_indices = #map}, {transform_indices = #map}]} {
    %mul3A = arith.constant 512 : i32
    %mul3A_0 = arith.muli %arg1, %mul3A : i32
    %mul3A_1 = arith.constant 256 : i32
    %mul3A_2 = arith.muli %arg0, %mul3A_1 : i32
    %add3A = arith.addi %mul3A_0, %mul3A_2 : i32
    %dma_start3A = tpu.memref_reshape %arg2 : memref<8192x8xf32, #tpu.memory_space<hbm>> -> memref<16x512x8xf32, #tpu.memory_space<hbm>>
    %dma_start3A_3 = arith.constant 0 : i32
    %dma_start3A_4 = arith.constant 0 : i32
    %dma_start3A_5 = tpu.memref_slice %dma_start3A[%arg1, %dma_start3A_3, %dma_start3A_4] : memref<16x512x8xf32, #tpu.memory_space<hbm>> -> memref<1x512x8xf32, #tpu.memory_space<hbm>>
    %dma_start3A_6 = tpu.memref_squeeze %dma_start3A_5 : memref<1x512x8xf32, #tpu.memory_space<hbm>> -> memref<512x8xf32, #tpu.memory_space<hbm>>
    %dma_start3A_7 = tpu.memref_reshape %arg2 : memref<8192x8xf32, #tpu.memory_space<hbm>> -> memref<16x512x8xf32, #tpu.memory_space<hbm>>
    %dma_start3A_8 = arith.constant 0 : i32
    %dma_start3A_9 = arith.constant 0 : i32
    %dma_start3A_10 = tpu.memref_slice %dma_start3A_7[%arg1, %dma_start3A_8, %dma_start3A_9] : memref<16x512x8xf32, #tpu.memory_space<hbm>> -> memref<1x512x8xf32, #tpu.memory_space<hbm>>
    %dma_start3A_11 = tpu.memref_squeeze %dma_start3A_10 : memref<1x512x8xf32, #tpu.memory_space<hbm>> -> memref<512x8xf32, #tpu.memory_space<hbm>>
    tpu.enqueue_dma source(%dma_start3A_11 : memref<512x8xf32, #tpu.memory_space<hbm>>) target(%arg8 : memref<512x8xf32, #tpu.memory_space<vmem>>) target_semaphore(%arg19 : memref<!tpu.dma_semaphore, #tpu.memory_space<semaphore_mem>>)
    %dma_start3A_12 = tpu.memref_slice %arg3[%mul3A_0] : memref<8192xi32, #tpu.memory_space<hbm>> -> memref<512xi32, #tpu.memory_space<hbm>>
    %dma_start3A_13 = tpu.memref_slice %arg3[%mul3A_0] : memref<8192xi32, #tpu.memory_space<hbm>> -> memref<512xi32, #tpu.memory_space<hbm>>
    tpu.enqueue_dma source(%dma_start3A_13 : memref<512xi32, #tpu.memory_space<hbm>>) target(%arg9 : memref<512xi32, #tpu.memory_space<vmem>>) target_semaphore(%arg19 : memref<!tpu.dma_semaphore, #tpu.memory_space<semaphore_mem>>)
    %dma_start3A_14 = arith.constant 0 : i32
    %dma_start3A_15 = tpu.memref_slice %arg10[%dma_start3A_14] : memref<16xi32, #tpu.memory_space<vmem>> -> memref<9xi32, #tpu.memory_space<vmem>>
    %dma_start3A_16 = arith.constant 0 : i32
    %dma_start3A_17 = tpu.memref_slice %arg10[%dma_start3A_16] : memref<16xi32, #tpu.memory_space<vmem>> -> memref<9xi32, #tpu.memory_space<vmem>>
    tpu.enqueue_dma source(%arg4 : memref<9xi32, #tpu.memory_space<hbm>>) target(%dma_start3A_17 : memref<9xi32, #tpu.memory_space<vmem>>) target_semaphore(%arg19 : memref<!tpu.dma_semaphore, #tpu.memory_space<semaphore_mem>>)
    tpu.enqueue_dma source(%arg5 : memref<8x64xf32, #tpu.memory_space<hbm>>) target(%arg11 : memref<8x64xf32, #tpu.memory_space<vmem>>) target_semaphore(%arg19 : memref<!tpu.dma_semaphore, #tpu.memory_space<semaphore_mem>>)
    tpu.enqueue_dma source(%arg6 : memref<8x64xf32, #tpu.memory_space<hbm>>) target(%arg12 : memref<8x64xf32, #tpu.memory_space<vmem>>) target_semaphore(%arg19 : memref<!tpu.dma_semaphore, #tpu.memory_space<semaphore_mem>>)
    %dma_wait3A = tpu.memref_reshape %arg2 : memref<8192x8xf32, #tpu.memory_space<hbm>> -> memref<16x512x8xf32, #tpu.memory_space<hbm>>
    %dma_wait3A_18 = arith.constant 0 : i32
    %dma_wait3A_19 = arith.constant 0 : i32
    %dma_wait3A_20 = tpu.memref_slice %dma_wait3A[%arg1, %dma_wait3A_18, %dma_wait3A_19] : memref<16x512x8xf32, #tpu.memory_space<hbm>> -> memref<1x512x8xf32, #tpu.memory_space<hbm>>
    %dma_wait3A_21 = tpu.memref_squeeze %dma_wait3A_20 : memref<1x512x8xf32, #tpu.memory_space<hbm>> -> memref<512x8xf32, #tpu.memory_space<hbm>>
    %dma_wait3A_22 = tpu.memref_reshape %arg2 : memref<8192x8xf32, #tpu.memory_space<hbm>> -> memref<16x512x8xf32, #tpu.memory_space<hbm>>
    %dma_wait3A_23 = arith.constant 0 : i32
    %dma_wait3A_24 = arith.constant 0 : i32
    %dma_wait3A_25 = tpu.memref_slice %dma_wait3A_22[%arg1, %dma_wait3A_23, %dma_wait3A_24] : memref<16x512x8xf32, #tpu.memory_space<hbm>> -> memref<1x512x8xf32, #tpu.memory_space<hbm>>
    %dma_wait3A_26 = tpu.memref_squeeze %dma_wait3A_25 : memref<1x512x8xf32, #tpu.memory_space<hbm>> -> memref<512x8xf32, #tpu.memory_space<hbm>>
    tpu.wait_dma2 semaphore(%arg19 : memref<!tpu.dma_semaphore, #tpu.memory_space<semaphore_mem>>) src(%dma_wait3A_26 : memref<512x8xf32, #tpu.memory_space<hbm>>) dst(%arg8 : memref<512x8xf32, #tpu.memory_space<vmem>>)
    %dma_wait3A_27 = tpu.memref_slice %arg3[%mul3A_0] : memref<8192xi32, #tpu.memory_space<hbm>> -> memref<512xi32, #tpu.memory_space<hbm>>
    %dma_wait3A_28 = tpu.memref_slice %arg3[%mul3A_0] : memref<8192xi32, #tpu.memory_space<hbm>> -> memref<512xi32, #tpu.memory_space<hbm>>
    tpu.wait_dma2 semaphore(%arg19 : memref<!tpu.dma_semaphore, #tpu.memory_space<semaphore_mem>>) src(%dma_wait3A_28 : memref<512xi32, #tpu.memory_space<hbm>>) dst(%arg9 : memref<512xi32, #tpu.memory_space<vmem>>)
    %dma_wait3A_29 = arith.constant 0 : i32
    %dma_wait3A_30 = tpu.memref_slice %arg10[%dma_wait3A_29] : memref<16xi32, #tpu.memory_space<vmem>> -> memref<9xi32, #tpu.memory_space<vmem>>
    %dma_wait3A_31 = arith.constant 0 : i32
    %dma_wait3A_32 = tpu.memref_slice %arg10[%dma_wait3A_31] : memref<16xi32, #tpu.memory_space<vmem>> -> memref<9xi32, #tpu.memory_space<vmem>>
    tpu.wait_dma2 semaphore(%arg19 : memref<!tpu.dma_semaphore, #tpu.memory_space<semaphore_mem>>) src(%arg4 : memref<9xi32, #tpu.memory_space<hbm>>) dst(%dma_wait3A_32 : memref<9xi32, #tpu.memory_space<vmem>>)
    tpu.wait_dma2 semaphore(%arg19 : memref<!tpu.dma_semaphore, #tpu.memory_space<semaphore_mem>>) src(%arg5 : memref<8x64xf32, #tpu.memory_space<hbm>>) dst(%arg11 : memref<8x64xf32, #tpu.memory_space<vmem>>)
    tpu.wait_dma2 semaphore(%arg19 : memref<!tpu.dma_semaphore, #tpu.memory_space<semaphore_mem>>) src(%arg6 : memref<8x64xf32, #tpu.memory_space<hbm>>) dst(%arg12 : memref<8x64xf32, #tpu.memory_space<vmem>>)
    %broadcast_in_dim3A = arith.constant 0.000000e+00 : f32
    %broadcast_in_dim3A_33 = vector.broadcast %broadcast_in_dim3A : f32 to vector<16xf32>
    %swap3A = arith.constant 0 : index
    %swap3A_34 = tpu.vector_load %arg13[%swap3A] {strides = array<i32>} : memref<128xf32, #tpu.memory_space<vmem>>, vector<16xf32>,
    tpu.vector_store %arg13[%swap3A], %broadcast_in_dim3A_33 {strides = array<i32>} : memref<128xf32, #tpu.memory_space<vmem>>, vector<16xf32>,
    %swap3A_35 = arith.constant 16 : index
    %swap3A_36 = tpu.vector_load %arg13[%swap3A_35] {strides = array<i32>} : memref<128xf32, #tpu.memory_space<vmem>>, vector<16xf32>,
    tpu.vector_store %arg13[%swap3A_35], %broadcast_in_dim3A_33 {strides = array<i32>} : memref<128xf32, #tpu.memory_space<vmem>>, vector<16xf32>,
    %swap3A_37 = arith.constant 32 : index
    %swap3A_38 = tpu.vector_load %arg13[%swap3A_37] {strides = array<i32>} : memref<128xf32, #tpu.memory_space<vmem>>, vector<16xf32>,
    tpu.vector_store %arg13[%swap3A_37], %broadcast_in_dim3A_33 {strides = array<i32>} : memref<128xf32, #tpu.memory_space<vmem>>, vector<16xf32>,
    %swap3A_39 = arith.constant 48 : index
    %swap3A_40 = tpu.vector_load %arg13[%swap3A_39] {strides = array<i32>} : memref<128xf32, #tpu.memory_space<vmem>>, vector<16xf32>,
    tpu.vector_store %arg13[%swap3A_39], %broadcast_in_dim3A_33 {strides = array<i32>} : memref<128xf32, #tpu.memory_space<vmem>>, vector<16xf32>,
    %swap3A_41 = arith.constant 64 : index
    %swap3A_42 = tpu.vector_load %arg13[%swap3A_41] {strides = array<i32>} : memref<128xf32, #tpu.memory_space<vmem>>, vector<16xf32>,
    tpu.vector_store %arg13[%swap3A_41], %broadcast_in_dim3A_33 {strides = array<i32>} : memref<128xf32, #tpu.memory_space<vmem>>, vector<16xf32>,
    %swap3A_43 = arith.constant 80 : index
    %swap3A_44 = tpu.vector_load %arg13[%swap3A_43] {strides = array<i32>} : memref<128xf32, #tpu.memory_space<vmem>>, vector<16xf32>,
    tpu.vector_store %arg13[%swap3A_43], %broadcast_in_dim3A_33 {strides = array<i32>} : memref<128xf32, #tpu.memory_space<vmem>>, vector<16xf32>,
    %swap3A_45 = arith.constant 96 : index
    %swap3A_46 = tpu.vector_load %arg13[%swap3A_45] {strides = array<i32>} : memref<128xf32, #tpu.memory_space<vmem>>, vector<16xf32>,
    tpu.vector_store %arg13[%swap3A_45], %broadcast_in_dim3A_33 {strides = array<i32>} : memref<128xf32, #tpu.memory_space<vmem>>, vector<16xf32>,
    %swap3A_47 = arith.constant 112 : index
    %swap3A_48 = tpu.vector_load %arg13[%swap3A_47] {strides = array<i32>} : memref<128xf32, #tpu.memory_space<vmem>>, vector<16xf32>,
    tpu.vector_store %arg13[%swap3A_47], %broadcast_in_dim3A_33 {strides = array<i32>} : memref<128xf32, #tpu.memory_space<vmem>>, vector<16xf32>,
    %iota3A = tpu.iota {dimensions = array<i32: 0>} : vector<16xi32>
    %get3A = arith.constant 0 : index
    %get3A_49 = tpu.vector_load %arg10[%get3A] {strides = array<i32>} : memref<16xi32, #tpu.memory_space<vmem>>, vector<16xi32>,
    %broadcast_in_dim3A_50 = arith.constant 1 : i32
    %broadcast_in_dim3A_51 = vector.broadcast %broadcast_in_dim3A_50 : i32 to vector<16xi32>
    %lt3A = arith.constant 0 : i32
    %lt3A_52 = vector.broadcast %lt3A : i32 to vector<16xi32>
    %lt3A_53 = arith.cmpi slt, %broadcast_in_dim3A_51, %lt3A_52 : vector<16xi32>
    %add3A_54 = arith.constant 16 : i32
    %add3A_55 = vector.broadcast %add3A_54 : i32 to vector<16xi32>
    %add3A_56 = arith.addi %broadcast_in_dim3A_51, %add3A_55 : vector<16xi32>
    %select_n3A = arith.select %lt3A_53, %add3A_56, %broadcast_in_dim3A_51 : vector<16xi1>, vector<16xi32>
    %reshape3A = vector.shape_cast %select_n3A : vector<16xi32> to vector<16x1xi32>
    %gather3A = vector.shape_cast %reshape3A : vector<16x1xi32> to vector<16xi32>
    %gather3A_57 = tpu.dynamic_gather %get3A_49[%gather3A] in [0] : vector<16xi32>, vector<16xi32> -> vector<16xi32>
    %broadcast_in_dim3A_58 = arith.constant 2 : i32
    %broadcast_in_dim3A_59 = vector.broadcast %broadcast_in_dim3A_58 : i32 to vector<16xi32>
    %lt3A_60 = arith.constant 0 : i32
    %lt3A_61 = vector.broadcast %lt3A_60 : i32 to vector<16xi32>
    %lt3A_62 = arith.cmpi slt, %broadcast_in_dim3A_59, %lt3A_61 : vector<16xi32>
    %add3A_63 = arith.constant 16 : i32
    %add3A_64 = vector.broadcast %add3A_63 : i32 to vector<16xi32>
    %add3A_65 = arith.addi %broadcast_in_dim3A_59, %add3A_64 : vector<16xi32>
    %select_n3A_66 = arith.select %lt3A_62, %add3A_65, %broadcast_in_dim3A_59 : vector<16xi1>, vector<16xi32>
    %reshape3A_67 = vector.shape_cast %select_n3A_66 : vector<16xi32> to vector<16x1xi32>
    %gather3A_68 = vector.shape_cast %reshape3A_67 : vector<16x1xi32> to vector<16xi32>
    %gather3A_69 = tpu.dynamic_gather %get3A_49[%gather3A_68] in [0] : vector<16xi32>, vector<16xi32> -> vector<16xi32>
    %broadcast_in_dim3A_70 = arith.constant 3 : i32
    %broadcast_in_dim3A_71 = vector.broadcast %broadcast_in_dim3A_70 : i32 to vector<16xi32>
    %lt3A_72 = arith.constant 0 : i32
    %lt3A_73 = vector.broadcast %lt3A_72 : i32 to vector<16xi32>
    %lt3A_74 = arith.cmpi slt, %broadcast_in_dim3A_71, %lt3A_73 : vector<16xi32>
    %add3A_75 = arith.constant 16 : i32
    %add3A_76 = vector.broadcast %add3A_75 : i32 to vector<16xi32>
    %add3A_77 = arith.addi %broadcast_in_dim3A_71, %add3A_76 : vector<16xi32>
    %select_n3A_78 = arith.select %lt3A_74, %add3A_77, %broadcast_in_dim3A_71 : vector<16xi1>, vector<16xi32>
    %reshape3A_79 = vector.shape_cast %select_n3A_78 : vector<16xi32> to vector<16x1xi32>
    %gather3A_80 = vector.shape_cast %reshape3A_79 : vector<16x1xi32> to vector<16xi32>
    %gather3A_81 = tpu.dynamic_gather %get3A_49[%gather3A_80] in [0] : vector<16xi32>, vector<16xi32> -> vector<16xi32>
    %broadcast_in_dim3A_82 = arith.constant 4 : i32
    %broadcast_in_dim3A_83 = vector.broadcast %broadcast_in_dim3A_82 : i32 to vector<16xi32>
    %lt3A_84 = arith.constant 0 : i32
    %lt3A_85 = vector.broadcast %lt3A_84 : i32 to vector<16xi32>
    %lt3A_86 = arith.cmpi slt, %broadcast_in_dim3A_83, %lt3A_85 : vector<16xi32>
    %add3A_87 = arith.constant 16 : i32
    %add3A_88 = vector.broadcast %add3A_87 : i32 to vector<16xi32>
    %add3A_89 = arith.addi %broadcast_in_dim3A_83, %add3A_88 : vector<16xi32>
    %select_n3A_90 = arith.select %lt3A_86, %add3A_89, %broadcast_in_dim3A_83 : vector<16xi1>, vector<16xi32>
    %reshape3A_91 = vector.shape_cast %select_n3A_90 : vector<16xi32> to vector<16x1xi32>
    %gather3A_92 = vector.shape_cast %reshape3A_91 : vector<16x1xi32> to vector<16xi32>
    %gather3A_93 = tpu.dynamic_gather %get3A_49[%gather3A_92] in [0] : vector<16xi32>, vector<16xi32> -> vector<16xi32>
    %broadcast_in_dim3A_94 = arith.constant 5 : i32
    %broadcast_in_dim3A_95 = vector.broadcast %broadcast_in_dim3A_94 : i32 to vector<16xi32>
    %lt3A_96 = arith.constant 0 : i32
    %lt3A_97 = vector.broadcast %lt3A_96 : i32 to vector<16xi32>
    %lt3A_98 = arith.cmpi slt, %broadcast_in_dim3A_95, %lt3A_97 : vector<16xi32>
    %add3A_99 = arith.constant 16 : i32
    %add3A_100 = vector.broadcast %add3A_99 : i32 to vector<16xi32>
    %add3A_101 = arith.addi %broadcast_in_dim3A_95, %add3A_100 : vector<16xi32>
    %select_n3A_102 = arith.select %lt3A_98, %add3A_101, %broadcast_in_dim3A_95 : vector<16xi1>, vector<16xi32>
    %reshape3A_103 = vector.shape_cast %select_n3A_102 : vector<16xi32> to vector<16x1xi32>
    %gather3A_104 = vector.shape_cast %reshape3A_103 : vector<16x1xi32> to vector<16xi32>
    %gather3A_105 = tpu.dynamic_gather %get3A_49[%gather3A_104] in [0] : vector<16xi32>, vector<16xi32> -> vector<16xi32>
    %broadcast_in_dim3A_106 = arith.constant 6 : i32
    %broadcast_in_dim3A_107 = vector.broadcast %broadcast_in_dim3A_106 : i32 to vector<16xi32>
    %lt3A_108 = arith.constant 0 : i32
    %lt3A_109 = vector.broadcast %lt3A_108 : i32 to vector<16xi32>
    %lt3A_110 = arith.cmpi slt, %broadcast_in_dim3A_107, %lt3A_109 : vector<16xi32>
    %add3A_111 = arith.constant 16 : i32
    %add3A_112 = vector.broadcast %add3A_111 : i32 to vector<16xi32>
    %add3A_113 = arith.addi %broadcast_in_dim3A_107, %add3A_112 : vector<16xi32>
    %select_n3A_114 = arith.select %lt3A_110, %add3A_113, %broadcast_in_dim3A_107 : vector<16xi1>, vector<16xi32>
    %reshape3A_115 = vector.shape_cast %select_n3A_114 : vector<16xi32> to vector<16x1xi32>
    %gather3A_116 = vector.shape_cast %reshape3A_115 : vector<16x1xi32> to vector<16xi32>
    %gather3A_117 = tpu.dynamic_gather %get3A_49[%gather3A_116] in [0] : vector<16xi32>, vector<16xi32> -> vector<16xi32>
    %broadcast_in_dim3A_118 = arith.constant 7 : i32
    %broadcast_in_dim3A_119 = vector.broadcast %broadcast_in_dim3A_118 : i32 to vector<16xi32>
    %lt3A_120 = arith.constant 0 : i32
    %lt3A_121 = vector.broadcast %lt3A_120 : i32 to vector<16xi32>
    %lt3A_122 = arith.cmpi slt, %broadcast_in_dim3A_119, %lt3A_121 : vector<16xi32>
    %add3A_123 = arith.constant 16 : i32
    %add3A_124 = vector.broadcast %add3A_123 : i32 to vector<16xi32>
    %add3A_125 = arith.addi %broadcast_in_dim3A_119, %add3A_124 : vector<16xi32>
    %select_n3A_126 = arith.select %lt3A_122, %add3A_125, %broadcast_in_dim3A_119 : vector<16xi1>, vector<16xi32>
    %reshape3A_127 = vector.shape_cast %select_n3A_126 : vector<16xi32> to vector<16x1xi32>
    %gather3A_128 = vector.shape_cast %reshape3A_127 : vector<16x1xi32> to vector<16xi32>
    %gather3A_129 = tpu.dynamic_gather %get3A_49[%gather3A_128] in [0] : vector<16xi32>, vector<16xi32> -> vector<16xi32>
    %ge3A = arith.constant 8 : i32
    %ge3A_130 = vector.broadcast %ge3A : i32 to vector<16xi32>
    %ge3A_131 = arith.cmpi sge, %iota3A, %ge3A_130 : vector<16xi32>
    %jit3A = arith.constant 1 : i32
    %jit3A_132 = arith.constant 0 : i32
    %broadcast_in_dim3A_133 = vector.broadcast %jit3A : i32 to vector<16xi32>
    %broadcast_in_dim3A_134 = vector.broadcast %jit3A_132 : i32 to vector<16xi32>
    %select_n3A_135 = arith.select %ge3A_131, %broadcast_in_dim3A_133, %broadcast_in_dim3A_134 : vector<16xi1>, vector<16xi32>
    %mul3A_136 = arith.constant 8 : i32
    %mul3A_137 = vector.broadcast %mul3A_136 : i32 to vector<16xi32>
    %mul3A_138 = arith.muli %mul3A_137, %select_n3A_135 : vector<16xi32>
    %sub3A = arith.subi %iota3A, %mul3A_138 : vector<16xi32>
    %broadcast_in_dim3A_139 = arith.constant 1.000000e+00 : f32
    %broadcast_in_dim3A_140 = vector.broadcast %broadcast_in_dim3A_139 : f32 to vector<16xf32>
    %scan3A = arith.constant 0 : i32
    %scan3A_141 = arith.constant 0 : i32
    %scan3A_142 = arith.constant 32 : i32
    %scan3A_143 = arith.addi %scan3A_141, %scan3A_142 : i32
    %scan3A_144 = arith.constant 1 : i32
    scf.for %scan3A_426 = %scan3A_141 to %scan3A_143 step %scan3A_144  : i32 {
      %mul3A_427 = arith.constant 16 : i32
      %mul3A_428 = arith.muli %scan3A_426, %mul3A_427 : i32
      %add3A_429 = arith.addi %mul3A_0, %mul3A_428 : i32
      %broadcast_in_dim3A_430 = vector.broadcast %add3A_429 : i32 to vector<16xi32>
      %add3A_431 = arith.addi %broadcast_in_dim3A_430, %iota3A : vector<16xi32>
      %mul3A_432 = arith.constant 16 : i32
      %mul3A_433 = arith.muli %scan3A_426, %mul3A_432 : i32
      %get3A_434 = arith.index_cast %mul3A_433 : i32 to index
      %get3A_435 = tpu.vector_load %arg9[%get3A_434] {strides = array<i32>} : memref<512xi32, #tpu.memory_space<vmem>>, vector<16xi32>,
      %broadcast_in_dim3A_436 = arith.constant 0 : i32
      %broadcast_in_dim3A_437 = vector.broadcast %broadcast_in_dim3A_436 : i32 to vector<16xi32>
      %ge3A_438 = arith.cmpi sge, %add3A_431, %gather3A_57 : vector<16xi32>
      %jit3A_439 = arith.constant 1 : i32
      %jit3A_440 = arith.constant 0 : i32
      %broadcast_in_dim3A_441 = vector.broadcast %jit3A_439 : i32 to vector<16xi32>
      %broadcast_in_dim3A_442 = vector.broadcast %jit3A_440 : i32 to vector<16xi32>
      %select_n3A_443 = arith.select %ge3A_438, %broadcast_in_dim3A_441, %broadcast_in_dim3A_442 : vector<16xi1>, vector<16xi32>
      %add3A_444 = arith.addi %broadcast_in_dim3A_437, %select_n3A_443 : vector<16xi32>
      %ge3A_445 = arith.cmpi sge, %add3A_431, %gather3A_69 : vector<16xi32>
      %jit3A_446 = arith.constant 1 : i32
      %jit3A_447 = arith.constant 0 : i32
      %broadcast_in_dim3A_448 = vector.broadcast %jit3A_446 : i32 to vector<16xi32>
      %broadcast_in_dim3A_449 = vector.broadcast %jit3A_447 : i32 to vector<16xi32>
      %select_n3A_450 = arith.select %ge3A_445, %broadcast_in_dim3A_448, %broadcast_in_dim3A_449 : vector<16xi1>, vector<16xi32>
      %add3A_451 = arith.addi %add3A_444, %select_n3A_450 : vector<16xi32>
      %ge3A_452 = arith.cmpi sge, %add3A_431, %gather3A_81 : vector<16xi32>
      %jit3A_453 = arith.constant 1 : i32
      %jit3A_454 = arith.constant 0 : i32
      %broadcast_in_dim3A_455 = vector.broadcast %jit3A_453 : i32 to vector<16xi32>
      %broadcast_in_dim3A_456 = vector.broadcast %jit3A_454 : i32 to vector<16xi32>
      %select_n3A_457 = arith.select %ge3A_452, %broadcast_in_dim3A_455, %broadcast_in_dim3A_456 : vector<16xi1>, vector<16xi32>
      %add3A_458 = arith.addi %add3A_451, %select_n3A_457 : vector<16xi32>
      %ge3A_459 = arith.cmpi sge, %add3A_431, %gather3A_93 : vector<16xi32>
      %jit3A_460 = arith.constant 1 : i32
      %jit3A_461 = arith.constant 0 : i32
      %broadcast_in_dim3A_462 = vector.broadcast %jit3A_460 : i32 to vector<16xi32>
      %broadcast_in_dim3A_463 = vector.broadcast %jit3A_461 : i32 to vector<16xi32>
      %select_n3A_464 = arith.select %ge3A_459, %broadcast_in_dim3A_462, %broadcast_in_dim3A_463 : vector<16xi1>, vector<16xi32>
      %add3A_465 = arith.addi %add3A_458, %select_n3A_464 : vector<16xi32>
      %ge3A_466 = arith.cmpi sge, %add3A_431, %gather3A_105 : vector<16xi32>
      %jit3A_467 = arith.constant 1 : i32
      %jit3A_468 = arith.constant 0 : i32
      %broadcast_in_dim3A_469 = vector.broadcast %jit3A_467 : i32 to vector<16xi32>
      %broadcast_in_dim3A_470 = vector.broadcast %jit3A_468 : i32 to vector<16xi32>
      %select_n3A_471 = arith.select %ge3A_466, %broadcast_in_dim3A_469, %broadcast_in_dim3A_470 : vector<16xi1>, vector<16xi32>
      %add3A_472 = arith.addi %add3A_465, %select_n3A_471 : vector<16xi32>
      %ge3A_473 = arith.cmpi sge, %add3A_431, %gather3A_117 : vector<16xi32>
      %jit3A_474 = arith.constant 1 : i32
      %jit3A_475 = arith.constant 0 : i32
      %broadcast_in_dim3A_476 = vector.broadcast %jit3A_474 : i32 to vector<16xi32>
      %broadcast_in_dim3A_477 = vector.broadcast %jit3A_475 : i32 to vector<16xi32>
      %select_n3A_478 = arith.select %ge3A_473, %broadcast_in_dim3A_476, %broadcast_in_dim3A_477 : vector<16xi1>, vector<16xi32>
      %add3A_479 = arith.addi %add3A_472, %select_n3A_478 : vector<16xi32>
      %ge3A_480 = arith.cmpi sge, %add3A_431, %gather3A_129 : vector<16xi32>
      %jit3A_481 = arith.constant 1 : i32
      %jit3A_482 = arith.constant 0 : i32
      %broadcast_in_dim3A_483 = vector.broadcast %jit3A_481 : i32 to vector<16xi32>
      %broadcast_in_dim3A_484 = vector.broadcast %jit3A_482 : i32 to vector<16xi32>
      %select_n3A_485 = arith.select %ge3A_480, %broadcast_in_dim3A_483, %broadcast_in_dim3A_484 : vector<16xi1>, vector<16xi32>
      %add3A_486 = arith.addi %add3A_479, %select_n3A_485 : vector<16xi32>
      %mul3A_487 = arith.constant 16 : i32
      %mul3A_488 = vector.broadcast %mul3A_487 : i32 to vector<16xi32>
      %mul3A_489 = arith.muli %add3A_486, %mul3A_488 : vector<16xi32>
      %add3A_490 = arith.constant 8 : i32
      %add3A_491 = vector.broadcast %add3A_490 : i32 to vector<16xi32>
      %add3A_492 = arith.addi %add3A_491, %get3A_435 : vector<16xi32>
      %add3A_493 = arith.addi %mul3A_489, %add3A_492 : vector<16xi32>
      tpu.vector_store_idx %arg13[%add3A_493], %broadcast_in_dim3A_140 {add = true} : memref<128xf32, #tpu.memory_space<vmem>>[vector<16xi32>], vector<16xf32>,
      %mul3A_494 = arith.constant 16 : i32
      %mul3A_495 = arith.muli %scan3A_426, %mul3A_494 : i32
      %add3A_496 = arith.constant 0 : i32
      %add3A_497 = arith.addi %mul3A_495, %add3A_496 : i32
      %broadcast_in_dim3A_498 = vector.broadcast %add3A_497 : i32 to vector<16xi32>
      %add3A_499 = arith.addi %broadcast_in_dim3A_498, %select_n3A_135 : vector<16xi32>
      %gather3A_500 = tpu.vector_load_idx %arg8[%add3A_499, %sub3A] : memref<512x8xf32, #tpu.memory_space<vmem>>[vector<16xi32>, vector<16xi32>], vector<16xf32>,
      %broadcast_in_dim3A_501 = arith.constant 0 : i32
      %broadcast_in_dim3A_502 = vector.broadcast %broadcast_in_dim3A_501 : i32 to vector<16xi32>
      %add3A_503 = arith.addi %broadcast_in_dim3A_502, %select_n3A_135 : vector<16xi32>
      %lt3A_504 = arith.constant 0 : i32
      %lt3A_505 = vector.broadcast %lt3A_504 : i32 to vector<16xi32>
      %lt3A_506 = arith.cmpi slt, %add3A_503, %lt3A_505 : vector<16xi32>
      %add3A_507 = arith.constant 16 : i32
      %add3A_508 = vector.broadcast %add3A_507 : i32 to vector<16xi32>
      %add3A_509 = arith.addi %add3A_503, %add3A_508 : vector<16xi32>
      %select_n3A_510 = arith.select %lt3A_506, %add3A_509, %add3A_503 : vector<16xi1>, vector<16xi32>
      %reshape3A_511 = vector.shape_cast %select_n3A_510 : vector<16xi32> to vector<16x1xi32>
      %gather3A_512 = vector.shape_cast %reshape3A_511 : vector<16x1xi32> to vector<16xi32>
      %gather3A_513 = tpu.dynamic_gather %add3A_486[%gather3A_512] in [0] : vector<16xi32>, vector<16xi32> -> vector<16xi32>
      %mul3A_514 = arith.constant 16 : i32
      %mul3A_515 = vector.broadcast %mul3A_514 : i32 to vector<16xi32>
      %mul3A_516 = arith.muli %gather3A_513, %mul3A_515 : vector<16xi32>
      %add3A_517 = arith.addi %mul3A_516, %sub3A : vector<16xi32>
      tpu.vector_store_idx %arg13[%add3A_517], %gather3A_500 {add = true} : memref<128xf32, #tpu.memory_space<vmem>>[vector<16xi32>], vector<16xf32>,
      %mul3A_518 = arith.constant 16 : i32
      %mul3A_519 = arith.muli %scan3A_426, %mul3A_518 : i32
      %add3A_520 = arith.constant 2 : i32
      %add3A_521 = arith.addi %mul3A_519, %add3A_520 : i32
      %broadcast_in_dim3A_522 = vector.broadcast %add3A_521 : i32 to vector<16xi32>
      %add3A_523 = arith.addi %broadcast_in_dim3A_522, %select_n3A_135 : vector<16xi32>
      %gather3A_524 = tpu.vector_load_idx %arg8[%add3A_523, %sub3A] : memref<512x8xf32, #tpu.memory_space<vmem>>[vector<16xi32>, vector<16xi32>], vector<16xf32>,
      %broadcast_in_dim3A_525 = arith.constant 2 : i32
      %broadcast_in_dim3A_526 = vector.broadcast %broadcast_in_dim3A_525 : i32 to vector<16xi32>
      %add3A_527 = arith.addi %broadcast_in_dim3A_526, %select_n3A_135 : vector<16xi32>
      %lt3A_528 = arith.constant 0 : i32
      %lt3A_529 = vector.broadcast %lt3A_528 : i32 to vector<16xi32>
      %lt3A_530 = arith.cmpi slt, %add3A_527, %lt3A_529 : vector<16xi32>
      %add3A_531 = arith.constant 16 : i32
      %add3A_532 = vector.broadcast %add3A_531 : i32 to vector<16xi32>
      %add3A_533 = arith.addi %add3A_527, %add3A_532 : vector<16xi32>
      %select_n3A_534 = arith.select %lt3A_530, %add3A_533, %add3A_527 : vector<16xi1>, vector<16xi32>
      %reshape3A_535 = vector.shape_cast %select_n3A_534 : vector<16xi32> to vector<16x1xi32>
      %gather3A_536 = vector.shape_cast %reshape3A_535 : vector<16x1xi32> to vector<16xi32>
      %gather3A_537 = tpu.dynamic_gather %add3A_486[%gather3A_536] in [0] : vector<16xi32>, vector<16xi32> -> vector<16xi32>
      %mul3A_538 = arith.constant 16 : i32
      %mul3A_539 = vector.broadcast %mul3A_538 : i32 to vector<16xi32>
      %mul3A_540 = arith.muli %gather3A_537, %mul3A_539 : vector<16xi32>
      %add3A_541 = arith.addi %mul3A_540, %sub3A : vector<16xi32>
      tpu.vector_store_idx %arg13[%add3A_541], %gather3A_524 {add = true} : memref<128xf32, #tpu.memory_space<vmem>>[vector<16xi32>], vector<16xf32>,
      %mul3A_542 = arith.constant 16 : i32
      %mul3A_543 = arith.muli %scan3A_426, %mul3A_542 : i32
      %add3A_544 = arith.constant 4 : i32
      %add3A_545 = arith.addi %mul3A_543, %add3A_544 : i32
      %broadcast_in_dim3A_546 = vector.broadcast %add3A_545 : i32 to vector<16xi32>
      %add3A_547 = arith.addi %broadcast_in_dim3A_546, %select_n3A_135 : vector<16xi32>
      %gather3A_548 = tpu.vector_load_idx %arg8[%add3A_547, %sub3A] : memref<512x8xf32, #tpu.memory_space<vmem>>[vector<16xi32>, vector<16xi32>], vector<16xf32>,
      %broadcast_in_dim3A_549 = arith.constant 4 : i32
      %broadcast_in_dim3A_550 = vector.broadcast %broadcast_in_dim3A_549 : i32 to vector<16xi32>
      %add3A_551 = arith.addi %broadcast_in_dim3A_550, %select_n3A_135 : vector<16xi32>
      %lt3A_552 = arith.constant 0 : i32
      %lt3A_553 = vector.broadcast %lt3A_552 : i32 to vector<16xi32>
      %lt3A_554 = arith.cmpi slt, %add3A_551, %lt3A_553 : vector<16xi32>
      %add3A_555 = arith.constant 16 : i32
      %add3A_556 = vector.broadcast %add3A_555 : i32 to vector<16xi32>
      %add3A_557 = arith.addi %add3A_551, %add3A_556 : vector<16xi32>
      %select_n3A_558 = arith.select %lt3A_554, %add3A_557, %add3A_551 : vector<16xi1>, vector<16xi32>
      %reshape3A_559 = vector.shape_cast %select_n3A_558 : vector<16xi32> to vector<16x1xi32>
      %gather3A_560 = vector.shape_cast %reshape3A_559 : vector<16x1xi32> to vector<16xi32>
      %gather3A_561 = tpu.dynamic_gather %add3A_486[%gather3A_560] in [0] : vector<16xi32>, vector<16xi32> -> vector<16xi32>
      %mul3A_562 = arith.constant 16 : i32
      %mul3A_563 = vector.broadcast %mul3A_562 : i32 to vector<16xi32>
      %mul3A_564 = arith.muli %gather3A_561, %mul3A_563 : vector<16xi32>
      %add3A_565 = arith.addi %mul3A_564, %sub3A : vector<16xi32>
      tpu.vector_store_idx %arg13[%add3A_565], %gather3A_548 {add = true} : memref<128xf32, #tpu.memory_space<vmem>>[vector<16xi32>], vector<16xf32>,
      %mul3A_566 = arith.constant 16 : i32
      %mul3A_567 = arith.muli %scan3A_426, %mul3A_566 : i32
      %add3A_568 = arith.constant 6 : i32
      %add3A_569 = arith.addi %mul3A_567, %add3A_568 : i32
      %broadcast_in_dim3A_570 = vector.broadcast %add3A_569 : i32 to vector<16xi32>
      %add3A_571 = arith.addi %broadcast_in_dim3A_570, %select_n3A_135 : vector<16xi32>
      %gather3A_572 = tpu.vector_load_idx %arg8[%add3A_571, %sub3A] : memref<512x8xf32, #tpu.memory_space<vmem>>[vector<16xi32>, vector<16xi32>], vector<16xf32>,
      %broadcast_in_dim3A_573 = arith.constant 6 : i32
      %broadcast_in_dim3A_574 = vector.broadcast %broadcast_in_dim3A_573 : i32 to vector<16xi32>
      %add3A_575 = arith.addi %broadcast_in_dim3A_574, %select_n3A_135 : vector<16xi32>
      %lt3A_576 = arith.constant 0 : i32
      %lt3A_577 = vector.broadcast %lt3A_576 : i32 to vector<16xi32>
      %lt3A_578 = arith.cmpi slt, %add3A_575, %lt3A_577 : vector<16xi32>
      %add3A_579 = arith.constant 16 : i32
      %add3A_580 = vector.broadcast %add3A_579 : i32 to vector<16xi32>
      %add3A_581 = arith.addi %add3A_575, %add3A_580 : vector<16xi32>
      %select_n3A_582 = arith.select %lt3A_578, %add3A_581, %add3A_575 : vector<16xi1>, vector<16xi32>
      %reshape3A_583 = vector.shape_cast %select_n3A_582 : vector<16xi32> to vector<16x1xi32>
      %gather3A_584 = vector.shape_cast %reshape3A_583 : vector<16x1xi32> to vector<16xi32>
      %gather3A_585 = tpu.dynamic_gather %add3A_486[%gather3A_584] in [0] : vector<16xi32>, vector<16xi32> -> vector<16xi32>
      %mul3A_586 = arith.constant 16 : i32
      %mul3A_587 = vector.broadcast %mul3A_586 : i32 to vector<16xi32>
      %mul3A_588 = arith.muli %gather3A_585, %mul3A_587 : vector<16xi32>
      %add3A_589 = arith.addi %mul3A_588, %sub3A : vector<16xi32>
      tpu.vector_store_idx %arg13[%add3A_589], %gather3A_572 {add = true} : memref<128xf32, #tpu.memory_space<vmem>>[vector<16xi32>], vector<16xf32>,
      %mul3A_590 = arith.constant 16 : i32
      %mul3A_591 = arith.muli %scan3A_426, %mul3A_590 : i32
      %add3A_592 = arith.constant 8 : i32
      %add3A_593 = arith.addi %mul3A_591, %add3A_592 : i32
      %broadcast_in_dim3A_594 = vector.broadcast %add3A_593 : i32 to vector<16xi32>
      %add3A_595 = arith.addi %broadcast_in_dim3A_594, %select_n3A_135 : vector<16xi32>
      %gather3A_596 = tpu.vector_load_idx %arg8[%add3A_595, %sub3A] : memref<512x8xf32, #tpu.memory_space<vmem>>[vector<16xi32>, vector<16xi32>], vector<16xf32>,
      %broadcast_in_dim3A_597 = arith.constant 8 : i32
      %broadcast_in_dim3A_598 = vector.broadcast %broadcast_in_dim3A_597 : i32 to vector<16xi32>
      %add3A_599 = arith.addi %broadcast_in_dim3A_598, %select_n3A_135 : vector<16xi32>
      %lt3A_600 = arith.constant 0 : i32
      %lt3A_601 = vector.broadcast %lt3A_600 : i32 to vector<16xi32>
      %lt3A_602 = arith.cmpi slt, %add3A_599, %lt3A_601 : vector<16xi32>
      %add3A_603 = arith.constant 16 : i32
      %add3A_604 = vector.broadcast %add3A_603 : i32 to vector<16xi32>
      %add3A_605 = arith.addi %add3A_599, %add3A_604 : vector<16xi32>
      %select_n3A_606 = arith.select %lt3A_602, %add3A_605, %add3A_599 : vector<16xi1>, vector<16xi32>
      %reshape3A_607 = vector.shape_cast %select_n3A_606 : vector<16xi32> to vector<16x1xi32>
      %gather3A_608 = vector.shape_cast %reshape3A_607 : vector<16x1xi32> to vector<16xi32>
      %gather3A_609 = tpu.dynamic_gather %add3A_486[%gather3A_608] in [0] : vector<16xi32>, vector<16xi32> -> vector<16xi32>
      %mul3A_610 = arith.constant 16 : i32
      %mul3A_611 = vector.broadcast %mul3A_610 : i32 to vector<16xi32>
      %mul3A_612 = arith.muli %gather3A_609, %mul3A_611 : vector<16xi32>
      %add3A_613 = arith.addi %mul3A_612, %sub3A : vector<16xi32>
      tpu.vector_store_idx %arg13[%add3A_613], %gather3A_596 {add = true} : memref<128xf32, #tpu.memory_space<vmem>>[vector<16xi32>], vector<16xf32>,
      %mul3A_614 = arith.constant 16 : i32
      %mul3A_615 = arith.muli %scan3A_426, %mul3A_614 : i32
      %add3A_616 = arith.constant 10 : i32
      %add3A_617 = arith.addi %mul3A_615, %add3A_616 : i32
      %broadcast_in_dim3A_618 = vector.broadcast %add3A_617 : i32 to vector<16xi32>
      %add3A_619 = arith.addi %broadcast_in_dim3A_618, %select_n3A_135 : vector<16xi32>
      %gather3A_620 = tpu.vector_load_idx %arg8[%add3A_619, %sub3A] : memref<512x8xf32, #tpu.memory_space<vmem>>[vector<16xi32>, vector<16xi32>], vector<16xf32>,
      %broadcast_in_dim3A_621 = arith.constant 10 : i32
      %broadcast_in_dim3A_622 = vector.broadcast %broadcast_in_dim3A_621 : i32 to vector<16xi32>
      %add3A_623 = arith.addi %broadcast_in_dim3A_622, %select_n3A_135 : vector<16xi32>
      %lt3A_624 = arith.constant 0 : i32
      %lt3A_625 = vector.broadcast %lt3A_624 : i32 to vector<16xi32>
      %lt3A_626 = arith.cmpi slt, %add3A_623, %lt3A_625 : vector<16xi32>
      %add3A_627 = arith.constant 16 : i32
      %add3A_628 = vector.broadcast %add3A_627 : i32 to vector<16xi32>
      %add3A_629 = arith.addi %add3A_623, %add3A_628 : vector<16xi32>
      %select_n3A_630 = arith.select %lt3A_626, %add3A_629, %add3A_623 : vector<16xi1>, vector<16xi32>
      %reshape3A_631 = vector.shape_cast %select_n3A_630 : vector<16xi32> to vector<16x1xi32>
      %gather3A_632 = vector.shape_cast %reshape3A_631 : vector<16x1xi32> to vector<16xi32>
      %gather3A_633 = tpu.dynamic_gather %add3A_486[%gather3A_632] in [0] : vector<16xi32>, vector<16xi32> -> vector<16xi32>
      %mul3A_634 = arith.constant 16 : i32
      %mul3A_635 = vector.broadcast %mul3A_634 : i32 to vector<16xi32>
      %mul3A_636 = arith.muli %gather3A_633, %mul3A_635 : vector<16xi32>
      %add3A_637 = arith.addi %mul3A_636, %sub3A : vector<16xi32>
      tpu.vector_store_idx %arg13[%add3A_637], %gather3A_620 {add = true} : memref<128xf32, #tpu.memory_space<vmem>>[vector<16xi32>], vector<16xf32>,
      %mul3A_638 = arith.constant 16 : i32
      %mul3A_639 = arith.muli %scan3A_426, %mul3A_638 : i32
      %add3A_640 = arith.constant 12 : i32
      %add3A_641 = arith.addi %mul3A_639, %add3A_640 : i32
      %broadcast_in_dim3A_642 = vector.broadcast %add3A_641 : i32 to vector<16xi32>
      %add3A_643 = arith.addi %broadcast_in_dim3A_642, %select_n3A_135 : vector<16xi32>
      %gather3A_644 = tpu.vector_load_idx %arg8[%add3A_643, %sub3A] : memref<512x8xf32, #tpu.memory_space<vmem>>[vector<16xi32>, vector<16xi32>], vector<16xf32>,
      %broadcast_in_dim3A_645 = arith.constant 12 : i32
      %broadcast_in_dim3A_646 = vector.broadcast %broadcast_in_dim3A_645 : i32 to vector<16xi32>
      %add3A_647 = arith.addi %broadcast_in_dim3A_646, %select_n3A_135 : vector<16xi32>
      %lt3A_648 = arith.constant 0 : i32
      %lt3A_649 = vector.broadcast %lt3A_648 : i32 to vector<16xi32>
      %lt3A_650 = arith.cmpi slt, %add3A_647, %lt3A_649 : vector<16xi32>
      %add3A_651 = arith.constant 16 : i32
      %add3A_652 = vector.broadcast %add3A_651 : i32 to vector<16xi32>
      %add3A_653 = arith.addi %add3A_647, %add3A_652 : vector<16xi32>
      %select_n3A_654 = arith.select %lt3A_650, %add3A_653, %add3A_647 : vector<16xi1>, vector<16xi32>
      %reshape3A_655 = vector.shape_cast %select_n3A_654 : vector<16xi32> to vector<16x1xi32>
      %gather3A_656 = vector.shape_cast %reshape3A_655 : vector<16x1xi32> to vector<16xi32>
      %gather3A_657 = tpu.dynamic_gather %add3A_486[%gather3A_656] in [0] : vector<16xi32>, vector<16xi32> -> vector<16xi32>
      %mul3A_658 = arith.constant 16 : i32
      %mul3A_659 = vector.broadcast %mul3A_658 : i32 to vector<16xi32>
      %mul3A_660 = arith.muli %gather3A_657, %mul3A_659 : vector<16xi32>
      %add3A_661 = arith.addi %mul3A_660, %sub3A : vector<16xi32>
      tpu.vector_store_idx %arg13[%add3A_661], %gather3A_644 {add = true} : memref<128xf32, #tpu.memory_space<vmem>>[vector<16xi32>], vector<16xf32>,
      %mul3A_662 = arith.constant 16 : i32
      %mul3A_663 = arith.muli %scan3A_426, %mul3A_662 : i32
      %add3A_664 = arith.constant 14 : i32
      %add3A_665 = arith.addi %mul3A_663, %add3A_664 : i32
      %broadcast_in_dim3A_666 = vector.broadcast %add3A_665 : i32 to vector<16xi32>
      %add3A_667 = arith.addi %broadcast_in_dim3A_666, %select_n3A_135 : vector<16xi32>
      %gather3A_668 = tpu.vector_load_idx %arg8[%add3A_667, %sub3A] : memref<512x8xf32, #tpu.memory_space<vmem>>[vector<16xi32>, vector<16xi32>], vector<16xf32>,
      %broadcast_in_dim3A_669 = arith.constant 14 : i32
      %broadcast_in_dim3A_670 = vector.broadcast %broadcast_in_dim3A_669 : i32 to vector<16xi32>
      %add3A_671 = arith.addi %broadcast_in_dim3A_670, %select_n3A_135 : vector<16xi32>
      %lt3A_672 = arith.constant 0 : i32
      %lt3A_673 = vector.broadcast %lt3A_672 : i32 to vector<16xi32>
      %lt3A_674 = arith.cmpi slt, %add3A_671, %lt3A_673 : vector<16xi32>
      %add3A_675 = arith.constant 16 : i32
      %add3A_676 = vector.broadcast %add3A_675 : i32 to vector<16xi32>
      %add3A_677 = arith.addi %add3A_671, %add3A_676 : vector<16xi32>
      %select_n3A_678 = arith.select %lt3A_674, %add3A_677, %add3A_671 : vector<16xi1>, vector<16xi32>
      %reshape3A_679 = vector.shape_cast %select_n3A_678 : vector<16xi32> to vector<16x1xi32>
      %gather3A_680 = vector.shape_cast %reshape3A_679 : vector<16x1xi32> to vector<16xi32>
      %gather3A_681 = tpu.dynamic_gather %add3A_486[%gather3A_680] in [0] : vector<16xi32>, vector<16xi32> -> vector<16xi32>
      %mul3A_682 = arith.constant 16 : i32
      %mul3A_683 = vector.broadcast %mul3A_682 : i32 to vector<16xi32>
      %mul3A_684 = arith.muli %gather3A_681, %mul3A_683 : vector<16xi32>
      %add3A_685 = arith.addi %mul3A_684, %sub3A : vector<16xi32>
      tpu.vector_store_idx %arg13[%add3A_685], %gather3A_668 {add = true} : memref<128xf32, #tpu.memory_space<vmem>>[vector<16xi32>], vector<16xf32>,
    }
    %scan3A_145 = arith.constant 32 : i32
    %mul3A_146 = arith.constant 8 : i32
    %mul3A_147 = arith.muli %arg1, %mul3A_146 : i32
    %mul3A_148 = arith.constant 16 : i32
    %mul3A_149 = arith.muli %mul3A_147, %mul3A_148 : i32
    "tpu.region"() ({
      %run_scoped3A = tpu.sem_alloc : memref<!tpu.dma_semaphore, #tpu.memory_space<semaphore_mem>>
      %dma_start3A_426 = tpu.memref_slice %arg14[%mul3A_149] : memref<2048xf32, #tpu.memory_space<vmem_shared>> -> memref<128xf32, #tpu.memory_space<vmem_shared>>
      %dma_start3A_427 = tpu.memref_slice %arg14[%mul3A_149] : memref<2048xf32, #tpu.memory_space<vmem_shared>> -> memref<128xf32, #tpu.memory_space<vmem_shared>>
      tpu.enqueue_dma source(%arg13 : memref<128xf32, #tpu.memory_space<vmem>>) target(%dma_start3A_427 : memref<128xf32, #tpu.memory_space<vmem_shared>>) target_semaphore(%run_scoped3A : memref<!tpu.dma_semaphore, #tpu.memory_space<semaphore_mem>>)
      %dma_wait3A_428 = tpu.memref_slice %arg14[%mul3A_149] : memref<2048xf32, #tpu.memory_space<vmem_shared>> -> memref<128xf32, #tpu.memory_space<vmem_shared>>
      %dma_wait3A_429 = tpu.memref_slice %arg14[%mul3A_149] : memref<2048xf32, #tpu.memory_space<vmem_shared>> -> memref<128xf32, #tpu.memory_space<vmem_shared>>
      tpu.wait_dma2 semaphore(%run_scoped3A : memref<!tpu.dma_semaphore, #tpu.memory_space<semaphore_mem>>) src(%arg13 : memref<128xf32, #tpu.memory_space<vmem>>) dst(%dma_wait3A_429 : memref<128xf32, #tpu.memory_space<vmem_shared>>)
      tpu.yield
    }) : () -> ()
    %barrier3A = arith.constant 0 : index
    tpu.barrier barrier_id(%barrier3A)
    "tpu.region"() ({
      %run_scoped3A = tpu.sem_alloc : memref<!tpu.dma_semaphore, #tpu.memory_space<semaphore_mem>>
      tpu.enqueue_dma source(%arg14 : memref<2048xf32, #tpu.memory_space<vmem_shared>>) target(%arg15 : memref<2048xf32, #tpu.memory_space<vmem>>) target_semaphore(%run_scoped3A : memref<!tpu.dma_semaphore, #tpu.memory_space<semaphore_mem>>)
      tpu.wait_dma2 semaphore(%run_scoped3A : memref<!tpu.dma_semaphore, #tpu.memory_space<semaphore_mem>>) src(%arg14 : memref<2048xf32, #tpu.memory_space<vmem_shared>>) dst(%arg15 : memref<2048xf32, #tpu.memory_space<vmem>>)
      tpu.yield
    }) : () -> ()
    %broadcast_in_dim3A_150 = arith.constant 0.000000e+00 : f32
    %broadcast_in_dim3A_151 = vector.broadcast %broadcast_in_dim3A_150 : f32 to vector<16xf32>
    %broadcast_in_dim3A_152 = arith.constant 0.000000e+00 : f32
    %broadcast_in_dim3A_153 = vector.broadcast %broadcast_in_dim3A_152 : f32 to vector<16xf32>
    %broadcast_in_dim3A_154 = arith.constant 0.000000e+00 : f32
    %broadcast_in_dim3A_155 = vector.broadcast %broadcast_in_dim3A_154 : f32 to vector<16xf32>
    %broadcast_in_dim3A_156 = arith.constant 0.000000e+00 : f32
    %broadcast_in_dim3A_157 = vector.broadcast %broadcast_in_dim3A_156 : f32 to vector<16xf32>
    %broadcast_in_dim3A_158 = arith.constant 0.000000e+00 : f32
    %broadcast_in_dim3A_159 = vector.broadcast %broadcast_in_dim3A_158 : f32 to vector<16xf32>
    %broadcast_in_dim3A_160 = arith.constant 0.000000e+00 : f32
    %broadcast_in_dim3A_161 = vector.broadcast %broadcast_in_dim3A_160 : f32 to vector<16xf32>
    %broadcast_in_dim3A_162 = arith.constant 0.000000e+00 : f32
    %broadcast_in_dim3A_163 = vector.broadcast %broadcast_in_dim3A_162 : f32 to vector<16xf32>
    %broadcast_in_dim3A_164 = arith.constant 0.000000e+00 : f32
    %broadcast_in_dim3A_165 = vector.broadcast %broadcast_in_dim3A_164 : f32 to vector<16xf32>
    %scan3A_166 = arith.constant 0 : i32
    %scan3A_167 = arith.constant 16 : i32
    %scan3A_168 = arith.addi %scan3A_166, %scan3A_167 : i32
    %scan3A_169 = arith.constant 1 : i32
    %scan3A_170:8 = scf.for %scan3A_426 = %scan3A_166 to %scan3A_168 step %scan3A_169 iter_args(%scan3A_427 = %broadcast_in_dim3A_151, %scan3A_428 = %broadcast_in_dim3A_153, %scan3A_429 = %broadcast_in_dim3A_155, %scan3A_430 = %broadcast_in_dim3A_157, %scan3A_431 = %broadcast_in_dim3A_159, %scan3A_432 = %broadcast_in_dim3A_161, %scan3A_433 = %broadcast_in_dim3A_163, %scan3A_434 = %broadcast_in_dim3A_165) -> (vector<16xf32>, vector<16xf32>, vector<16xf32>, vector<16xf32>, vector<16xf32>, vector<16xf32>, vector<16xf32>, vector<16xf32>)  : i32 {
      %mul3A_435 = arith.constant 8 : i32
      %mul3A_436 = arith.muli %scan3A_426, %mul3A_435 : i32
      %mul3A_437 = arith.constant 16 : i32
      %mul3A_438 = arith.muli %mul3A_436, %mul3A_437 : i32
      %add3A_439 = arith.constant 0 : i32
      %add3A_440 = arith.addi %mul3A_438, %add3A_439 : i32
      %get3A_441 = arith.index_cast %add3A_440 : i32 to index
      %get3A_442 = tpu.vector_load %arg15[%get3A_441] {strides = array<i32>} : memref<2048xf32, #tpu.memory_space<vmem>>, vector<16xf32>,
      %add3A_443 = arith.addf %scan3A_427, %get3A_442 : vector<16xf32>
      %mul3A_444 = arith.constant 8 : i32
      %mul3A_445 = arith.muli %scan3A_426, %mul3A_444 : i32
      %mul3A_446 = arith.constant 16 : i32
      %mul3A_447 = arith.muli %mul3A_445, %mul3A_446 : i32
      %add3A_448 = arith.constant 16 : i32
      %add3A_449 = arith.addi %mul3A_447, %add3A_448 : i32
      %get3A_450 = arith.index_cast %add3A_449 : i32 to index
      %get3A_451 = tpu.vector_load %arg15[%get3A_450] {strides = array<i32>} : memref<2048xf32, #tpu.memory_space<vmem>>, vector<16xf32>,
      %add3A_452 = arith.addf %scan3A_428, %get3A_451 : vector<16xf32>
      %mul3A_453 = arith.constant 8 : i32
      %mul3A_454 = arith.muli %scan3A_426, %mul3A_453 : i32
      %mul3A_455 = arith.constant 16 : i32
      %mul3A_456 = arith.muli %mul3A_454, %mul3A_455 : i32
      %add3A_457 = arith.constant 32 : i32
      %add3A_458 = arith.addi %mul3A_456, %add3A_457 : i32
      %get3A_459 = arith.index_cast %add3A_458 : i32 to index
      %get3A_460 = tpu.vector_load %arg15[%get3A_459] {strides = array<i32>} : memref<2048xf32, #tpu.memory_space<vmem>>, vector<16xf32>,
      %add3A_461 = arith.addf %scan3A_429, %get3A_460 : vector<16xf32>
      %mul3A_462 = arith.constant 8 : i32
      %mul3A_463 = arith.muli %scan3A_426, %mul3A_462 : i32
      %mul3A_464 = arith.constant 16 : i32
      %mul3A_465 = arith.muli %mul3A_463, %mul3A_464 : i32
      %add3A_466 = arith.constant 48 : i32
      %add3A_467 = arith.addi %mul3A_465, %add3A_466 : i32
      %get3A_468 = arith.index_cast %add3A_467 : i32 to index
      %get3A_469 = tpu.vector_load %arg15[%get3A_468] {strides = array<i32>} : memref<2048xf32, #tpu.memory_space<vmem>>, vector<16xf32>,
      %add3A_470 = arith.addf %scan3A_430, %get3A_469 : vector<16xf32>
      %mul3A_471 = arith.constant 8 : i32
      %mul3A_472 = arith.muli %scan3A_426, %mul3A_471 : i32
      %mul3A_473 = arith.constant 16 : i32
      %mul3A_474 = arith.muli %mul3A_472, %mul3A_473 : i32
      %add3A_475 = arith.constant 64 : i32
      %add3A_476 = arith.addi %mul3A_474, %add3A_475 : i32
      %get3A_477 = arith.index_cast %add3A_476 : i32 to index
      %get3A_478 = tpu.vector_load %arg15[%get3A_477] {strides = array<i32>} : memref<2048xf32, #tpu.memory_space<vmem>>, vector<16xf32>,
      %add3A_479 = arith.addf %scan3A_431, %get3A_478 : vector<16xf32>
      %mul3A_480 = arith.constant 8 : i32
      %mul3A_481 = arith.muli %scan3A_426, %mul3A_480 : i32
      %mul3A_482 = arith.constant 16 : i32
      %mul3A_483 = arith.muli %mul3A_481, %mul3A_482 : i32
      %add3A_484 = arith.constant 80 : i32
      %add3A_485 = arith.addi %mul3A_483, %add3A_484 : i32
      %get3A_486 = arith.index_cast %add3A_485 : i32 to index
      %get3A_487 = tpu.vector_load %arg15[%get3A_486] {strides = array<i32>} : memref<2048xf32, #tpu.memory_space<vmem>>, vector<16xf32>,
      %add3A_488 = arith.addf %scan3A_432, %get3A_487 : vector<16xf32>
      %mul3A_489 = arith.constant 8 : i32
      %mul3A_490 = arith.muli %scan3A_426, %mul3A_489 : i32
      %mul3A_491 = arith.constant 16 : i32
      %mul3A_492 = arith.muli %mul3A_490, %mul3A_491 : i32
      %add3A_493 = arith.constant 96 : i32
      %add3A_494 = arith.addi %mul3A_492, %add3A_493 : i32
      %get3A_495 = arith.index_cast %add3A_494 : i32 to index
      %get3A_496 = tpu.vector_load %arg15[%get3A_495] {strides = array<i32>} : memref<2048xf32, #tpu.memory_space<vmem>>, vector<16xf32>,
      %add3A_497 = arith.addf %scan3A_433, %get3A_496 : vector<16xf32>
      %mul3A_498 = arith.constant 8 : i32
      %mul3A_499 = arith.muli %scan3A_426, %mul3A_498 : i32
      %mul3A_500 = arith.constant 16 : i32
      %mul3A_501 = arith.muli %mul3A_499, %mul3A_500 : i32
      %add3A_502 = arith.constant 112 : i32
      %add3A_503 = arith.addi %mul3A_501, %add3A_502 : i32
      %get3A_504 = arith.index_cast %add3A_503 : i32 to index
      %get3A_505 = tpu.vector_load %arg15[%get3A_504] {strides = array<i32>} : memref<2048xf32, #tpu.memory_space<vmem>>, vector<16xf32>,
      %add3A_506 = arith.addf %scan3A_434, %get3A_505 : vector<16xf32>
      scf.yield %add3A_443, %add3A_452, %add3A_461, %add3A_470, %add3A_479, %add3A_488, %add3A_497, %add3A_506 : vector<16xf32>, vector<16xf32>, vector<16xf32>, vector<16xf32>, vector<16xf32>, vector<16xf32>, vector<16xf32>, vector<16xf32>
    }
    %scan3A_171 = arith.constant 16 : i32
    %broadcast_in_dim3A_172 = arith.constant 0.000000e+00 : f32
    %broadcast_in_dim3A_173 = vector.broadcast %broadcast_in_dim3A_172 : f32 to vector<16xf32>
    %broadcast_in_dim3A_174 = arith.constant 0.000000e+00 : f32
    %broadcast_in_dim3A_175 = vector.broadcast %broadcast_in_dim3A_174 : f32 to vector<16xf32>
    %broadcast_in_dim3A_176 = arith.constant 0.000000e+00 : f32
    %broadcast_in_dim3A_177 = vector.broadcast %broadcast_in_dim3A_176 : f32 to vector<16xf32>
    %broadcast_in_dim3A_178 = arith.constant 0.000000e+00 : f32
    %broadcast_in_dim3A_179 = vector.broadcast %broadcast_in_dim3A_178 : f32 to vector<16xf32>
    %broadcast_in_dim3A_180 = arith.constant 0.000000e+00 : f32
    %broadcast_in_dim3A_181 = vector.broadcast %broadcast_in_dim3A_180 : f32 to vector<16xf32>
    %broadcast_in_dim3A_182 = arith.constant 0.000000e+00 : f32
    %broadcast_in_dim3A_183 = vector.broadcast %broadcast_in_dim3A_182 : f32 to vector<16xf32>
    %broadcast_in_dim3A_184 = arith.constant 0.000000e+00 : f32
    %broadcast_in_dim3A_185 = vector.broadcast %broadcast_in_dim3A_184 : f32 to vector<16xf32>
    %broadcast_in_dim3A_186 = arith.constant 0.000000e+00 : f32
    %broadcast_in_dim3A_187 = vector.broadcast %broadcast_in_dim3A_186 : f32 to vector<16xf32>
    %broadcast_in_dim3A_188 = arith.constant 0.000000e+00 : f32
    %broadcast_in_dim3A_189 = vector.broadcast %broadcast_in_dim3A_188 : f32 to vector<16xf32>
    %broadcast_in_dim3A_190 = arith.constant 0.000000e+00 : f32
    %broadcast_in_dim3A_191 = vector.broadcast %broadcast_in_dim3A_190 : f32 to vector<16xf32>
    %broadcast_in_dim3A_192 = arith.constant 0.000000e+00 : f32
    %broadcast_in_dim3A_193 = vector.broadcast %broadcast_in_dim3A_192 : f32 to vector<16xf32>
    %broadcast_in_dim3A_194 = arith.constant 0.000000e+00 : f32
    %broadcast_in_dim3A_195 = vector.broadcast %broadcast_in_dim3A_194 : f32 to vector<16xf32>
    %broadcast_in_dim3A_196 = arith.constant 0.000000e+00 : f32
    %broadcast_in_dim3A_197 = vector.broadcast %broadcast_in_dim3A_196 : f32 to vector<16xf32>
    %broadcast_in_dim3A_198 = arith.constant 0.000000e+00 : f32
    %broadcast_in_dim3A_199 = vector.broadcast %broadcast_in_dim3A_198 : f32 to vector<16xf32>
    %broadcast_in_dim3A_200 = arith.constant 0.000000e+00 : f32
    %broadcast_in_dim3A_201 = vector.broadcast %broadcast_in_dim3A_200 : f32 to vector<16xf32>
    %broadcast_in_dim3A_202 = arith.constant 0.000000e+00 : f32
    %broadcast_in_dim3A_203 = vector.broadcast %broadcast_in_dim3A_202 : f32 to vector<16xf32>
    %broadcast_in_dim3A_204 = arith.constant 0.000000e+00 : f32
    %broadcast_in_dim3A_205 = vector.broadcast %broadcast_in_dim3A_204 : f32 to vector<16xf32>
    %broadcast_in_dim3A_206 = arith.constant 0.000000e+00 : f32
    %broadcast_in_dim3A_207 = vector.broadcast %broadcast_in_dim3A_206 : f32 to vector<16xf32>
    %broadcast_in_dim3A_208 = arith.constant 0.000000e+00 : f32
    %broadcast_in_dim3A_209 = vector.broadcast %broadcast_in_dim3A_208 : f32 to vector<16xf32>
    %broadcast_in_dim3A_210 = arith.constant 0.000000e+00 : f32
    %broadcast_in_dim3A_211 = vector.broadcast %broadcast_in_dim3A_210 : f32 to vector<16xf32>
    %broadcast_in_dim3A_212 = arith.constant 0.000000e+00 : f32
    %broadcast_in_dim3A_213 = vector.broadcast %broadcast_in_dim3A_212 : f32 to vector<16xf32>
    %broadcast_in_dim3A_214 = arith.constant 0.000000e+00 : f32
    %broadcast_in_dim3A_215 = vector.broadcast %broadcast_in_dim3A_214 : f32 to vector<16xf32>
    %broadcast_in_dim3A_216 = arith.constant 0.000000e+00 : f32
    %broadcast_in_dim3A_217 = vector.broadcast %broadcast_in_dim3A_216 : f32 to vector<16xf32>
    %broadcast_in_dim3A_218 = arith.constant 0.000000e+00 : f32
    %broadcast_in_dim3A_219 = vector.broadcast %broadcast_in_dim3A_218 : f32 to vector<16xf32>
    %broadcast_in_dim3A_220 = arith.constant 0.000000e+00 : f32
    %broadcast_in_dim3A_221 = vector.broadcast %broadcast_in_dim3A_220 : f32 to vector<16xf32>
    %broadcast_in_dim3A_222 = arith.constant 0.000000e+00 : f32
    %broadcast_in_dim3A_223 = vector.broadcast %broadcast_in_dim3A_222 : f32 to vector<16xf32>
    %broadcast_in_dim3A_224 = arith.constant 0.000000e+00 : f32
    %broadcast_in_dim3A_225 = vector.broadcast %broadcast_in_dim3A_224 : f32 to vector<16xf32>
    %broadcast_in_dim3A_226 = arith.constant 0.000000e+00 : f32
    %broadcast_in_dim3A_227 = vector.broadcast %broadcast_in_dim3A_226 : f32 to vector<16xf32>
    %broadcast_in_dim3A_228 = arith.constant 0.000000e+00 : f32
    %broadcast_in_dim3A_229 = vector.broadcast %broadcast_in_dim3A_228 : f32 to vector<16xf32>
    %broadcast_in_dim3A_230 = arith.constant 0.000000e+00 : f32
    %broadcast_in_dim3A_231 = vector.broadcast %broadcast_in_dim3A_230 : f32 to vector<16xf32>
    %broadcast_in_dim3A_232 = arith.constant 0.000000e+00 : f32
    %broadcast_in_dim3A_233 = vector.broadcast %broadcast_in_dim3A_232 : f32 to vector<16xf32>
    %broadcast_in_dim3A_234 = arith.constant 0.000000e+00 : f32
    %broadcast_in_dim3A_235 = vector.broadcast %broadcast_in_dim3A_234 : f32 to vector<16xf32>
    %scan3A_236 = arith.constant 0 : i32
    %scan3A_237 = arith.constant 8 : i32
    %scan3A_238 = arith.addi %scan3A_236, %scan3A_237 : i32
    %scan3A_239 = arith.constant 1 : i32
    %scan3A_240:32 = scf.for %scan3A_426 = %scan3A_236 to %scan3A_238 step %scan3A_239 iter_args(%scan3A_427 = %broadcast_in_dim3A_173, %scan3A_428 = %broadcast_in_dim3A_175, %scan3A_429 = %broadcast_in_dim3A_177, %scan3A_430 = %broadcast_in_dim3A_179, %scan3A_431 = %broadcast_in_dim3A_181, %scan3A_432 = %broadcast_in_dim3A_183, %scan3A_433 = %broadcast_in_dim3A_185, %scan3A_434 = %broadcast_in_dim3A_187, %scan3A_435 = %broadcast_in_dim3A_189, %scan3A_436 = %broadcast_in_dim3A_191, %scan3A_437 = %broadcast_in_dim3A_193, %scan3A_438 = %broadcast_in_dim3A_195, %scan3A_439 = %broadcast_in_dim3A_197, %scan3A_440 = %broadcast_in_dim3A_199, %scan3A_441 = %broadcast_in_dim3A_201, %scan3A_442 = %broadcast_in_dim3A_203, %scan3A_443 = %broadcast_in_dim3A_205, %scan3A_444 = %broadcast_in_dim3A_207, %scan3A_445 = %broadcast_in_dim3A_209, %scan3A_446 = %broadcast_in_dim3A_211, %scan3A_447 = %broadcast_in_dim3A_213, %scan3A_448 = %broadcast_in_dim3A_215, %scan3A_449 = %broadcast_in_dim3A_217, %scan3A_450 = %broadcast_in_dim3A_219, %scan3A_451 = %broadcast_in_dim3A_221, %scan3A_452 = %broadcast_in_dim3A_223, %scan3A_453 = %broadcast_in_dim3A_225, %scan3A_454 = %broadcast_in_dim3A_227, %scan3A_455 = %broadcast_in_dim3A_229, %scan3A_456 = %broadcast_in_dim3A_231, %scan3A_457 = %broadcast_in_dim3A_233, %scan3A_458 = %broadcast_in_dim3A_235) -> (vector<16xf32>, vector<16xf32>, vector<16xf32>, vector<16xf32>, vector<16xf32>, vector<16xf32>, vector<16xf32>, vector<16xf32>, vector<16xf32>, vector<16xf32>, vector<16xf32>, vector<16xf32>, vector<16xf32>, vector<16xf32>, vector<16xf32>, vector<16xf32>, vector<16xf32>, vector<16xf32>, vector<16xf32>, vector<16xf32>, vector<16xf32>, vector<16xf32>, vector<16xf32>, vector<16xf32>, vector<16xf32>, vector<16xf32>, vector<16xf32>, vector<16xf32>, vector<16xf32>, vector<16xf32>, vector<16xf32>, vector<16xf32>)  : i32 {
      %get3A_459 = arith.index_cast %scan3A_426 : i32 to index
      %get3A_460 = arith.constant 0 : index
      %get3A_461 = tpu.vector_load %arg12[%get3A_459, %get3A_460] {strides = array<i32>} : memref<8x64xf32, #tpu.memory_space<vmem>>, vector<16xf32>,
      %get3A_462 = arith.index_cast %scan3A_426 : i32 to index
      %get3A_463 = arith.constant 16 : index
      %get3A_464 = tpu.vector_load %arg12[%get3A_462, %get3A_463] {strides = array<i32>} : memref<8x64xf32, #tpu.memory_space<vmem>>, vector<16xf32>,
      %get3A_465 = arith.index_cast %scan3A_426 : i32 to index
      %get3A_466 = arith.constant 32 : index
      %get3A_467 = tpu.vector_load %arg12[%get3A_465, %get3A_466] {strides = array<i32>} : memref<8x64xf32, #tpu.memory_space<vmem>>, vector<16xf32>,
      %get3A_468 = arith.index_cast %scan3A_426 : i32 to index
      %get3A_469 = arith.constant 48 : index
      %get3A_470 = tpu.vector_load %arg12[%get3A_468, %get3A_469] {strides = array<i32>} : memref<8x64xf32, #tpu.memory_space<vmem>>, vector<16xf32>,
      %broadcast_in_dim3A_471 = vector.broadcast %scan3A_426 : i32 to vector<16xi32>
      %lt3A_472 = arith.constant 0 : i32
      %lt3A_473 = vector.broadcast %lt3A_472 : i32 to vector<16xi32>
      %lt3A_474 = arith.cmpi slt, %broadcast_in_dim3A_471, %lt3A_473 : vector<16xi32>
      %add3A_475 = arith.constant 16 : i32
      %add3A_476 = vector.broadcast %add3A_475 : i32 to vector<16xi32>
      %add3A_477 = arith.addi %broadcast_in_dim3A_471, %add3A_476 : vector<16xi32>
      %select_n3A_478 = arith.select %lt3A_474, %add3A_477, %broadcast_in_dim3A_471 : vector<16xi1>, vector<16xi32>
      %reshape3A_479 = vector.shape_cast %select_n3A_478 : vector<16xi32> to vector<16x1xi32>
      %gather3A_480 = vector.shape_cast %reshape3A_479 : vector<16x1xi32> to vector<16xi32>
      %gather3A_481 = tpu.dynamic_gather %scan3A_170#0[%gather3A_480] in [0] : vector<16xf32>, vector<16xi32> -> vector<16xf32>
      %mul3A_482 = arith.mulf %gather3A_481, %get3A_461 : vector<16xf32>
      %add3A_483 = arith.addf %scan3A_427, %mul3A_482 : vector<16xf32>
      %lt3A_484 = arith.constant 0 : i32
      %lt3A_485 = vector.broadcast %lt3A_484 : i32 to vector<16xi32>
      %lt3A_486 = arith.cmpi slt, %broadcast_in_dim3A_471, %lt3A_485 : vector<16xi32>
      %add3A_487 = arith.constant 16 : i32
      %add3A_488 = vector.broadcast %add3A_487 : i32 to vector<16xi32>
      %add3A_489 = arith.addi %broadcast_in_dim3A_471, %add3A_488 : vector<16xi32>
      %select_n3A_490 = arith.select %lt3A_486, %add3A_489, %broadcast_in_dim3A_471 : vector<16xi1>, vector<16xi32>
      %reshape3A_491 = vector.shape_cast %select_n3A_490 : vector<16xi32> to vector<16x1xi32>
      %gather3A_492 = vector.shape_cast %reshape3A_491 : vector<16x1xi32> to vector<16xi32>
      %gather3A_493 = tpu.dynamic_gather %scan3A_170#0[%gather3A_492] in [0] : vector<16xf32>, vector<16xi32> -> vector<16xf32>
      %mul3A_494 = arith.mulf %gather3A_493, %get3A_464 : vector<16xf32>
      %add3A_495 = arith.addf %scan3A_428, %mul3A_494 : vector<16xf32>
      %lt3A_496 = arith.constant 0 : i32
      %lt3A_497 = vector.broadcast %lt3A_496 : i32 to vector<16xi32>
      %lt3A_498 = arith.cmpi slt, %broadcast_in_dim3A_471, %lt3A_497 : vector<16xi32>
      %add3A_499 = arith.constant 16 : i32
      %add3A_500 = vector.broadcast %add3A_499 : i32 to vector<16xi32>
      %add3A_501 = arith.addi %broadcast_in_dim3A_471, %add3A_500 : vector<16xi32>
      %select_n3A_502 = arith.select %lt3A_498, %add3A_501, %broadcast_in_dim3A_471 : vector<16xi1>, vector<16xi32>
      %reshape3A_503 = vector.shape_cast %select_n3A_502 : vector<16xi32> to vector<16x1xi32>
      %gather3A_504 = vector.shape_cast %reshape3A_503 : vector<16x1xi32> to vector<16xi32>
      %gather3A_505 = tpu.dynamic_gather %scan3A_170#0[%gather3A_504] in [0] : vector<16xf32>, vector<16xi32> -> vector<16xf32>
      %mul3A_506 = arith.mulf %gather3A_505, %get3A_467 : vector<16xf32>
      %add3A_507 = arith.addf %scan3A_429, %mul3A_506 : vector<16xf32>
      %lt3A_508 = arith.constant 0 : i32
      %lt3A_509 = vector.broadcast %lt3A_508 : i32 to vector<16xi32>
      %lt3A_510 = arith.cmpi slt, %broadcast_in_dim3A_471, %lt3A_509 : vector<16xi32>
      %add3A_511 = arith.constant 16 : i32
      %add3A_512 = vector.broadcast %add3A_511 : i32 to vector<16xi32>
      %add3A_513 = arith.addi %broadcast_in_dim3A_471, %add3A_512 : vector<16xi32>
      %select_n3A_514 = arith.select %lt3A_510, %add3A_513, %broadcast_in_dim3A_471 : vector<16xi1>, vector<16xi32>
      %reshape3A_515 = vector.shape_cast %select_n3A_514 : vector<16xi32> to vector<16x1xi32>
      %gather3A_516 = vector.shape_cast %reshape3A_515 : vector<16x1xi32> to vector<16xi32>
      %gather3A_517 = tpu.dynamic_gather %scan3A_170#0[%gather3A_516] in [0] : vector<16xf32>, vector<16xi32> -> vector<16xf32>
      %mul3A_518 = arith.mulf %gather3A_517, %get3A_470 : vector<16xf32>
      %add3A_519 = arith.addf %scan3A_430, %mul3A_518 : vector<16xf32>
      %lt3A_520 = arith.constant 0 : i32
      %lt3A_521 = vector.broadcast %lt3A_520 : i32 to vector<16xi32>
      %lt3A_522 = arith.cmpi slt, %broadcast_in_dim3A_471, %lt3A_521 : vector<16xi32>
      %add3A_523 = arith.constant 16 : i32
      %add3A_524 = vector.broadcast %add3A_523 : i32 to vector<16xi32>
      %add3A_525 = arith.addi %broadcast_in_dim3A_471, %add3A_524 : vector<16xi32>
      %select_n3A_526 = arith.select %lt3A_522, %add3A_525, %broadcast_in_dim3A_471 : vector<16xi1>, vector<16xi32>
      %reshape3A_527 = vector.shape_cast %select_n3A_526 : vector<16xi32> to vector<16x1xi32>
      %gather3A_528 = vector.shape_cast %reshape3A_527 : vector<16x1xi32> to vector<16xi32>
      %gather3A_529 = tpu.dynamic_gather %scan3A_170#1[%gather3A_528] in [0] : vector<16xf32>, vector<16xi32> -> vector<16xf32>
      %mul3A_530 = arith.mulf %gather3A_529, %get3A_461 : vector<16xf32>
      %add3A_531 = arith.addf %scan3A_431, %mul3A_530 : vector<16xf32>
      %lt3A_532 = arith.constant 0 : i32
      %lt3A_533 = vector.broadcast %lt3A_532 : i32 to vector<16xi32>
      %lt3A_534 = arith.cmpi slt, %broadcast_in_dim3A_471, %lt3A_533 : vector<16xi32>
      %add3A_535 = arith.constant 16 : i32
      %add3A_536 = vector.broadcast %add3A_535 : i32 to vector<16xi32>
      %add3A_537 = arith.addi %broadcast_in_dim3A_471, %add3A_536 : vector<16xi32>
      %select_n3A_538 = arith.select %lt3A_534, %add3A_537, %broadcast_in_dim3A_471 : vector<16xi1>, vector<16xi32>
      %reshape3A_539 = vector.shape_cast %select_n3A_538 : vector<16xi32> to vector<16x1xi32>
      %gather3A_540 = vector.shape_cast %reshape3A_539 : vector<16x1xi32> to vector<16xi32>
      %gather3A_541 = tpu.dynamic_gather %scan3A_170#1[%gather3A_540] in [0] : vector<16xf32>, vector<16xi32> -> vector<16xf32>
      %mul3A_542 = arith.mulf %gather3A_541, %get3A_464 : vector<16xf32>
      %add3A_543 = arith.addf %scan3A_432, %mul3A_542 : vector<16xf32>
      %lt3A_544 = arith.constant 0 : i32
      %lt3A_545 = vector.broadcast %lt3A_544 : i32 to vector<16xi32>
      %lt3A_546 = arith.cmpi slt, %broadcast_in_dim3A_471, %lt3A_545 : vector<16xi32>
      %add3A_547 = arith.constant 16 : i32
      %add3A_548 = vector.broadcast %add3A_547 : i32 to vector<16xi32>
      %add3A_549 = arith.addi %broadcast_in_dim3A_471, %add3A_548 : vector<16xi32>
      %select_n3A_550 = arith.select %lt3A_546, %add3A_549, %broadcast_in_dim3A_471 : vector<16xi1>, vector<16xi32>
      %reshape3A_551 = vector.shape_cast %select_n3A_550 : vector<16xi32> to vector<16x1xi32>
      %gather3A_552 = vector.shape_cast %reshape3A_551 : vector<16x1xi32> to vector<16xi32>
      %gather3A_553 = tpu.dynamic_gather %scan3A_170#1[%gather3A_552] in [0] : vector<16xf32>, vector<16xi32> -> vector<16xf32>
      %mul3A_554 = arith.mulf %gather3A_553, %get3A_467 : vector<16xf32>
      %add3A_555 = arith.addf %scan3A_433, %mul3A_554 : vector<16xf32>
      %lt3A_556 = arith.constant 0 : i32
      %lt3A_557 = vector.broadcast %lt3A_556 : i32 to vector<16xi32>
      %lt3A_558 = arith.cmpi slt, %broadcast_in_dim3A_471, %lt3A_557 : vector<16xi32>
      %add3A_559 = arith.constant 16 : i32
      %add3A_560 = vector.broadcast %add3A_559 : i32 to vector<16xi32>
      %add3A_561 = arith.addi %broadcast_in_dim3A_471, %add3A_560 : vector<16xi32>
      %select_n3A_562 = arith.select %lt3A_558, %add3A_561, %broadcast_in_dim3A_471 : vector<16xi1>, vector<16xi32>
      %reshape3A_563 = vector.shape_cast %select_n3A_562 : vector<16xi32> to vector<16x1xi32>
      %gather3A_564 = vector.shape_cast %reshape3A_563 : vector<16x1xi32> to vector<16xi32>
      %gather3A_565 = tpu.dynamic_gather %scan3A_170#1[%gather3A_564] in [0] : vector<16xf32>, vector<16xi32> -> vector<16xf32>
      %mul3A_566 = arith.mulf %gather3A_565, %get3A_470 : vector<16xf32>
      %add3A_567 = arith.addf %scan3A_434, %mul3A_566 : vector<16xf32>
      %lt3A_568 = arith.constant 0 : i32
      %lt3A_569 = vector.broadcast %lt3A_568 : i32 to vector<16xi32>
      %lt3A_570 = arith.cmpi slt, %broadcast_in_dim3A_471, %lt3A_569 : vector<16xi32>
      %add3A_571 = arith.constant 16 : i32
      %add3A_572 = vector.broadcast %add3A_571 : i32 to vector<16xi32>
      %add3A_573 = arith.addi %broadcast_in_dim3A_471, %add3A_572 : vector<16xi32>
      %select_n3A_574 = arith.select %lt3A_570, %add3A_573, %broadcast_in_dim3A_471 : vector<16xi1>, vector<16xi32>
      %reshape3A_575 = vector.shape_cast %select_n3A_574 : vector<16xi32> to vector<16x1xi32>
      %gather3A_576 = vector.shape_cast %reshape3A_575 : vector<16x1xi32> to vector<16xi32>
      %gather3A_577 = tpu.dynamic_gather %scan3A_170#2[%gather3A_576] in [0] : vector<16xf32>, vector<16xi32> -> vector<16xf32>
      %mul3A_578 = arith.mulf %gather3A_577, %get3A_461 : vector<16xf32>
      %add3A_579 = arith.addf %scan3A_435, %mul3A_578 : vector<16xf32>
      %lt3A_580 = arith.constant 0 : i32
      %lt3A_581 = vector.broadcast %lt3A_580 : i32 to vector<16xi32>
      %lt3A_582 = arith.cmpi slt, %broadcast_in_dim3A_471, %lt3A_581 : vector<16xi32>
      %add3A_583 = arith.constant 16 : i32
      %add3A_584 = vector.broadcast %add3A_583 : i32 to vector<16xi32>
      %add3A_585 = arith.addi %broadcast_in_dim3A_471, %add3A_584 : vector<16xi32>
      %select_n3A_586 = arith.select %lt3A_582, %add3A_585, %broadcast_in_dim3A_471 : vector<16xi1>, vector<16xi32>
      %reshape3A_587 = vector.shape_cast %select_n3A_586 : vector<16xi32> to vector<16x1xi32>
      %gather3A_588 = vector.shape_cast %reshape3A_587 : vector<16x1xi32> to vector<16xi32>
      %gather3A_589 = tpu.dynamic_gather %scan3A_170#2[%gather3A_588] in [0] : vector<16xf32>, vector<16xi32> -> vector<16xf32>
      %mul3A_590 = arith.mulf %gather3A_589, %get3A_464 : vector<16xf32>
      %add3A_591 = arith.addf %scan3A_436, %mul3A_590 : vector<16xf32>
      %lt3A_592 = arith.constant 0 : i32
      %lt3A_593 = vector.broadcast %lt3A_592 : i32 to vector<16xi32>
      %lt3A_594 = arith.cmpi slt, %broadcast_in_dim3A_471, %lt3A_593 : vector<16xi32>
      %add3A_595 = arith.constant 16 : i32
      %add3A_596 = vector.broadcast %add3A_595 : i32 to vector<16xi32>
      %add3A_597 = arith.addi %broadcast_in_dim3A_471, %add3A_596 : vector<16xi32>
      %select_n3A_598 = arith.select %lt3A_594, %add3A_597, %broadcast_in_dim3A_471 : vector<16xi1>, vector<16xi32>
      %reshape3A_599 = vector.shape_cast %select_n3A_598 : vector<16xi32> to vector<16x1xi32>
      %gather3A_600 = vector.shape_cast %reshape3A_599 : vector<16x1xi32> to vector<16xi32>
      %gather3A_601 = tpu.dynamic_gather %scan3A_170#2[%gather3A_600] in [0] : vector<16xf32>, vector<16xi32> -> vector<16xf32>
      %mul3A_602 = arith.mulf %gather3A_601, %get3A_467 : vector<16xf32>
      %add3A_603 = arith.addf %scan3A_437, %mul3A_602 : vector<16xf32>
      %lt3A_604 = arith.constant 0 : i32
      %lt3A_605 = vector.broadcast %lt3A_604 : i32 to vector<16xi32>
      %lt3A_606 = arith.cmpi slt, %broadcast_in_dim3A_471, %lt3A_605 : vector<16xi32>
      %add3A_607 = arith.constant 16 : i32
      %add3A_608 = vector.broadcast %add3A_607 : i32 to vector<16xi32>
      %add3A_609 = arith.addi %broadcast_in_dim3A_471, %add3A_608 : vector<16xi32>
      %select_n3A_610 = arith.select %lt3A_606, %add3A_609, %broadcast_in_dim3A_471 : vector<16xi1>, vector<16xi32>
      %reshape3A_611 = vector.shape_cast %select_n3A_610 : vector<16xi32> to vector<16x1xi32>
      %gather3A_612 = vector.shape_cast %reshape3A_611 : vector<16x1xi32> to vector<16xi32>
      %gather3A_613 = tpu.dynamic_gather %scan3A_170#2[%gather3A_612] in [0] : vector<16xf32>, vector<16xi32> -> vector<16xf32>
      %mul3A_614 = arith.mulf %gather3A_613, %get3A_470 : vector<16xf32>
      %add3A_615 = arith.addf %scan3A_438, %mul3A_614 : vector<16xf32>
      %lt3A_616 = arith.constant 0 : i32
      %lt3A_617 = vector.broadcast %lt3A_616 : i32 to vector<16xi32>
      %lt3A_618 = arith.cmpi slt, %broadcast_in_dim3A_471, %lt3A_617 : vector<16xi32>
      %add3A_619 = arith.constant 16 : i32
      %add3A_620 = vector.broadcast %add3A_619 : i32 to vector<16xi32>
      %add3A_621 = arith.addi %broadcast_in_dim3A_471, %add3A_620 : vector<16xi32>
      %select_n3A_622 = arith.select %lt3A_618, %add3A_621, %broadcast_in_dim3A_471 : vector<16xi1>, vector<16xi32>
      %reshape3A_623 = vector.shape_cast %select_n3A_622 : vector<16xi32> to vector<16x1xi32>
      %gather3A_624 = vector.shape_cast %reshape3A_623 : vector<16x1xi32> to vector<16xi32>
      %gather3A_625 = tpu.dynamic_gather %scan3A_170#3[%gather3A_624] in [0] : vector<16xf32>, vector<16xi32> -> vector<16xf32>
      %mul3A_626 = arith.mulf %gather3A_625, %get3A_461 : vector<16xf32>
      %add3A_627 = arith.addf %scan3A_439, %mul3A_626 : vector<16xf32>
      %lt3A_628 = arith.constant 0 : i32
      %lt3A_629 = vector.broadcast %lt3A_628 : i32 to vector<16xi32>
      %lt3A_630 = arith.cmpi slt, %broadcast_in_dim3A_471, %lt3A_629 : vector<16xi32>
      %add3A_631 = arith.constant 16 : i32
      %add3A_632 = vector.broadcast %add3A_631 : i32 to vector<16xi32>
      %add3A_633 = arith.addi %broadcast_in_dim3A_471, %add3A_632 : vector<16xi32>
      %select_n3A_634 = arith.select %lt3A_630, %add3A_633, %broadcast_in_dim3A_471 : vector<16xi1>, vector<16xi32>
      %reshape3A_635 = vector.shape_cast %select_n3A_634 : vector<16xi32> to vector<16x1xi32>
      %gather3A_636 = vector.shape_cast %reshape3A_635 : vector<16x1xi32> to vector<16xi32>
      %gather3A_637 = tpu.dynamic_gather %scan3A_170#3[%gather3A_636] in [0] : vector<16xf32>, vector<16xi32> -> vector<16xf32>
      %mul3A_638 = arith.mulf %gather3A_637, %get3A_464 : vector<16xf32>
      %add3A_639 = arith.addf %scan3A_440, %mul3A_638 : vector<16xf32>
      %lt3A_640 = arith.constant 0 : i32
      %lt3A_641 = vector.broadcast %lt3A_640 : i32 to vector<16xi32>
      %lt3A_642 = arith.cmpi slt, %broadcast_in_dim3A_471, %lt3A_641 : vector<16xi32>
      %add3A_643 = arith.constant 16 : i32
      %add3A_644 = vector.broadcast %add3A_643 : i32 to vector<16xi32>
      %add3A_645 = arith.addi %broadcast_in_dim3A_471, %add3A_644 : vector<16xi32>
      %select_n3A_646 = arith.select %lt3A_642, %add3A_645, %broadcast_in_dim3A_471 : vector<16xi1>, vector<16xi32>
      %reshape3A_647 = vector.shape_cast %select_n3A_646 : vector<16xi32> to vector<16x1xi32>
      %gather3A_648 = vector.shape_cast %reshape3A_647 : vector<16x1xi32> to vector<16xi32>
      %gather3A_649 = tpu.dynamic_gather %scan3A_170#3[%gather3A_648] in [0] : vector<16xf32>, vector<16xi32> -> vector<16xf32>
      %mul3A_650 = arith.mulf %gather3A_649, %get3A_467 : vector<16xf32>
      %add3A_651 = arith.addf %scan3A_441, %mul3A_650 : vector<16xf32>
      %lt3A_652 = arith.constant 0 : i32
      %lt3A_653 = vector.broadcast %lt3A_652 : i32 to vector<16xi32>
      %lt3A_654 = arith.cmpi slt, %broadcast_in_dim3A_471, %lt3A_653 : vector<16xi32>
      %add3A_655 = arith.constant 16 : i32
      %add3A_656 = vector.broadcast %add3A_655 : i32 to vector<16xi32>
      %add3A_657 = arith.addi %broadcast_in_dim3A_471, %add3A_656 : vector<16xi32>
      %select_n3A_658 = arith.select %lt3A_654, %add3A_657, %broadcast_in_dim3A_471 : vector<16xi1>, vector<16xi32>
      %reshape3A_659 = vector.shape_cast %select_n3A_658 : vector<16xi32> to vector<16x1xi32>
      %gather3A_660 = vector.shape_cast %reshape3A_659 : vector<16x1xi32> to vector<16xi32>
      %gather3A_661 = tpu.dynamic_gather %scan3A_170#3[%gather3A_660] in [0] : vector<16xf32>, vector<16xi32> -> vector<16xf32>
      %mul3A_662 = arith.mulf %gather3A_661, %get3A_470 : vector<16xf32>
      %add3A_663 = arith.addf %scan3A_442, %mul3A_662 : vector<16xf32>
      %lt3A_664 = arith.constant 0 : i32
      %lt3A_665 = vector.broadcast %lt3A_664 : i32 to vector<16xi32>
      %lt3A_666 = arith.cmpi slt, %broadcast_in_dim3A_471, %lt3A_665 : vector<16xi32>
      %add3A_667 = arith.constant 16 : i32
      %add3A_668 = vector.broadcast %add3A_667 : i32 to vector<16xi32>
      %add3A_669 = arith.addi %broadcast_in_dim3A_471, %add3A_668 : vector<16xi32>
      %select_n3A_670 = arith.select %lt3A_666, %add3A_669, %broadcast_in_dim3A_471 : vector<16xi1>, vector<16xi32>
      %reshape3A_671 = vector.shape_cast %select_n3A_670 : vector<16xi32> to vector<16x1xi32>
      %gather3A_672 = vector.shape_cast %reshape3A_671 : vector<16x1xi32> to vector<16xi32>
      %gather3A_673 = tpu.dynamic_gather %scan3A_170#4[%gather3A_672] in [0] : vector<16xf32>, vector<16xi32> -> vector<16xf32>
      %mul3A_674 = arith.mulf %gather3A_673, %get3A_461 : vector<16xf32>
      %add3A_675 = arith.addf %scan3A_443, %mul3A_674 : vector<16xf32>
      %lt3A_676 = arith.constant 0 : i32
      %lt3A_677 = vector.broadcast %lt3A_676 : i32 to vector<16xi32>
      %lt3A_678 = arith.cmpi slt, %broadcast_in_dim3A_471, %lt3A_677 : vector<16xi32>
      %add3A_679 = arith.constant 16 : i32
      %add3A_680 = vector.broadcast %add3A_679 : i32 to vector<16xi32>
      %add3A_681 = arith.addi %broadcast_in_dim3A_471, %add3A_680 : vector<16xi32>
      %select_n3A_682 = arith.select %lt3A_678, %add3A_681, %broadcast_in_dim3A_471 : vector<16xi1>, vector<16xi32>
      %reshape3A_683 = vector.shape_cast %select_n3A_682 : vector<16xi32> to vector<16x1xi32>
      %gather3A_684 = vector.shape_cast %reshape3A_683 : vector<16x1xi32> to vector<16xi32>
      %gather3A_685 = tpu.dynamic_gather %scan3A_170#4[%gather3A_684] in [0] : vector<16xf32>, vector<16xi32> -> vector<16xf32>
      %mul3A_686 = arith.mulf %gather3A_685, %get3A_464 : vector<16xf32>
      %add3A_687 = arith.addf %scan3A_444, %mul3A_686 : vector<16xf32>
      %lt3A_688 = arith.constant 0 : i32
      %lt3A_689 = vector.broadcast %lt3A_688 : i32 to vector<16xi32>
      %lt3A_690 = arith.cmpi slt, %broadcast_in_dim3A_471, %lt3A_689 : vector<16xi32>
      %add3A_691 = arith.constant 16 : i32
      %add3A_692 = vector.broadcast %add3A_691 : i32 to vector<16xi32>
      %add3A_693 = arith.addi %broadcast_in_dim3A_471, %add3A_692 : vector<16xi32>
      %select_n3A_694 = arith.select %lt3A_690, %add3A_693, %broadcast_in_dim3A_471 : vector<16xi1>, vector<16xi32>
      %reshape3A_695 = vector.shape_cast %select_n3A_694 : vector<16xi32> to vector<16x1xi32>
      %gather3A_696 = vector.shape_cast %reshape3A_695 : vector<16x1xi32> to vector<16xi32>
      %gather3A_697 = tpu.dynamic_gather %scan3A_170#4[%gather3A_696] in [0] : vector<16xf32>, vector<16xi32> -> vector<16xf32>
      %mul3A_698 = arith.mulf %gather3A_697, %get3A_467 : vector<16xf32>
      %add3A_699 = arith.addf %scan3A_445, %mul3A_698 : vector<16xf32>
      %lt3A_700 = arith.constant 0 : i32
      %lt3A_701 = vector.broadcast %lt3A_700 : i32 to vector<16xi32>
      %lt3A_702 = arith.cmpi slt, %broadcast_in_dim3A_471, %lt3A_701 : vector<16xi32>
      %add3A_703 = arith.constant 16 : i32
      %add3A_704 = vector.broadcast %add3A_703 : i32 to vector<16xi32>
      %add3A_705 = arith.addi %broadcast_in_dim3A_471, %add3A_704 : vector<16xi32>
      %select_n3A_706 = arith.select %lt3A_702, %add3A_705, %broadcast_in_dim3A_471 : vector<16xi1>, vector<16xi32>
      %reshape3A_707 = vector.shape_cast %select_n3A_706 : vector<16xi32> to vector<16x1xi32>
      %gather3A_708 = vector.shape_cast %reshape3A_707 : vector<16x1xi32> to vector<16xi32>
      %gather3A_709 = tpu.dynamic_gather %scan3A_170#4[%gather3A_708] in [0] : vector<16xf32>, vector<16xi32> -> vector<16xf32>
      %mul3A_710 = arith.mulf %gather3A_709, %get3A_470 : vector<16xf32>
      %add3A_711 = arith.addf %scan3A_446, %mul3A_710 : vector<16xf32>
      %lt3A_712 = arith.constant 0 : i32
      %lt3A_713 = vector.broadcast %lt3A_712 : i32 to vector<16xi32>
      %lt3A_714 = arith.cmpi slt, %broadcast_in_dim3A_471, %lt3A_713 : vector<16xi32>
      %add3A_715 = arith.constant 16 : i32
      %add3A_716 = vector.broadcast %add3A_715 : i32 to vector<16xi32>
      %add3A_717 = arith.addi %broadcast_in_dim3A_471, %add3A_716 : vector<16xi32>
      %select_n3A_718 = arith.select %lt3A_714, %add3A_717, %broadcast_in_dim3A_471 : vector<16xi1>, vector<16xi32>
      %reshape3A_719 = vector.shape_cast %select_n3A_718 : vector<16xi32> to vector<16x1xi32>
      %gather3A_720 = vector.shape_cast %reshape3A_719 : vector<16x1xi32> to vector<16xi32>
      %gather3A_721 = tpu.dynamic_gather %scan3A_170#5[%gather3A_720] in [0] : vector<16xf32>, vector<16xi32> -> vector<16xf32>
      %mul3A_722 = arith.mulf %gather3A_721, %get3A_461 : vector<16xf32>
      %add3A_723 = arith.addf %scan3A_447, %mul3A_722 : vector<16xf32>
      %lt3A_724 = arith.constant 0 : i32
      %lt3A_725 = vector.broadcast %lt3A_724 : i32 to vector<16xi32>
      %lt3A_726 = arith.cmpi slt, %broadcast_in_dim3A_471, %lt3A_725 : vector<16xi32>
      %add3A_727 = arith.constant 16 : i32
      %add3A_728 = vector.broadcast %add3A_727 : i32 to vector<16xi32>
      %add3A_729 = arith.addi %broadcast_in_dim3A_471, %add3A_728 : vector<16xi32>
      %select_n3A_730 = arith.select %lt3A_726, %add3A_729, %broadcast_in_dim3A_471 : vector<16xi1>, vector<16xi32>
      %reshape3A_731 = vector.shape_cast %select_n3A_730 : vector<16xi32> to vector<16x1xi32>
      %gather3A_732 = vector.shape_cast %reshape3A_731 : vector<16x1xi32> to vector<16xi32>
      %gather3A_733 = tpu.dynamic_gather %scan3A_170#5[%gather3A_732] in [0] : vector<16xf32>, vector<16xi32> -> vector<16xf32>
      %mul3A_734 = arith.mulf %gather3A_733, %get3A_464 : vector<16xf32>
      %add3A_735 = arith.addf %scan3A_448, %mul3A_734 : vector<16xf32>
      %lt3A_736 = arith.constant 0 : i32
      %lt3A_737 = vector.broadcast %lt3A_736 : i32 to vector<16xi32>
      %lt3A_738 = arith.cmpi slt, %broadcast_in_dim3A_471, %lt3A_737 : vector<16xi32>
      %add3A_739 = arith.constant 16 : i32
      %add3A_740 = vector.broadcast %add3A_739 : i32 to vector<16xi32>
      %add3A_741 = arith.addi %broadcast_in_dim3A_471, %add3A_740 : vector<16xi32>
      %select_n3A_742 = arith.select %lt3A_738, %add3A_741, %broadcast_in_dim3A_471 : vector<16xi1>, vector<16xi32>
      %reshape3A_743 = vector.shape_cast %select_n3A_742 : vector<16xi32> to vector<16x1xi32>
      %gather3A_744 = vector.shape_cast %reshape3A_743 : vector<16x1xi32> to vector<16xi32>
      %gather3A_745 = tpu.dynamic_gather %scan3A_170#5[%gather3A_744] in [0] : vector<16xf32>, vector<16xi32> -> vector<16xf32>
      %mul3A_746 = arith.mulf %gather3A_745, %get3A_467 : vector<16xf32>
      %add3A_747 = arith.addf %scan3A_449, %mul3A_746 : vector<16xf32>
      %lt3A_748 = arith.constant 0 : i32
      %lt3A_749 = vector.broadcast %lt3A_748 : i32 to vector<16xi32>
      %lt3A_750 = arith.cmpi slt, %broadcast_in_dim3A_471, %lt3A_749 : vector<16xi32>
      %add3A_751 = arith.constant 16 : i32
      %add3A_752 = vector.broadcast %add3A_751 : i32 to vector<16xi32>
      %add3A_753 = arith.addi %broadcast_in_dim3A_471, %add3A_752 : vector<16xi32>
      %select_n3A_754 = arith.select %lt3A_750, %add3A_753, %broadcast_in_dim3A_471 : vector<16xi1>, vector<16xi32>
      %reshape3A_755 = vector.shape_cast %select_n3A_754 : vector<16xi32> to vector<16x1xi32>
      %gather3A_756 = vector.shape_cast %reshape3A_755 : vector<16x1xi32> to vector<16xi32>
      %gather3A_757 = tpu.dynamic_gather %scan3A_170#5[%gather3A_756] in [0] : vector<16xf32>, vector<16xi32> -> vector<16xf32>
      %mul3A_758 = arith.mulf %gather3A_757, %get3A_470 : vector<16xf32>
      %add3A_759 = arith.addf %scan3A_450, %mul3A_758 : vector<16xf32>
      %lt3A_760 = arith.constant 0 : i32
      %lt3A_761 = vector.broadcast %lt3A_760 : i32 to vector<16xi32>
      %lt3A_762 = arith.cmpi slt, %broadcast_in_dim3A_471, %lt3A_761 : vector<16xi32>
      %add3A_763 = arith.constant 16 : i32
      %add3A_764 = vector.broadcast %add3A_763 : i32 to vector<16xi32>
      %add3A_765 = arith.addi %broadcast_in_dim3A_471, %add3A_764 : vector<16xi32>
      %select_n3A_766 = arith.select %lt3A_762, %add3A_765, %broadcast_in_dim3A_471 : vector<16xi1>, vector<16xi32>
      %reshape3A_767 = vector.shape_cast %select_n3A_766 : vector<16xi32> to vector<16x1xi32>
      %gather3A_768 = vector.shape_cast %reshape3A_767 : vector<16x1xi32> to vector<16xi32>
      %gather3A_769 = tpu.dynamic_gather %scan3A_170#6[%gather3A_768] in [0] : vector<16xf32>, vector<16xi32> -> vector<16xf32>
      %mul3A_770 = arith.mulf %gather3A_769, %get3A_461 : vector<16xf32>
      %add3A_771 = arith.addf %scan3A_451, %mul3A_770 : vector<16xf32>
      %lt3A_772 = arith.constant 0 : i32
      %lt3A_773 = vector.broadcast %lt3A_772 : i32 to vector<16xi32>
      %lt3A_774 = arith.cmpi slt, %broadcast_in_dim3A_471, %lt3A_773 : vector<16xi32>
      %add3A_775 = arith.constant 16 : i32
      %add3A_776 = vector.broadcast %add3A_775 : i32 to vector<16xi32>
      %add3A_777 = arith.addi %broadcast_in_dim3A_471, %add3A_776 : vector<16xi32>
      %select_n3A_778 = arith.select %lt3A_774, %add3A_777, %broadcast_in_dim3A_471 : vector<16xi1>, vector<16xi32>
      %reshape3A_779 = vector.shape_cast %select_n3A_778 : vector<16xi32> to vector<16x1xi32>
      %gather3A_780 = vector.shape_cast %reshape3A_779 : vector<16x1xi32> to vector<16xi32>
      %gather3A_781 = tpu.dynamic_gather %scan3A_170#6[%gather3A_780] in [0] : vector<16xf32>, vector<16xi32> -> vector<16xf32>
      %mul3A_782 = arith.mulf %gather3A_781, %get3A_464 : vector<16xf32>
      %add3A_783 = arith.addf %scan3A_452, %mul3A_782 : vector<16xf32>
      %lt3A_784 = arith.constant 0 : i32
      %lt3A_785 = vector.broadcast %lt3A_784 : i32 to vector<16xi32>
      %lt3A_786 = arith.cmpi slt, %broadcast_in_dim3A_471, %lt3A_785 : vector<16xi32>
      %add3A_787 = arith.constant 16 : i32
      %add3A_788 = vector.broadcast %add3A_787 : i32 to vector<16xi32>
      %add3A_789 = arith.addi %broadcast_in_dim3A_471, %add3A_788 : vector<16xi32>
      %select_n3A_790 = arith.select %lt3A_786, %add3A_789, %broadcast_in_dim3A_471 : vector<16xi1>, vector<16xi32>
      %reshape3A_791 = vector.shape_cast %select_n3A_790 : vector<16xi32> to vector<16x1xi32>
      %gather3A_792 = vector.shape_cast %reshape3A_791 : vector<16x1xi32> to vector<16xi32>
      %gather3A_793 = tpu.dynamic_gather %scan3A_170#6[%gather3A_792] in [0] : vector<16xf32>, vector<16xi32> -> vector<16xf32>
      %mul3A_794 = arith.mulf %gather3A_793, %get3A_467 : vector<16xf32>
      %add3A_795 = arith.addf %scan3A_453, %mul3A_794 : vector<16xf32>
      %lt3A_796 = arith.constant 0 : i32
      %lt3A_797 = vector.broadcast %lt3A_796 : i32 to vector<16xi32>
      %lt3A_798 = arith.cmpi slt, %broadcast_in_dim3A_471, %lt3A_797 : vector<16xi32>
      %add3A_799 = arith.constant 16 : i32
      %add3A_800 = vector.broadcast %add3A_799 : i32 to vector<16xi32>
      %add3A_801 = arith.addi %broadcast_in_dim3A_471, %add3A_800 : vector<16xi32>
      %select_n3A_802 = arith.select %lt3A_798, %add3A_801, %broadcast_in_dim3A_471 : vector<16xi1>, vector<16xi32>
      %reshape3A_803 = vector.shape_cast %select_n3A_802 : vector<16xi32> to vector<16x1xi32>
      %gather3A_804 = vector.shape_cast %reshape3A_803 : vector<16x1xi32> to vector<16xi32>
      %gather3A_805 = tpu.dynamic_gather %scan3A_170#6[%gather3A_804] in [0] : vector<16xf32>, vector<16xi32> -> vector<16xf32>
      %mul3A_806 = arith.mulf %gather3A_805, %get3A_470 : vector<16xf32>
      %add3A_807 = arith.addf %scan3A_454, %mul3A_806 : vector<16xf32>
      %lt3A_808 = arith.constant 0 : i32
      %lt3A_809 = vector.broadcast %lt3A_808 : i32 to vector<16xi32>
      %lt3A_810 = arith.cmpi slt, %broadcast_in_dim3A_471, %lt3A_809 : vector<16xi32>
      %add3A_811 = arith.constant 16 : i32
      %add3A_812 = vector.broadcast %add3A_811 : i32 to vector<16xi32>
      %add3A_813 = arith.addi %broadcast_in_dim3A_471, %add3A_812 : vector<16xi32>
      %select_n3A_814 = arith.select %lt3A_810, %add3A_813, %broadcast_in_dim3A_471 : vector<16xi1>, vector<16xi32>
      %reshape3A_815 = vector.shape_cast %select_n3A_814 : vector<16xi32> to vector<16x1xi32>
      %gather3A_816 = vector.shape_cast %reshape3A_815 : vector<16x1xi32> to vector<16xi32>
      %gather3A_817 = tpu.dynamic_gather %scan3A_170#7[%gather3A_816] in [0] : vector<16xf32>, vector<16xi32> -> vector<16xf32>
      %mul3A_818 = arith.mulf %gather3A_817, %get3A_461 : vector<16xf32>
      %add3A_819 = arith.addf %scan3A_455, %mul3A_818 : vector<16xf32>
      %lt3A_820 = arith.constant 0 : i32
      %lt3A_821 = vector.broadcast %lt3A_820 : i32 to vector<16xi32>
      %lt3A_822 = arith.cmpi slt, %broadcast_in_dim3A_471, %lt3A_821 : vector<16xi32>
      %add3A_823 = arith.constant 16 : i32
      %add3A_824 = vector.broadcast %add3A_823 : i32 to vector<16xi32>
      %add3A_825 = arith.addi %broadcast_in_dim3A_471, %add3A_824 : vector<16xi32>
      %select_n3A_826 = arith.select %lt3A_822, %add3A_825, %broadcast_in_dim3A_471 : vector<16xi1>, vector<16xi32>
      %reshape3A_827 = vector.shape_cast %select_n3A_826 : vector<16xi32> to vector<16x1xi32>
      %gather3A_828 = vector.shape_cast %reshape3A_827 : vector<16x1xi32> to vector<16xi32>
      %gather3A_829 = tpu.dynamic_gather %scan3A_170#7[%gather3A_828] in [0] : vector<16xf32>, vector<16xi32> -> vector<16xf32>
      %mul3A_830 = arith.mulf %gather3A_829, %get3A_464 : vector<16xf32>
      %add3A_831 = arith.addf %scan3A_456, %mul3A_830 : vector<16xf32>
      %lt3A_832 = arith.constant 0 : i32
      %lt3A_833 = vector.broadcast %lt3A_832 : i32 to vector<16xi32>
      %lt3A_834 = arith.cmpi slt, %broadcast_in_dim3A_471, %lt3A_833 : vector<16xi32>
      %add3A_835 = arith.constant 16 : i32
      %add3A_836 = vector.broadcast %add3A_835 : i32 to vector<16xi32>
      %add3A_837 = arith.addi %broadcast_in_dim3A_471, %add3A_836 : vector<16xi32>
      %select_n3A_838 = arith.select %lt3A_834, %add3A_837, %broadcast_in_dim3A_471 : vector<16xi1>, vector<16xi32>
      %reshape3A_839 = vector.shape_cast %select_n3A_838 : vector<16xi32> to vector<16x1xi32>
      %gather3A_840 = vector.shape_cast %reshape3A_839 : vector<16x1xi32> to vector<16xi32>
      %gather3A_841 = tpu.dynamic_gather %scan3A_170#7[%gather3A_840] in [0] : vector<16xf32>, vector<16xi32> -> vector<16xf32>
      %mul3A_842 = arith.mulf %gather3A_841, %get3A_467 : vector<16xf32>
      %add3A_843 = arith.addf %scan3A_457, %mul3A_842 : vector<16xf32>
      %lt3A_844 = arith.constant 0 : i32
      %lt3A_845 = vector.broadcast %lt3A_844 : i32 to vector<16xi32>
      %lt3A_846 = arith.cmpi slt, %broadcast_in_dim3A_471, %lt3A_845 : vector<16xi32>
      %add3A_847 = arith.constant 16 : i32
      %add3A_848 = vector.broadcast %add3A_847 : i32 to vector<16xi32>
      %add3A_849 = arith.addi %broadcast_in_dim3A_471, %add3A_848 : vector<16xi32>
      %select_n3A_850 = arith.select %lt3A_846, %add3A_849, %broadcast_in_dim3A_471 : vector<16xi1>, vector<16xi32>
      %reshape3A_851 = vector.shape_cast %select_n3A_850 : vector<16xi32> to vector<16x1xi32>
      %gather3A_852 = vector.shape_cast %reshape3A_851 : vector<16x1xi32> to vector<16xi32>
      %gather3A_853 = tpu.dynamic_gather %scan3A_170#7[%gather3A_852] in [0] : vector<16xf32>, vector<16xi32> -> vector<16xf32>
      %mul3A_854 = arith.mulf %gather3A_853, %get3A_470 : vector<16xf32>
      %add3A_855 = arith.addf %scan3A_458, %mul3A_854 : vector<16xf32>
      scf.yield %add3A_483, %add3A_495, %add3A_507, %add3A_519, %add3A_531, %add3A_543, %add3A_555, %add3A_567, %add3A_579, %add3A_591, %add3A_603, %add3A_615, %add3A_627, %add3A_639, %add3A_651, %add3A_663, %add3A_675, %add3A_687, %add3A_699, %add3A_711, %add3A_723, %add3A_735, %add3A_747, %add3A_759, %add3A_771, %add3A_783, %add3A_795, %add3A_807, %add3A_819, %add3A_831, %add3A_843, %add3A_855 : vector<16xf32>, vector<16xf32>, vector<16xf32>, vector<16xf32>, vector<16xf32>, vector<16xf32>, vector<16xf32>, vector<16xf32>, vector<16xf32>, vector<16xf32>, vector<16xf32>, vector<16xf32>, vector<16xf32>, vector<16xf32>, vector<16xf32>, vector<16xf32>, vector<16xf32>, vector<16xf32>, vector<16xf32>, vector<16xf32>, vector<16xf32>, vector<16xf32>, vector<16xf32>, vector<16xf32>, vector<16xf32>, vector<16xf32>, vector<16xf32>, vector<16xf32>, vector<16xf32>, vector<16xf32>, vector<16xf32>, vector<16xf32>
    }
    %scan3A_241 = arith.constant 8 : i32
    %scan3A_242 = arith.constant 0 : i32
    %scan3A_243 = arith.constant 8 : i32
    %scan3A_244 = arith.addi %scan3A_242, %scan3A_243 : i32
    %scan3A_245 = arith.constant 1 : i32
    %scan3A_246:32 = scf.for %scan3A_426 = %scan3A_242 to %scan3A_244 step %scan3A_245 iter_args(%scan3A_427 = %scan3A_240#0, %scan3A_428 = %scan3A_240#1, %scan3A_429 = %scan3A_240#2, %scan3A_430 = %scan3A_240#3, %scan3A_431 = %scan3A_240#4, %scan3A_432 = %scan3A_240#5, %scan3A_433 = %scan3A_240#6, %scan3A_434 = %scan3A_240#7, %scan3A_435 = %scan3A_240#8, %scan3A_436 = %scan3A_240#9, %scan3A_437 = %scan3A_240#10, %scan3A_438 = %scan3A_240#11, %scan3A_439 = %scan3A_240#12, %scan3A_440 = %scan3A_240#13, %scan3A_441 = %scan3A_240#14, %scan3A_442 = %scan3A_240#15, %scan3A_443 = %scan3A_240#16, %scan3A_444 = %scan3A_240#17, %scan3A_445 = %scan3A_240#18, %scan3A_446 = %scan3A_240#19, %scan3A_447 = %scan3A_240#20, %scan3A_448 = %scan3A_240#21, %scan3A_449 = %scan3A_240#22, %scan3A_450 = %scan3A_240#23, %scan3A_451 = %scan3A_240#24, %scan3A_452 = %scan3A_240#25, %scan3A_453 = %scan3A_240#26, %scan3A_454 = %scan3A_240#27, %scan3A_455 = %scan3A_240#28, %scan3A_456 = %scan3A_240#29, %scan3A_457 = %scan3A_240#30, %scan3A_458 = %scan3A_240#31) -> (vector<16xf32>, vector<16xf32>, vector<16xf32>, vector<16xf32>, vector<16xf32>, vector<16xf32>, vector<16xf32>, vector<16xf32>, vector<16xf32>, vector<16xf32>, vector<16xf32>, vector<16xf32>, vector<16xf32>, vector<16xf32>, vector<16xf32>, vector<16xf32>, vector<16xf32>, vector<16xf32>, vector<16xf32>, vector<16xf32>, vector<16xf32>, vector<16xf32>, vector<16xf32>, vector<16xf32>, vector<16xf32>, vector<16xf32>, vector<16xf32>, vector<16xf32>, vector<16xf32>, vector<16xf32>, vector<16xf32>, vector<16xf32>)  : i32 {
      %get3A_459 = arith.index_cast %scan3A_426 : i32 to index
      %get3A_460 = arith.constant 0 : index
      %get3A_461 = tpu.vector_load %arg11[%get3A_459, %get3A_460] {strides = array<i32>} : memref<8x64xf32, #tpu.memory_space<vmem>>, vector<16xf32>,
      %get3A_462 = arith.index_cast %scan3A_426 : i32 to index
      %get3A_463 = arith.constant 16 : index
      %get3A_464 = tpu.vector_load %arg11[%get3A_462, %get3A_463] {strides = array<i32>} : memref<8x64xf32, #tpu.memory_space<vmem>>, vector<16xf32>,
      %get3A_465 = arith.index_cast %scan3A_426 : i32 to index
      %get3A_466 = arith.constant 32 : index
      %get3A_467 = tpu.vector_load %arg11[%get3A_465, %get3A_466] {strides = array<i32>} : memref<8x64xf32, #tpu.memory_space<vmem>>, vector<16xf32>,
      %get3A_468 = arith.index_cast %scan3A_426 : i32 to index
      %get3A_469 = arith.constant 48 : index
      %get3A_470 = tpu.vector_load %arg11[%get3A_468, %get3A_469] {strides = array<i32>} : memref<8x64xf32, #tpu.memory_space<vmem>>, vector<16xf32>,
      %add3A_471 = arith.constant 8 : i32
      %add3A_472 = arith.addi %add3A_471, %scan3A_426 : i32
      %broadcast_in_dim3A_473 = vector.broadcast %add3A_472 : i32 to vector<16xi32>
      %lt3A_474 = arith.constant 0 : i32
      %lt3A_475 = vector.broadcast %lt3A_474 : i32 to vector<16xi32>
      %lt3A_476 = arith.cmpi slt, %broadcast_in_dim3A_473, %lt3A_475 : vector<16xi32>
      %add3A_477 = arith.constant 16 : i32
      %add3A_478 = vector.broadcast %add3A_477 : i32 to vector<16xi32>
      %add3A_479 = arith.addi %broadcast_in_dim3A_473, %add3A_478 : vector<16xi32>
      %select_n3A_480 = arith.select %lt3A_476, %add3A_479, %broadcast_in_dim3A_473 : vector<16xi1>, vector<16xi32>
      %reshape3A_481 = vector.shape_cast %select_n3A_480 : vector<16xi32> to vector<16x1xi32>
      %gather3A_482 = vector.shape_cast %reshape3A_481 : vector<16x1xi32> to vector<16xi32>
      %gather3A_483 = tpu.dynamic_gather %scan3A_170#0[%gather3A_482] in [0] : vector<16xf32>, vector<16xi32> -> vector<16xf32>
      %mul3A_484 = arith.mulf %gather3A_483, %get3A_461 : vector<16xf32>
      %add3A_485 = arith.addf %scan3A_427, %mul3A_484 : vector<16xf32>
      %lt3A_486 = arith.constant 0 : i32
      %lt3A_487 = vector.broadcast %lt3A_486 : i32 to vector<16xi32>
      %lt3A_488 = arith.cmpi slt, %broadcast_in_dim3A_473, %lt3A_487 : vector<16xi32>
      %add3A_489 = arith.constant 16 : i32
      %add3A_490 = vector.broadcast %add3A_489 : i32 to vector<16xi32>
      %add3A_491 = arith.addi %broadcast_in_dim3A_473, %add3A_490 : vector<16xi32>
      %select_n3A_492 = arith.select %lt3A_488, %add3A_491, %broadcast_in_dim3A_473 : vector<16xi1>, vector<16xi32>
      %reshape3A_493 = vector.shape_cast %select_n3A_492 : vector<16xi32> to vector<16x1xi32>
      %gather3A_494 = vector.shape_cast %reshape3A_493 : vector<16x1xi32> to vector<16xi32>
      %gather3A_495 = tpu.dynamic_gather %scan3A_170#0[%gather3A_494] in [0] : vector<16xf32>, vector<16xi32> -> vector<16xf32>
      %mul3A_496 = arith.mulf %gather3A_495, %get3A_464 : vector<16xf32>
      %add3A_497 = arith.addf %scan3A_428, %mul3A_496 : vector<16xf32>
      %lt3A_498 = arith.constant 0 : i32
      %lt3A_499 = vector.broadcast %lt3A_498 : i32 to vector<16xi32>
      %lt3A_500 = arith.cmpi slt, %broadcast_in_dim3A_473, %lt3A_499 : vector<16xi32>
      %add3A_501 = arith.constant 16 : i32
      %add3A_502 = vector.broadcast %add3A_501 : i32 to vector<16xi32>
      %add3A_503 = arith.addi %broadcast_in_dim3A_473, %add3A_502 : vector<16xi32>
      %select_n3A_504 = arith.select %lt3A_500, %add3A_503, %broadcast_in_dim3A_473 : vector<16xi1>, vector<16xi32>
      %reshape3A_505 = vector.shape_cast %select_n3A_504 : vector<16xi32> to vector<16x1xi32>
      %gather3A_506 = vector.shape_cast %reshape3A_505 : vector<16x1xi32> to vector<16xi32>
      %gather3A_507 = tpu.dynamic_gather %scan3A_170#0[%gather3A_506] in [0] : vector<16xf32>, vector<16xi32> -> vector<16xf32>
      %mul3A_508 = arith.mulf %gather3A_507, %get3A_467 : vector<16xf32>
      %add3A_509 = arith.addf %scan3A_429, %mul3A_508 : vector<16xf32>
      %lt3A_510 = arith.constant 0 : i32
      %lt3A_511 = vector.broadcast %lt3A_510 : i32 to vector<16xi32>
      %lt3A_512 = arith.cmpi slt, %broadcast_in_dim3A_473, %lt3A_511 : vector<16xi32>
      %add3A_513 = arith.constant 16 : i32
      %add3A_514 = vector.broadcast %add3A_513 : i32 to vector<16xi32>
      %add3A_515 = arith.addi %broadcast_in_dim3A_473, %add3A_514 : vector<16xi32>
      %select_n3A_516 = arith.select %lt3A_512, %add3A_515, %broadcast_in_dim3A_473 : vector<16xi1>, vector<16xi32>
      %reshape3A_517 = vector.shape_cast %select_n3A_516 : vector<16xi32> to vector<16x1xi32>
      %gather3A_518 = vector.shape_cast %reshape3A_517 : vector<16x1xi32> to vector<16xi32>
      %gather3A_519 = tpu.dynamic_gather %scan3A_170#0[%gather3A_518] in [0] : vector<16xf32>, vector<16xi32> -> vector<16xf32>
      %mul3A_520 = arith.mulf %gather3A_519, %get3A_470 : vector<16xf32>
      %add3A_521 = arith.addf %scan3A_430, %mul3A_520 : vector<16xf32>
      %lt3A_522 = arith.constant 0 : i32
      %lt3A_523 = vector.broadcast %lt3A_522 : i32 to vector<16xi32>
      %lt3A_524 = arith.cmpi slt, %broadcast_in_dim3A_473, %lt3A_523 : vector<16xi32>
      %add3A_525 = arith.constant 16 : i32
      %add3A_526 = vector.broadcast %add3A_525 : i32 to vector<16xi32>
      %add3A_527 = arith.addi %broadcast_in_dim3A_473, %add3A_526 : vector<16xi32>
      %select_n3A_528 = arith.select %lt3A_524, %add3A_527, %broadcast_in_dim3A_473 : vector<16xi1>, vector<16xi32>
      %reshape3A_529 = vector.shape_cast %select_n3A_528 : vector<16xi32> to vector<16x1xi32>
      %gather3A_530 = vector.shape_cast %reshape3A_529 : vector<16x1xi32> to vector<16xi32>
      %gather3A_531 = tpu.dynamic_gather %scan3A_170#1[%gather3A_530] in [0] : vector<16xf32>, vector<16xi32> -> vector<16xf32>
      %mul3A_532 = arith.mulf %gather3A_531, %get3A_461 : vector<16xf32>
      %add3A_533 = arith.addf %scan3A_431, %mul3A_532 : vector<16xf32>
      %lt3A_534 = arith.constant 0 : i32
      %lt3A_535 = vector.broadcast %lt3A_534 : i32 to vector<16xi32>
      %lt3A_536 = arith.cmpi slt, %broadcast_in_dim3A_473, %lt3A_535 : vector<16xi32>
      %add3A_537 = arith.constant 16 : i32
      %add3A_538 = vector.broadcast %add3A_537 : i32 to vector<16xi32>
      %add3A_539 = arith.addi %broadcast_in_dim3A_473, %add3A_538 : vector<16xi32>
      %select_n3A_540 = arith.select %lt3A_536, %add3A_539, %broadcast_in_dim3A_473 : vector<16xi1>, vector<16xi32>
      %reshape3A_541 = vector.shape_cast %select_n3A_540 : vector<16xi32> to vector<16x1xi32>
      %gather3A_542 = vector.shape_cast %reshape3A_541 : vector<16x1xi32> to vector<16xi32>
      %gather3A_543 = tpu.dynamic_gather %scan3A_170#1[%gather3A_542] in [0] : vector<16xf32>, vector<16xi32> -> vector<16xf32>
      %mul3A_544 = arith.mulf %gather3A_543, %get3A_464 : vector<16xf32>
      %add3A_545 = arith.addf %scan3A_432, %mul3A_544 : vector<16xf32>
      %lt3A_546 = arith.constant 0 : i32
      %lt3A_547 = vector.broadcast %lt3A_546 : i32 to vector<16xi32>
      %lt3A_548 = arith.cmpi slt, %broadcast_in_dim3A_473, %lt3A_547 : vector<16xi32>
      %add3A_549 = arith.constant 16 : i32
      %add3A_550 = vector.broadcast %add3A_549 : i32 to vector<16xi32>
      %add3A_551 = arith.addi %broadcast_in_dim3A_473, %add3A_550 : vector<16xi32>
      %select_n3A_552 = arith.select %lt3A_548, %add3A_551, %broadcast_in_dim3A_473 : vector<16xi1>, vector<16xi32>
      %reshape3A_553 = vector.shape_cast %select_n3A_552 : vector<16xi32> to vector<16x1xi32>
      %gather3A_554 = vector.shape_cast %reshape3A_553 : vector<16x1xi32> to vector<16xi32>
      %gather3A_555 = tpu.dynamic_gather %scan3A_170#1[%gather3A_554] in [0] : vector<16xf32>, vector<16xi32> -> vector<16xf32>
      %mul3A_556 = arith.mulf %gather3A_555, %get3A_467 : vector<16xf32>
      %add3A_557 = arith.addf %scan3A_433, %mul3A_556 : vector<16xf32>
      %lt3A_558 = arith.constant 0 : i32
      %lt3A_559 = vector.broadcast %lt3A_558 : i32 to vector<16xi32>
      %lt3A_560 = arith.cmpi slt, %broadcast_in_dim3A_473, %lt3A_559 : vector<16xi32>
      %add3A_561 = arith.constant 16 : i32
      %add3A_562 = vector.broadcast %add3A_561 : i32 to vector<16xi32>
      %add3A_563 = arith.addi %broadcast_in_dim3A_473, %add3A_562 : vector<16xi32>
      %select_n3A_564 = arith.select %lt3A_560, %add3A_563, %broadcast_in_dim3A_473 : vector<16xi1>, vector<16xi32>
      %reshape3A_565 = vector.shape_cast %select_n3A_564 : vector<16xi32> to vector<16x1xi32>
      %gather3A_566 = vector.shape_cast %reshape3A_565 : vector<16x1xi32> to vector<16xi32>
      %gather3A_567 = tpu.dynamic_gather %scan3A_170#1[%gather3A_566] in [0] : vector<16xf32>, vector<16xi32> -> vector<16xf32>
      %mul3A_568 = arith.mulf %gather3A_567, %get3A_470 : vector<16xf32>
      %add3A_569 = arith.addf %scan3A_434, %mul3A_568 : vector<16xf32>
      %lt3A_570 = arith.constant 0 : i32
      %lt3A_571 = vector.broadcast %lt3A_570 : i32 to vector<16xi32>
      %lt3A_572 = arith.cmpi slt, %broadcast_in_dim3A_473, %lt3A_571 : vector<16xi32>
      %add3A_573 = arith.constant 16 : i32
      %add3A_574 = vector.broadcast %add3A_573 : i32 to vector<16xi32>
      %add3A_575 = arith.addi %broadcast_in_dim3A_473, %add3A_574 : vector<16xi32>
      %select_n3A_576 = arith.select %lt3A_572, %add3A_575, %broadcast_in_dim3A_473 : vector<16xi1>, vector<16xi32>
      %reshape3A_577 = vector.shape_cast %select_n3A_576 : vector<16xi32> to vector<16x1xi32>
      %gather3A_578 = vector.shape_cast %reshape3A_577 : vector<16x1xi32> to vector<16xi32>
      %gather3A_579 = tpu.dynamic_gather %scan3A_170#2[%gather3A_578] in [0] : vector<16xf32>, vector<16xi32> -> vector<16xf32>
      %mul3A_580 = arith.mulf %gather3A_579, %get3A_461 : vector<16xf32>
      %add3A_581 = arith.addf %scan3A_435, %mul3A_580 : vector<16xf32>
      %lt3A_582 = arith.constant 0 : i32
      %lt3A_583 = vector.broadcast %lt3A_582 : i32 to vector<16xi32>
      %lt3A_584 = arith.cmpi slt, %broadcast_in_dim3A_473, %lt3A_583 : vector<16xi32>
      %add3A_585 = arith.constant 16 : i32
      %add3A_586 = vector.broadcast %add3A_585 : i32 to vector<16xi32>
      %add3A_587 = arith.addi %broadcast_in_dim3A_473, %add3A_586 : vector<16xi32>
      %select_n3A_588 = arith.select %lt3A_584, %add3A_587, %broadcast_in_dim3A_473 : vector<16xi1>, vector<16xi32>
      %reshape3A_589 = vector.shape_cast %select_n3A_588 : vector<16xi32> to vector<16x1xi32>
      %gather3A_590 = vector.shape_cast %reshape3A_589 : vector<16x1xi32> to vector<16xi32>
      %gather3A_591 = tpu.dynamic_gather %scan3A_170#2[%gather3A_590] in [0] : vector<16xf32>, vector<16xi32> -> vector<16xf32>
      %mul3A_592 = arith.mulf %gather3A_591, %get3A_464 : vector<16xf32>
      %add3A_593 = arith.addf %scan3A_436, %mul3A_592 : vector<16xf32>
      %lt3A_594 = arith.constant 0 : i32
      %lt3A_595 = vector.broadcast %lt3A_594 : i32 to vector<16xi32>
      %lt3A_596 = arith.cmpi slt, %broadcast_in_dim3A_473, %lt3A_595 : vector<16xi32>
      %add3A_597 = arith.constant 16 : i32
      %add3A_598 = vector.broadcast %add3A_597 : i32 to vector<16xi32>
      %add3A_599 = arith.addi %broadcast_in_dim3A_473, %add3A_598 : vector<16xi32>
      %select_n3A_600 = arith.select %lt3A_596, %add3A_599, %broadcast_in_dim3A_473 : vector<16xi1>, vector<16xi32>
      %reshape3A_601 = vector.shape_cast %select_n3A_600 : vector<16xi32> to vector<16x1xi32>
      %gather3A_602 = vector.shape_cast %reshape3A_601 : vector<16x1xi32> to vector<16xi32>
      %gather3A_603 = tpu.dynamic_gather %scan3A_170#2[%gather3A_602] in [0] : vector<16xf32>, vector<16xi32> -> vector<16xf32>
      %mul3A_604 = arith.mulf %gather3A_603, %get3A_467 : vector<16xf32>
      %add3A_605 = arith.addf %scan3A_437, %mul3A_604 : vector<16xf32>
      %lt3A_606 = arith.constant 0 : i32
      %lt3A_607 = vector.broadcast %lt3A_606 : i32 to vector<16xi32>
      %lt3A_608 = arith.cmpi slt, %broadcast_in_dim3A_473, %lt3A_607 : vector<16xi32>
      %add3A_609 = arith.constant 16 : i32
      %add3A_610 = vector.broadcast %add3A_609 : i32 to vector<16xi32>
      %add3A_611 = arith.addi %broadcast_in_dim3A_473, %add3A_610 : vector<16xi32>
      %select_n3A_612 = arith.select %lt3A_608, %add3A_611, %broadcast_in_dim3A_473 : vector<16xi1>, vector<16xi32>
      %reshape3A_613 = vector.shape_cast %select_n3A_612 : vector<16xi32> to vector<16x1xi32>
      %gather3A_614 = vector.shape_cast %reshape3A_613 : vector<16x1xi32> to vector<16xi32>
      %gather3A_615 = tpu.dynamic_gather %scan3A_170#2[%gather3A_614] in [0] : vector<16xf32>, vector<16xi32> -> vector<16xf32>
      %mul3A_616 = arith.mulf %gather3A_615, %get3A_470 : vector<16xf32>
      %add3A_617 = arith.addf %scan3A_438, %mul3A_616 : vector<16xf32>
      %lt3A_618 = arith.constant 0 : i32
      %lt3A_619 = vector.broadcast %lt3A_618 : i32 to vector<16xi32>
      %lt3A_620 = arith.cmpi slt, %broadcast_in_dim3A_473, %lt3A_619 : vector<16xi32>
      %add3A_621 = arith.constant 16 : i32
      %add3A_622 = vector.broadcast %add3A_621 : i32 to vector<16xi32>
      %add3A_623 = arith.addi %broadcast_in_dim3A_473, %add3A_622 : vector<16xi32>
      %select_n3A_624 = arith.select %lt3A_620, %add3A_623, %broadcast_in_dim3A_473 : vector<16xi1>, vector<16xi32>
      %reshape3A_625 = vector.shape_cast %select_n3A_624 : vector<16xi32> to vector<16x1xi32>
      %gather3A_626 = vector.shape_cast %reshape3A_625 : vector<16x1xi32> to vector<16xi32>
      %gather3A_627 = tpu.dynamic_gather %scan3A_170#3[%gather3A_626] in [0] : vector<16xf32>, vector<16xi32> -> vector<16xf32>
      %mul3A_628 = arith.mulf %gather3A_627, %get3A_461 : vector<16xf32>
      %add3A_629 = arith.addf %scan3A_439, %mul3A_628 : vector<16xf32>
      %lt3A_630 = arith.constant 0 : i32
      %lt3A_631 = vector.broadcast %lt3A_630 : i32 to vector<16xi32>
      %lt3A_632 = arith.cmpi slt, %broadcast_in_dim3A_473, %lt3A_631 : vector<16xi32>
      %add3A_633 = arith.constant 16 : i32
      %add3A_634 = vector.broadcast %add3A_633 : i32 to vector<16xi32>
      %add3A_635 = arith.addi %broadcast_in_dim3A_473, %add3A_634 : vector<16xi32>
      %select_n3A_636 = arith.select %lt3A_632, %add3A_635, %broadcast_in_dim3A_473 : vector<16xi1>, vector<16xi32>
      %reshape3A_637 = vector.shape_cast %select_n3A_636 : vector<16xi32> to vector<16x1xi32>
      %gather3A_638 = vector.shape_cast %reshape3A_637 : vector<16x1xi32> to vector<16xi32>
      %gather3A_639 = tpu.dynamic_gather %scan3A_170#3[%gather3A_638] in [0] : vector<16xf32>, vector<16xi32> -> vector<16xf32>
      %mul3A_640 = arith.mulf %gather3A_639, %get3A_464 : vector<16xf32>
      %add3A_641 = arith.addf %scan3A_440, %mul3A_640 : vector<16xf32>
      %lt3A_642 = arith.constant 0 : i32
      %lt3A_643 = vector.broadcast %lt3A_642 : i32 to vector<16xi32>
      %lt3A_644 = arith.cmpi slt, %broadcast_in_dim3A_473, %lt3A_643 : vector<16xi32>
      %add3A_645 = arith.constant 16 : i32
      %add3A_646 = vector.broadcast %add3A_645 : i32 to vector<16xi32>
      %add3A_647 = arith.addi %broadcast_in_dim3A_473, %add3A_646 : vector<16xi32>
      %select_n3A_648 = arith.select %lt3A_644, %add3A_647, %broadcast_in_dim3A_473 : vector<16xi1>, vector<16xi32>
      %reshape3A_649 = vector.shape_cast %select_n3A_648 : vector<16xi32> to vector<16x1xi32>
      %gather3A_650 = vector.shape_cast %reshape3A_649 : vector<16x1xi32> to vector<16xi32>
      %gather3A_651 = tpu.dynamic_gather %scan3A_170#3[%gather3A_650] in [0] : vector<16xf32>, vector<16xi32> -> vector<16xf32>
      %mul3A_652 = arith.mulf %gather3A_651, %get3A_467 : vector<16xf32>
      %add3A_653 = arith.addf %scan3A_441, %mul3A_652 : vector<16xf32>
      %lt3A_654 = arith.constant 0 : i32
      %lt3A_655 = vector.broadcast %lt3A_654 : i32 to vector<16xi32>
      %lt3A_656 = arith.cmpi slt, %broadcast_in_dim3A_473, %lt3A_655 : vector<16xi32>
      %add3A_657 = arith.constant 16 : i32
      %add3A_658 = vector.broadcast %add3A_657 : i32 to vector<16xi32>
      %add3A_659 = arith.addi %broadcast_in_dim3A_473, %add3A_658 : vector<16xi32>
      %select_n3A_660 = arith.select %lt3A_656, %add3A_659, %broadcast_in_dim3A_473 : vector<16xi1>, vector<16xi32>
      %reshape3A_661 = vector.shape_cast %select_n3A_660 : vector<16xi32> to vector<16x1xi32>
      %gather3A_662 = vector.shape_cast %reshape3A_661 : vector<16x1xi32> to vector<16xi32>
      %gather3A_663 = tpu.dynamic_gather %scan3A_170#3[%gather3A_662] in [0] : vector<16xf32>, vector<16xi32> -> vector<16xf32>
      %mul3A_664 = arith.mulf %gather3A_663, %get3A_470 : vector<16xf32>
      %add3A_665 = arith.addf %scan3A_442, %mul3A_664 : vector<16xf32>
      %lt3A_666 = arith.constant 0 : i32
      %lt3A_667 = vector.broadcast %lt3A_666 : i32 to vector<16xi32>
      %lt3A_668 = arith.cmpi slt, %broadcast_in_dim3A_473, %lt3A_667 : vector<16xi32>
      %add3A_669 = arith.constant 16 : i32
      %add3A_670 = vector.broadcast %add3A_669 : i32 to vector<16xi32>
      %add3A_671 = arith.addi %broadcast_in_dim3A_473, %add3A_670 : vector<16xi32>
      %select_n3A_672 = arith.select %lt3A_668, %add3A_671, %broadcast_in_dim3A_473 : vector<16xi1>, vector<16xi32>
      %reshape3A_673 = vector.shape_cast %select_n3A_672 : vector<16xi32> to vector<16x1xi32>
      %gather3A_674 = vector.shape_cast %reshape3A_673 : vector<16x1xi32> to vector<16xi32>
      %gather3A_675 = tpu.dynamic_gather %scan3A_170#4[%gather3A_674] in [0] : vector<16xf32>, vector<16xi32> -> vector<16xf32>
      %mul3A_676 = arith.mulf %gather3A_675, %get3A_461 : vector<16xf32>
      %add3A_677 = arith.addf %scan3A_443, %mul3A_676 : vector<16xf32>
      %lt3A_678 = arith.constant 0 : i32
      %lt3A_679 = vector.broadcast %lt3A_678 : i32 to vector<16xi32>
      %lt3A_680 = arith.cmpi slt, %broadcast_in_dim3A_473, %lt3A_679 : vector<16xi32>
      %add3A_681 = arith.constant 16 : i32
      %add3A_682 = vector.broadcast %add3A_681 : i32 to vector<16xi32>
      %add3A_683 = arith.addi %broadcast_in_dim3A_473, %add3A_682 : vector<16xi32>
      %select_n3A_684 = arith.select %lt3A_680, %add3A_683, %broadcast_in_dim3A_473 : vector<16xi1>, vector<16xi32>
      %reshape3A_685 = vector.shape_cast %select_n3A_684 : vector<16xi32> to vector<16x1xi32>
      %gather3A_686 = vector.shape_cast %reshape3A_685 : vector<16x1xi32> to vector<16xi32>
      %gather3A_687 = tpu.dynamic_gather %scan3A_170#4[%gather3A_686] in [0] : vector<16xf32>, vector<16xi32> -> vector<16xf32>
      %mul3A_688 = arith.mulf %gather3A_687, %get3A_464 : vector<16xf32>
      %add3A_689 = arith.addf %scan3A_444, %mul3A_688 : vector<16xf32>
      %lt3A_690 = arith.constant 0 : i32
      %lt3A_691 = vector.broadcast %lt3A_690 : i32 to vector<16xi32>
      %lt3A_692 = arith.cmpi slt, %broadcast_in_dim3A_473, %lt3A_691 : vector<16xi32>
      %add3A_693 = arith.constant 16 : i32
      %add3A_694 = vector.broadcast %add3A_693 : i32 to vector<16xi32>
      %add3A_695 = arith.addi %broadcast_in_dim3A_473, %add3A_694 : vector<16xi32>
      %select_n3A_696 = arith.select %lt3A_692, %add3A_695, %broadcast_in_dim3A_473 : vector<16xi1>, vector<16xi32>
      %reshape3A_697 = vector.shape_cast %select_n3A_696 : vector<16xi32> to vector<16x1xi32>
      %gather3A_698 = vector.shape_cast %reshape3A_697 : vector<16x1xi32> to vector<16xi32>
      %gather3A_699 = tpu.dynamic_gather %scan3A_170#4[%gather3A_698] in [0] : vector<16xf32>, vector<16xi32> -> vector<16xf32>
      %mul3A_700 = arith.mulf %gather3A_699, %get3A_467 : vector<16xf32>
      %add3A_701 = arith.addf %scan3A_445, %mul3A_700 : vector<16xf32>
      %lt3A_702 = arith.constant 0 : i32
      %lt3A_703 = vector.broadcast %lt3A_702 : i32 to vector<16xi32>
      %lt3A_704 = arith.cmpi slt, %broadcast_in_dim3A_473, %lt3A_703 : vector<16xi32>
      %add3A_705 = arith.constant 16 : i32
      %add3A_706 = vector.broadcast %add3A_705 : i32 to vector<16xi32>
      %add3A_707 = arith.addi %broadcast_in_dim3A_473, %add3A_706 : vector<16xi32>
      %select_n3A_708 = arith.select %lt3A_704, %add3A_707, %broadcast_in_dim3A_473 : vector<16xi1>, vector<16xi32>
      %reshape3A_709 = vector.shape_cast %select_n3A_708 : vector<16xi32> to vector<16x1xi32>
      %gather3A_710 = vector.shape_cast %reshape3A_709 : vector<16x1xi32> to vector<16xi32>
      %gather3A_711 = tpu.dynamic_gather %scan3A_170#4[%gather3A_710] in [0] : vector<16xf32>, vector<16xi32> -> vector<16xf32>
      %mul3A_712 = arith.mulf %gather3A_711, %get3A_470 : vector<16xf32>
      %add3A_713 = arith.addf %scan3A_446, %mul3A_712 : vector<16xf32>
      %lt3A_714 = arith.constant 0 : i32
      %lt3A_715 = vector.broadcast %lt3A_714 : i32 to vector<16xi32>
      %lt3A_716 = arith.cmpi slt, %broadcast_in_dim3A_473, %lt3A_715 : vector<16xi32>
      %add3A_717 = arith.constant 16 : i32
      %add3A_718 = vector.broadcast %add3A_717 : i32 to vector<16xi32>
      %add3A_719 = arith.addi %broadcast_in_dim3A_473, %add3A_718 : vector<16xi32>
      %select_n3A_720 = arith.select %lt3A_716, %add3A_719, %broadcast_in_dim3A_473 : vector<16xi1>, vector<16xi32>
      %reshape3A_721 = vector.shape_cast %select_n3A_720 : vector<16xi32> to vector<16x1xi32>
      %gather3A_722 = vector.shape_cast %reshape3A_721 : vector<16x1xi32> to vector<16xi32>
      %gather3A_723 = tpu.dynamic_gather %scan3A_170#5[%gather3A_722] in [0] : vector<16xf32>, vector<16xi32> -> vector<16xf32>
      %mul3A_724 = arith.mulf %gather3A_723, %get3A_461 : vector<16xf32>
      %add3A_725 = arith.addf %scan3A_447, %mul3A_724 : vector<16xf32>
      %lt3A_726 = arith.constant 0 : i32
      %lt3A_727 = vector.broadcast %lt3A_726 : i32 to vector<16xi32>
      %lt3A_728 = arith.cmpi slt, %broadcast_in_dim3A_473, %lt3A_727 : vector<16xi32>
      %add3A_729 = arith.constant 16 : i32
      %add3A_730 = vector.broadcast %add3A_729 : i32 to vector<16xi32>
      %add3A_731 = arith.addi %broadcast_in_dim3A_473, %add3A_730 : vector<16xi32>
      %select_n3A_732 = arith.select %lt3A_728, %add3A_731, %broadcast_in_dim3A_473 : vector<16xi1>, vector<16xi32>
      %reshape3A_733 = vector.shape_cast %select_n3A_732 : vector<16xi32> to vector<16x1xi32>
      %gather3A_734 = vector.shape_cast %reshape3A_733 : vector<16x1xi32> to vector<16xi32>
      %gather3A_735 = tpu.dynamic_gather %scan3A_170#5[%gather3A_734] in [0] : vector<16xf32>, vector<16xi32> -> vector<16xf32>
      %mul3A_736 = arith.mulf %gather3A_735, %get3A_464 : vector<16xf32>
      %add3A_737 = arith.addf %scan3A_448, %mul3A_736 : vector<16xf32>
      %lt3A_738 = arith.constant 0 : i32
      %lt3A_739 = vector.broadcast %lt3A_738 : i32 to vector<16xi32>
      %lt3A_740 = arith.cmpi slt, %broadcast_in_dim3A_473, %lt3A_739 : vector<16xi32>
      %add3A_741 = arith.constant 16 : i32
      %add3A_742 = vector.broadcast %add3A_741 : i32 to vector<16xi32>
      %add3A_743 = arith.addi %broadcast_in_dim3A_473, %add3A_742 : vector<16xi32>
      %select_n3A_744 = arith.select %lt3A_740, %add3A_743, %broadcast_in_dim3A_473 : vector<16xi1>, vector<16xi32>
      %reshape3A_745 = vector.shape_cast %select_n3A_744 : vector<16xi32> to vector<16x1xi32>
      %gather3A_746 = vector.shape_cast %reshape3A_745 : vector<16x1xi32> to vector<16xi32>
      %gather3A_747 = tpu.dynamic_gather %scan3A_170#5[%gather3A_746] in [0] : vector<16xf32>, vector<16xi32> -> vector<16xf32>
      %mul3A_748 = arith.mulf %gather3A_747, %get3A_467 : vector<16xf32>
      %add3A_749 = arith.addf %scan3A_449, %mul3A_748 : vector<16xf32>
      %lt3A_750 = arith.constant 0 : i32
      %lt3A_751 = vector.broadcast %lt3A_750 : i32 to vector<16xi32>
      %lt3A_752 = arith.cmpi slt, %broadcast_in_dim3A_473, %lt3A_751 : vector<16xi32>
      %add3A_753 = arith.constant 16 : i32
      %add3A_754 = vector.broadcast %add3A_753 : i32 to vector<16xi32>
      %add3A_755 = arith.addi %broadcast_in_dim3A_473, %add3A_754 : vector<16xi32>
      %select_n3A_756 = arith.select %lt3A_752, %add3A_755, %broadcast_in_dim3A_473 : vector<16xi1>, vector<16xi32>
      %reshape3A_757 = vector.shape_cast %select_n3A_756 : vector<16xi32> to vector<16x1xi32>
      %gather3A_758 = vector.shape_cast %reshape3A_757 : vector<16x1xi32> to vector<16xi32>
      %gather3A_759 = tpu.dynamic_gather %scan3A_170#5[%gather3A_758] in [0] : vector<16xf32>, vector<16xi32> -> vector<16xf32>
      %mul3A_760 = arith.mulf %gather3A_759, %get3A_470 : vector<16xf32>
      %add3A_761 = arith.addf %scan3A_450, %mul3A_760 : vector<16xf32>
      %lt3A_762 = arith.constant 0 : i32
      %lt3A_763 = vector.broadcast %lt3A_762 : i32 to vector<16xi32>
      %lt3A_764 = arith.cmpi slt, %broadcast_in_dim3A_473, %lt3A_763 : vector<16xi32>
      %add3A_765 = arith.constant 16 : i32
      %add3A_766 = vector.broadcast %add3A_765 : i32 to vector<16xi32>
      %add3A_767 = arith.addi %broadcast_in_dim3A_473, %add3A_766 : vector<16xi32>
      %select_n3A_768 = arith.select %lt3A_764, %add3A_767, %broadcast_in_dim3A_473 : vector<16xi1>, vector<16xi32>
      %reshape3A_769 = vector.shape_cast %select_n3A_768 : vector<16xi32> to vector<16x1xi32>
      %gather3A_770 = vector.shape_cast %reshape3A_769 : vector<16x1xi32> to vector<16xi32>
      %gather3A_771 = tpu.dynamic_gather %scan3A_170#6[%gather3A_770] in [0] : vector<16xf32>, vector<16xi32> -> vector<16xf32>
      %mul3A_772 = arith.mulf %gather3A_771, %get3A_461 : vector<16xf32>
      %add3A_773 = arith.addf %scan3A_451, %mul3A_772 : vector<16xf32>
      %lt3A_774 = arith.constant 0 : i32
      %lt3A_775 = vector.broadcast %lt3A_774 : i32 to vector<16xi32>
      %lt3A_776 = arith.cmpi slt, %broadcast_in_dim3A_473, %lt3A_775 : vector<16xi32>
      %add3A_777 = arith.constant 16 : i32
      %add3A_778 = vector.broadcast %add3A_777 : i32 to vector<16xi32>
      %add3A_779 = arith.addi %broadcast_in_dim3A_473, %add3A_778 : vector<16xi32>
      %select_n3A_780 = arith.select %lt3A_776, %add3A_779, %broadcast_in_dim3A_473 : vector<16xi1>, vector<16xi32>
      %reshape3A_781 = vector.shape_cast %select_n3A_780 : vector<16xi32> to vector<16x1xi32>
      %gather3A_782 = vector.shape_cast %reshape3A_781 : vector<16x1xi32> to vector<16xi32>
      %gather3A_783 = tpu.dynamic_gather %scan3A_170#6[%gather3A_782] in [0] : vector<16xf32>, vector<16xi32> -> vector<16xf32>
      %mul3A_784 = arith.mulf %gather3A_783, %get3A_464 : vector<16xf32>
      %add3A_785 = arith.addf %scan3A_452, %mul3A_784 : vector<16xf32>
      %lt3A_786 = arith.constant 0 : i32
      %lt3A_787 = vector.broadcast %lt3A_786 : i32 to vector<16xi32>
      %lt3A_788 = arith.cmpi slt, %broadcast_in_dim3A_473, %lt3A_787 : vector<16xi32>
      %add3A_789 = arith.constant 16 : i32
      %add3A_790 = vector.broadcast %add3A_789 : i32 to vector<16xi32>
      %add3A_791 = arith.addi %broadcast_in_dim3A_473, %add3A_790 : vector<16xi32>
      %select_n3A_792 = arith.select %lt3A_788, %add3A_791, %broadcast_in_dim3A_473 : vector<16xi1>, vector<16xi32>
      %reshape3A_793 = vector.shape_cast %select_n3A_792 : vector<16xi32> to vector<16x1xi32>
      %gather3A_794 = vector.shape_cast %reshape3A_793 : vector<16x1xi32> to vector<16xi32>
      %gather3A_795 = tpu.dynamic_gather %scan3A_170#6[%gather3A_794] in [0] : vector<16xf32>, vector<16xi32> -> vector<16xf32>
      %mul3A_796 = arith.mulf %gather3A_795, %get3A_467 : vector<16xf32>
      %add3A_797 = arith.addf %scan3A_453, %mul3A_796 : vector<16xf32>
      %lt3A_798 = arith.constant 0 : i32
      %lt3A_799 = vector.broadcast %lt3A_798 : i32 to vector<16xi32>
      %lt3A_800 = arith.cmpi slt, %broadcast_in_dim3A_473, %lt3A_799 : vector<16xi32>
      %add3A_801 = arith.constant 16 : i32
      %add3A_802 = vector.broadcast %add3A_801 : i32 to vector<16xi32>
      %add3A_803 = arith.addi %broadcast_in_dim3A_473, %add3A_802 : vector<16xi32>
      %select_n3A_804 = arith.select %lt3A_800, %add3A_803, %broadcast_in_dim3A_473 : vector<16xi1>, vector<16xi32>
      %reshape3A_805 = vector.shape_cast %select_n3A_804 : vector<16xi32> to vector<16x1xi32>
      %gather3A_806 = vector.shape_cast %reshape3A_805 : vector<16x1xi32> to vector<16xi32>
      %gather3A_807 = tpu.dynamic_gather %scan3A_170#6[%gather3A_806] in [0] : vector<16xf32>, vector<16xi32> -> vector<16xf32>
      %mul3A_808 = arith.mulf %gather3A_807, %get3A_470 : vector<16xf32>
      %add3A_809 = arith.addf %scan3A_454, %mul3A_808 : vector<16xf32>
      %lt3A_810 = arith.constant 0 : i32
      %lt3A_811 = vector.broadcast %lt3A_810 : i32 to vector<16xi32>
      %lt3A_812 = arith.cmpi slt, %broadcast_in_dim3A_473, %lt3A_811 : vector<16xi32>
      %add3A_813 = arith.constant 16 : i32
      %add3A_814 = vector.broadcast %add3A_813 : i32 to vector<16xi32>
      %add3A_815 = arith.addi %broadcast_in_dim3A_473, %add3A_814 : vector<16xi32>
      %select_n3A_816 = arith.select %lt3A_812, %add3A_815, %broadcast_in_dim3A_473 : vector<16xi1>, vector<16xi32>
      %reshape3A_817 = vector.shape_cast %select_n3A_816 : vector<16xi32> to vector<16x1xi32>
      %gather3A_818 = vector.shape_cast %reshape3A_817 : vector<16x1xi32> to vector<16xi32>
      %gather3A_819 = tpu.dynamic_gather %scan3A_170#7[%gather3A_818] in [0] : vector<16xf32>, vector<16xi32> -> vector<16xf32>
      %mul3A_820 = arith.mulf %gather3A_819, %get3A_461 : vector<16xf32>
      %add3A_821 = arith.addf %scan3A_455, %mul3A_820 : vector<16xf32>
      %lt3A_822 = arith.constant 0 : i32
      %lt3A_823 = vector.broadcast %lt3A_822 : i32 to vector<16xi32>
      %lt3A_824 = arith.cmpi slt, %broadcast_in_dim3A_473, %lt3A_823 : vector<16xi32>
      %add3A_825 = arith.constant 16 : i32
      %add3A_826 = vector.broadcast %add3A_825 : i32 to vector<16xi32>
      %add3A_827 = arith.addi %broadcast_in_dim3A_473, %add3A_826 : vector<16xi32>
      %select_n3A_828 = arith.select %lt3A_824, %add3A_827, %broadcast_in_dim3A_473 : vector<16xi1>, vector<16xi32>
      %reshape3A_829 = vector.shape_cast %select_n3A_828 : vector<16xi32> to vector<16x1xi32>
      %gather3A_830 = vector.shape_cast %reshape3A_829 : vector<16x1xi32> to vector<16xi32>
      %gather3A_831 = tpu.dynamic_gather %scan3A_170#7[%gather3A_830] in [0] : vector<16xf32>, vector<16xi32> -> vector<16xf32>
      %mul3A_832 = arith.mulf %gather3A_831, %get3A_464 : vector<16xf32>
      %add3A_833 = arith.addf %scan3A_456, %mul3A_832 : vector<16xf32>
      %lt3A_834 = arith.constant 0 : i32
      %lt3A_835 = vector.broadcast %lt3A_834 : i32 to vector<16xi32>
      %lt3A_836 = arith.cmpi slt, %broadcast_in_dim3A_473, %lt3A_835 : vector<16xi32>
      %add3A_837 = arith.constant 16 : i32
      %add3A_838 = vector.broadcast %add3A_837 : i32 to vector<16xi32>
      %add3A_839 = arith.addi %broadcast_in_dim3A_473, %add3A_838 : vector<16xi32>
      %select_n3A_840 = arith.select %lt3A_836, %add3A_839, %broadcast_in_dim3A_473 : vector<16xi1>, vector<16xi32>
      %reshape3A_841 = vector.shape_cast %select_n3A_840 : vector<16xi32> to vector<16x1xi32>
      %gather3A_842 = vector.shape_cast %reshape3A_841 : vector<16x1xi32> to vector<16xi32>
      %gather3A_843 = tpu.dynamic_gather %scan3A_170#7[%gather3A_842] in [0] : vector<16xf32>, vector<16xi32> -> vector<16xf32>
      %mul3A_844 = arith.mulf %gather3A_843, %get3A_467 : vector<16xf32>
      %add3A_845 = arith.addf %scan3A_457, %mul3A_844 : vector<16xf32>
      %lt3A_846 = arith.constant 0 : i32
      %lt3A_847 = vector.broadcast %lt3A_846 : i32 to vector<16xi32>
      %lt3A_848 = arith.cmpi slt, %broadcast_in_dim3A_473, %lt3A_847 : vector<16xi32>
      %add3A_849 = arith.constant 16 : i32
      %add3A_850 = vector.broadcast %add3A_849 : i32 to vector<16xi32>
      %add3A_851 = arith.addi %broadcast_in_dim3A_473, %add3A_850 : vector<16xi32>
      %select_n3A_852 = arith.select %lt3A_848, %add3A_851, %broadcast_in_dim3A_473 : vector<16xi1>, vector<16xi32>
      %reshape3A_853 = vector.shape_cast %select_n3A_852 : vector<16xi32> to vector<16x1xi32>
      %gather3A_854 = vector.shape_cast %reshape3A_853 : vector<16x1xi32> to vector<16xi32>
      %gather3A_855 = tpu.dynamic_gather %scan3A_170#7[%gather3A_854] in [0] : vector<16xf32>, vector<16xi32> -> vector<16xf32>
      %mul3A_856 = arith.mulf %gather3A_855, %get3A_470 : vector<16xf32>
      %add3A_857 = arith.addf %scan3A_458, %mul3A_856 : vector<16xf32>
      scf.yield %add3A_485, %add3A_497, %add3A_509, %add3A_521, %add3A_533, %add3A_545, %add3A_557, %add3A_569, %add3A_581, %add3A_593, %add3A_605, %add3A_617, %add3A_629, %add3A_641, %add3A_653, %add3A_665, %add3A_677, %add3A_689, %add3A_701, %add3A_713, %add3A_725, %add3A_737, %add3A_749, %add3A_761, %add3A_773, %add3A_785, %add3A_797, %add3A_809, %add3A_821, %add3A_833, %add3A_845, %add3A_857 : vector<16xf32>, vector<16xf32>, vector<16xf32>, vector<16xf32>, vector<16xf32>, vector<16xf32>, vector<16xf32>, vector<16xf32>, vector<16xf32>, vector<16xf32>, vector<16xf32>, vector<16xf32>, vector<16xf32>, vector<16xf32>, vector<16xf32>, vector<16xf32>, vector<16xf32>, vector<16xf32>, vector<16xf32>, vector<16xf32>, vector<16xf32>, vector<16xf32>, vector<16xf32>, vector<16xf32>, vector<16xf32>, vector<16xf32>, vector<16xf32>, vector<16xf32>, vector<16xf32>, vector<16xf32>, vector<16xf32>, vector<16xf32>
    }
    %scan3A_247 = arith.constant 8 : i32
    %scan3A_248 = arith.constant 0 : i32
    %scan3A_249 = arith.constant 0 : i32
    %scan3A_250 = arith.constant 8 : i32
    %scan3A_251 = arith.addi %scan3A_249, %scan3A_250 : i32
    %scan3A_252 = arith.constant 1 : i32
    scf.for %scan3A_426 = %scan3A_249 to %scan3A_251 step %scan3A_252  : i32 {
      %get3A_427 = arith.index_cast %scan3A_426 : i32 to index
      %get3A_428 = arith.constant 0 : index
      %get3A_429 = tpu.vector_load %arg11[%get3A_427, %get3A_428] {strides = array<i32>} : memref<8x64xf32, #tpu.memory_space<vmem>>, vector<16xf32>,
      %get3A_430 = arith.index_cast %scan3A_426 : i32 to index
      %get3A_431 = arith.constant 16 : index
      %get3A_432 = tpu.vector_load %arg11[%get3A_430, %get3A_431] {strides = array<i32>} : memref<8x64xf32, #tpu.memory_space<vmem>>, vector<16xf32>,
      %get3A_433 = arith.index_cast %scan3A_426 : i32 to index
      %get3A_434 = arith.constant 32 : index
      %get3A_435 = tpu.vector_load %arg11[%get3A_433, %get3A_434] {strides = array<i32>} : memref<8x64xf32, #tpu.memory_space<vmem>>, vector<16xf32>,
      %get3A_436 = arith.index_cast %scan3A_426 : i32 to index
      %get3A_437 = arith.constant 48 : index
      %get3A_438 = tpu.vector_load %arg11[%get3A_436, %get3A_437] {strides = array<i32>} : memref<8x64xf32, #tpu.memory_space<vmem>>, vector<16xf32>,
      %add3A_439 = arith.addf %get3A_429, %scan3A_246#0 : vector<16xf32>
      %mul3A_440 = arith.constant 8 : i32
      %mul3A_441 = arith.muli %scan3A_426, %mul3A_440 : i32
      %mul3A_442 = arith.constant 64 : i32
      %mul3A_443 = arith.muli %mul3A_441, %mul3A_442 : i32
      %add3A_444 = arith.constant 0 : i32
      %add3A_445 = arith.addi %mul3A_443, %add3A_444 : i32
      %add3A_446 = arith.constant 0 : i32
      %add3A_447 = arith.addi %add3A_445, %add3A_446 : i32
      %swap3A_448 = arith.index_cast %add3A_447 : i32 to index
      %swap3A_449 = tpu.vector_load %arg16[%swap3A_448] {strides = array<i32>} : memref<4096xf32, #tpu.memory_space<vmem>>, vector<16xf32>,
      tpu.vector_store %arg16[%swap3A_448], %add3A_439 {strides = array<i32>} : memref<4096xf32, #tpu.memory_space<vmem>>, vector<16xf32>,
      %add3A_450 = arith.addf %get3A_432, %scan3A_246#1 : vector<16xf32>
      %mul3A_451 = arith.constant 8 : i32
      %mul3A_452 = arith.muli %scan3A_426, %mul3A_451 : i32
      %mul3A_453 = arith.constant 64 : i32
      %mul3A_454 = arith.muli %mul3A_452, %mul3A_453 : i32
      %add3A_455 = arith.constant 0 : i32
      %add3A_456 = arith.addi %mul3A_454, %add3A_455 : i32
      %add3A_457 = arith.constant 16 : i32
      %add3A_458 = arith.addi %add3A_456, %add3A_457 : i32
      %swap3A_459 = arith.index_cast %add3A_458 : i32 to index
      %swap3A_460 = tpu.vector_load %arg16[%swap3A_459] {strides = array<i32>} : memref<4096xf32, #tpu.memory_space<vmem>>, vector<16xf32>,
      tpu.vector_store %arg16[%swap3A_459], %add3A_450 {strides = array<i32>} : memref<4096xf32, #tpu.memory_space<vmem>>, vector<16xf32>,
      %add3A_461 = arith.addf %get3A_435, %scan3A_246#2 : vector<16xf32>
      %mul3A_462 = arith.constant 8 : i32
      %mul3A_463 = arith.muli %scan3A_426, %mul3A_462 : i32
      %mul3A_464 = arith.constant 64 : i32
      %mul3A_465 = arith.muli %mul3A_463, %mul3A_464 : i32
      %add3A_466 = arith.constant 0 : i32
      %add3A_467 = arith.addi %mul3A_465, %add3A_466 : i32
      %add3A_468 = arith.constant 32 : i32
      %add3A_469 = arith.addi %add3A_467, %add3A_468 : i32
      %swap3A_470 = arith.index_cast %add3A_469 : i32 to index
      %swap3A_471 = tpu.vector_load %arg16[%swap3A_470] {strides = array<i32>} : memref<4096xf32, #tpu.memory_space<vmem>>, vector<16xf32>,
      tpu.vector_store %arg16[%swap3A_470], %add3A_461 {strides = array<i32>} : memref<4096xf32, #tpu.memory_space<vmem>>, vector<16xf32>,
      %add3A_472 = arith.addf %get3A_438, %scan3A_246#3 : vector<16xf32>
      %mul3A_473 = arith.constant 8 : i32
      %mul3A_474 = arith.muli %scan3A_426, %mul3A_473 : i32
      %mul3A_475 = arith.constant 64 : i32
      %mul3A_476 = arith.muli %mul3A_474, %mul3A_475 : i32
      %add3A_477 = arith.constant 0 : i32
      %add3A_478 = arith.addi %mul3A_476, %add3A_477 : i32
      %add3A_479 = arith.constant 48 : i32
      %add3A_480 = arith.addi %add3A_478, %add3A_479 : i32
      %swap3A_481 = arith.index_cast %add3A_480 : i32 to index
      %swap3A_482 = tpu.vector_load %arg16[%swap3A_481] {strides = array<i32>} : memref<4096xf32, #tpu.memory_space<vmem>>, vector<16xf32>,
      tpu.vector_store %arg16[%swap3A_481], %add3A_472 {strides = array<i32>} : memref<4096xf32, #tpu.memory_space<vmem>>, vector<16xf32>,
      %add3A_483 = arith.addf %get3A_429, %scan3A_246#4 : vector<16xf32>
      %mul3A_484 = arith.constant 8 : i32
      %mul3A_485 = arith.muli %scan3A_426, %mul3A_484 : i32
      %mul3A_486 = arith.constant 64 : i32
      %mul3A_487 = arith.muli %mul3A_485, %mul3A_486 : i32
      %add3A_488 = arith.constant 64 : i32
      %add3A_489 = arith.addi %mul3A_487, %add3A_488 : i32
      %add3A_490 = arith.constant 0 : i32
      %add3A_491 = arith.addi %add3A_489, %add3A_490 : i32
      %swap3A_492 = arith.index_cast %add3A_491 : i32 to index
      %swap3A_493 = tpu.vector_load %arg16[%swap3A_492] {strides = array<i32>} : memref<4096xf32, #tpu.memory_space<vmem>>, vector<16xf32>,
      tpu.vector_store %arg16[%swap3A_492], %add3A_483 {strides = array<i32>} : memref<4096xf32, #tpu.memory_space<vmem>>, vector<16xf32>,
      %add3A_494 = arith.addf %get3A_432, %scan3A_246#5 : vector<16xf32>
      %mul3A_495 = arith.constant 8 : i32
      %mul3A_496 = arith.muli %scan3A_426, %mul3A_495 : i32
      %mul3A_497 = arith.constant 64 : i32
      %mul3A_498 = arith.muli %mul3A_496, %mul3A_497 : i32
      %add3A_499 = arith.constant 64 : i32
      %add3A_500 = arith.addi %mul3A_498, %add3A_499 : i32
      %add3A_501 = arith.constant 16 : i32
      %add3A_502 = arith.addi %add3A_500, %add3A_501 : i32
      %swap3A_503 = arith.index_cast %add3A_502 : i32 to index
      %swap3A_504 = tpu.vector_load %arg16[%swap3A_503] {strides = array<i32>} : memref<4096xf32, #tpu.memory_space<vmem>>, vector<16xf32>,
      tpu.vector_store %arg16[%swap3A_503], %add3A_494 {strides = array<i32>} : memref<4096xf32, #tpu.memory_space<vmem>>, vector<16xf32>,
      %add3A_505 = arith.addf %get3A_435, %scan3A_246#6 : vector<16xf32>
      %mul3A_506 = arith.constant 8 : i32
      %mul3A_507 = arith.muli %scan3A_426, %mul3A_506 : i32
      %mul3A_508 = arith.constant 64 : i32
      %mul3A_509 = arith.muli %mul3A_507, %mul3A_508 : i32
      %add3A_510 = arith.constant 64 : i32
      %add3A_511 = arith.addi %mul3A_509, %add3A_510 : i32
      %add3A_512 = arith.constant 32 : i32
      %add3A_513 = arith.addi %add3A_511, %add3A_512 : i32
      %swap3A_514 = arith.index_cast %add3A_513 : i32 to index
      %swap3A_515 = tpu.vector_load %arg16[%swap3A_514] {strides = array<i32>} : memref<4096xf32, #tpu.memory_space<vmem>>, vector<16xf32>,
      tpu.vector_store %arg16[%swap3A_514], %add3A_505 {strides = array<i32>} : memref<4096xf32, #tpu.memory_space<vmem>>, vector<16xf32>,
      %add3A_516 = arith.addf %get3A_438, %scan3A_246#7 : vector<16xf32>
      %mul3A_517 = arith.constant 8 : i32
      %mul3A_518 = arith.muli %scan3A_426, %mul3A_517 : i32
      %mul3A_519 = arith.constant 64 : i32
      %mul3A_520 = arith.muli %mul3A_518, %mul3A_519 : i32
      %add3A_521 = arith.constant 64 : i32
      %add3A_522 = arith.addi %mul3A_520, %add3A_521 : i32
      %add3A_523 = arith.constant 48 : i32
      %add3A_524 = arith.addi %add3A_522, %add3A_523 : i32
      %swap3A_525 = arith.index_cast %add3A_524 : i32 to index
      %swap3A_526 = tpu.vector_load %arg16[%swap3A_525] {strides = array<i32>} : memref<4096xf32, #tpu.memory_space<vmem>>, vector<16xf32>,
      tpu.vector_store %arg16[%swap3A_525], %add3A_516 {strides = array<i32>} : memref<4096xf32, #tpu.memory_space<vmem>>, vector<16xf32>,
      %add3A_527 = arith.addf %get3A_429, %scan3A_246#8 : vector<16xf32>
      %mul3A_528 = arith.constant 8 : i32
      %mul3A_529 = arith.muli %scan3A_426, %mul3A_528 : i32
      %mul3A_530 = arith.constant 64 : i32
      %mul3A_531 = arith.muli %mul3A_529, %mul3A_530 : i32
      %add3A_532 = arith.constant 128 : i32
      %add3A_533 = arith.addi %mul3A_531, %add3A_532 : i32
      %add3A_534 = arith.constant 0 : i32
      %add3A_535 = arith.addi %add3A_533, %add3A_534 : i32
      %swap3A_536 = arith.index_cast %add3A_535 : i32 to index
      %swap3A_537 = tpu.vector_load %arg16[%swap3A_536] {strides = array<i32>} : memref<4096xf32, #tpu.memory_space<vmem>>, vector<16xf32>,
      tpu.vector_store %arg16[%swap3A_536], %add3A_527 {strides = array<i32>} : memref<4096xf32, #tpu.memory_space<vmem>>, vector<16xf32>,
      %add3A_538 = arith.addf %get3A_432, %scan3A_246#9 : vector<16xf32>
      %mul3A_539 = arith.constant 8 : i32
      %mul3A_540 = arith.muli %scan3A_426, %mul3A_539 : i32
      %mul3A_541 = arith.constant 64 : i32
      %mul3A_542 = arith.muli %mul3A_540, %mul3A_541 : i32
      %add3A_543 = arith.constant 128 : i32
      %add3A_544 = arith.addi %mul3A_542, %add3A_543 : i32
      %add3A_545 = arith.constant 16 : i32
      %add3A_546 = arith.addi %add3A_544, %add3A_545 : i32
      %swap3A_547 = arith.index_cast %add3A_546 : i32 to index
      %swap3A_548 = tpu.vector_load %arg16[%swap3A_547] {strides = array<i32>} : memref<4096xf32, #tpu.memory_space<vmem>>, vector<16xf32>,
      tpu.vector_store %arg16[%swap3A_547], %add3A_538 {strides = array<i32>} : memref<4096xf32, #tpu.memory_space<vmem>>, vector<16xf32>,
      %add3A_549 = arith.addf %get3A_435, %scan3A_246#10 : vector<16xf32>
      %mul3A_550 = arith.constant 8 : i32
      %mul3A_551 = arith.muli %scan3A_426, %mul3A_550 : i32
      %mul3A_552 = arith.constant 64 : i32
      %mul3A_553 = arith.muli %mul3A_551, %mul3A_552 : i32
      %add3A_554 = arith.constant 128 : i32
      %add3A_555 = arith.addi %mul3A_553, %add3A_554 : i32
      %add3A_556 = arith.constant 32 : i32
      %add3A_557 = arith.addi %add3A_555, %add3A_556 : i32
      %swap3A_558 = arith.index_cast %add3A_557 : i32 to index
      %swap3A_559 = tpu.vector_load %arg16[%swap3A_558] {strides = array<i32>} : memref<4096xf32, #tpu.memory_space<vmem>>, vector<16xf32>,
      tpu.vector_store %arg16[%swap3A_558], %add3A_549 {strides = array<i32>} : memref<4096xf32, #tpu.memory_space<vmem>>, vector<16xf32>,
      %add3A_560 = arith.addf %get3A_438, %scan3A_246#11 : vector<16xf32>
      %mul3A_561 = arith.constant 8 : i32
      %mul3A_562 = arith.muli %scan3A_426, %mul3A_561 : i32
      %mul3A_563 = arith.constant 64 : i32
      %mul3A_564 = arith.muli %mul3A_562, %mul3A_563 : i32
      %add3A_565 = arith.constant 128 : i32
      %add3A_566 = arith.addi %mul3A_564, %add3A_565 : i32
      %add3A_567 = arith.constant 48 : i32
      %add3A_568 = arith.addi %add3A_566, %add3A_567 : i32
      %swap3A_569 = arith.index_cast %add3A_568 : i32 to index
      %swap3A_570 = tpu.vector_load %arg16[%swap3A_569] {strides = array<i32>} : memref<4096xf32, #tpu.memory_space<vmem>>, vector<16xf32>,
      tpu.vector_store %arg16[%swap3A_569], %add3A_560 {strides = array<i32>} : memref<4096xf32, #tpu.memory_space<vmem>>, vector<16xf32>,
      %add3A_571 = arith.addf %get3A_429, %scan3A_246#12 : vector<16xf32>
      %mul3A_572 = arith.constant 8 : i32
      %mul3A_573 = arith.muli %scan3A_426, %mul3A_572 : i32
      %mul3A_574 = arith.constant 64 : i32
      %mul3A_575 = arith.muli %mul3A_573, %mul3A_574 : i32
      %add3A_576 = arith.constant 192 : i32
      %add3A_577 = arith.addi %mul3A_575, %add3A_576 : i32
      %add3A_578 = arith.constant 0 : i32
      %add3A_579 = arith.addi %add3A_577, %add3A_578 : i32
      %swap3A_580 = arith.index_cast %add3A_579 : i32 to index
      %swap3A_581 = tpu.vector_load %arg16[%swap3A_580] {strides = array<i32>} : memref<4096xf32, #tpu.memory_space<vmem>>, vector<16xf32>,
      tpu.vector_store %arg16[%swap3A_580], %add3A_571 {strides = array<i32>} : memref<4096xf32, #tpu.memory_space<vmem>>, vector<16xf32>,
      %add3A_582 = arith.addf %get3A_432, %scan3A_246#13 : vector<16xf32>
      %mul3A_583 = arith.constant 8 : i32
      %mul3A_584 = arith.muli %scan3A_426, %mul3A_583 : i32
      %mul3A_585 = arith.constant 64 : i32
      %mul3A_586 = arith.muli %mul3A_584, %mul3A_585 : i32
      %add3A_587 = arith.constant 192 : i32
      %add3A_588 = arith.addi %mul3A_586, %add3A_587 : i32
      %add3A_589 = arith.constant 16 : i32
      %add3A_590 = arith.addi %add3A_588, %add3A_589 : i32
      %swap3A_591 = arith.index_cast %add3A_590 : i32 to index
      %swap3A_592 = tpu.vector_load %arg16[%swap3A_591] {strides = array<i32>} : memref<4096xf32, #tpu.memory_space<vmem>>, vector<16xf32>,
      tpu.vector_store %arg16[%swap3A_591], %add3A_582 {strides = array<i32>} : memref<4096xf32, #tpu.memory_space<vmem>>, vector<16xf32>,
      %add3A_593 = arith.addf %get3A_435, %scan3A_246#14 : vector<16xf32>
      %mul3A_594 = arith.constant 8 : i32
      %mul3A_595 = arith.muli %scan3A_426, %mul3A_594 : i32
      %mul3A_596 = arith.constant 64 : i32
      %mul3A_597 = arith.muli %mul3A_595, %mul3A_596 : i32
      %add3A_598 = arith.constant 192 : i32
      %add3A_599 = arith.addi %mul3A_597, %add3A_598 : i32
      %add3A_600 = arith.constant 32 : i32
      %add3A_601 = arith.addi %add3A_599, %add3A_600 : i32
      %swap3A_602 = arith.index_cast %add3A_601 : i32 to index
      %swap3A_603 = tpu.vector_load %arg16[%swap3A_602] {strides = array<i32>} : memref<4096xf32, #tpu.memory_space<vmem>>, vector<16xf32>,
      tpu.vector_store %arg16[%swap3A_602], %add3A_593 {strides = array<i32>} : memref<4096xf32, #tpu.memory_space<vmem>>, vector<16xf32>,
      %add3A_604 = arith.addf %get3A_438, %scan3A_246#15 : vector<16xf32>
      %mul3A_605 = arith.constant 8 : i32
      %mul3A_606 = arith.muli %scan3A_426, %mul3A_605 : i32
      %mul3A_607 = arith.constant 64 : i32
      %mul3A_608 = arith.muli %mul3A_606, %mul3A_607 : i32
      %add3A_609 = arith.constant 192 : i32
      %add3A_610 = arith.addi %mul3A_608, %add3A_609 : i32
      %add3A_611 = arith.constant 48 : i32
      %add3A_612 = arith.addi %add3A_610, %add3A_611 : i32
      %swap3A_613 = arith.index_cast %add3A_612 : i32 to index
      %swap3A_614 = tpu.vector_load %arg16[%swap3A_613] {strides = array<i32>} : memref<4096xf32, #tpu.memory_space<vmem>>, vector<16xf32>,
      tpu.vector_store %arg16[%swap3A_613], %add3A_604 {strides = array<i32>} : memref<4096xf32, #tpu.memory_space<vmem>>, vector<16xf32>,
      %add3A_615 = arith.addf %get3A_429, %scan3A_246#16 : vector<16xf32>
      %mul3A_616 = arith.constant 8 : i32
      %mul3A_617 = arith.muli %scan3A_426, %mul3A_616 : i32
      %mul3A_618 = arith.constant 64 : i32
      %mul3A_619 = arith.muli %mul3A_617, %mul3A_618 : i32
      %add3A_620 = arith.constant 256 : i32
      %add3A_621 = arith.addi %mul3A_619, %add3A_620 : i32
      %add3A_622 = arith.constant 0 : i32
      %add3A_623 = arith.addi %add3A_621, %add3A_622 : i32
      %swap3A_624 = arith.index_cast %add3A_623 : i32 to index
      %swap3A_625 = tpu.vector_load %arg16[%swap3A_624] {strides = array<i32>} : memref<4096xf32, #tpu.memory_space<vmem>>, vector<16xf32>,
      tpu.vector_store %arg16[%swap3A_624], %add3A_615 {strides = array<i32>} : memref<4096xf32, #tpu.memory_space<vmem>>, vector<16xf32>,
      %add3A_626 = arith.addf %get3A_432, %scan3A_246#17 : vector<16xf32>
      %mul3A_627 = arith.constant 8 : i32
      %mul3A_628 = arith.muli %scan3A_426, %mul3A_627 : i32
      %mul3A_629 = arith.constant 64 : i32
      %mul3A_630 = arith.muli %mul3A_628, %mul3A_629 : i32
      %add3A_631 = arith.constant 256 : i32
      %add3A_632 = arith.addi %mul3A_630, %add3A_631 : i32
      %add3A_633 = arith.constant 16 : i32
      %add3A_634 = arith.addi %add3A_632, %add3A_633 : i32
      %swap3A_635 = arith.index_cast %add3A_634 : i32 to index
      %swap3A_636 = tpu.vector_load %arg16[%swap3A_635] {strides = array<i32>} : memref<4096xf32, #tpu.memory_space<vmem>>, vector<16xf32>,
      tpu.vector_store %arg16[%swap3A_635], %add3A_626 {strides = array<i32>} : memref<4096xf32, #tpu.memory_space<vmem>>, vector<16xf32>,
      %add3A_637 = arith.addf %get3A_435, %scan3A_246#18 : vector<16xf32>
      %mul3A_638 = arith.constant 8 : i32
      %mul3A_639 = arith.muli %scan3A_426, %mul3A_638 : i32
      %mul3A_640 = arith.constant 64 : i32
      %mul3A_641 = arith.muli %mul3A_639, %mul3A_640 : i32
      %add3A_642 = arith.constant 256 : i32
      %add3A_643 = arith.addi %mul3A_641, %add3A_642 : i32
      %add3A_644 = arith.constant 32 : i32
      %add3A_645 = arith.addi %add3A_643, %add3A_644 : i32
      %swap3A_646 = arith.index_cast %add3A_645 : i32 to index
      %swap3A_647 = tpu.vector_load %arg16[%swap3A_646] {strides = array<i32>} : memref<4096xf32, #tpu.memory_space<vmem>>, vector<16xf32>,
      tpu.vector_store %arg16[%swap3A_646], %add3A_637 {strides = array<i32>} : memref<4096xf32, #tpu.memory_space<vmem>>, vector<16xf32>,
      %add3A_648 = arith.addf %get3A_438, %scan3A_246#19 : vector<16xf32>
      %mul3A_649 = arith.constant 8 : i32
      %mul3A_650 = arith.muli %scan3A_426, %mul3A_649 : i32
      %mul3A_651 = arith.constant 64 : i32
      %mul3A_652 = arith.muli %mul3A_650, %mul3A_651 : i32
      %add3A_653 = arith.constant 256 : i32
      %add3A_654 = arith.addi %mul3A_652, %add3A_653 : i32
      %add3A_655 = arith.constant 48 : i32
      %add3A_656 = arith.addi %add3A_654, %add3A_655 : i32
      %swap3A_657 = arith.index_cast %add3A_656 : i32 to index
      %swap3A_658 = tpu.vector_load %arg16[%swap3A_657] {strides = array<i32>} : memref<4096xf32, #tpu.memory_space<vmem>>, vector<16xf32>,
      tpu.vector_store %arg16[%swap3A_657], %add3A_648 {strides = array<i32>} : memref<4096xf32, #tpu.memory_space<vmem>>, vector<16xf32>,
      %add3A_659 = arith.addf %get3A_429, %scan3A_246#20 : vector<16xf32>
      %mul3A_660 = arith.constant 8 : i32
      %mul3A_661 = arith.muli %scan3A_426, %mul3A_660 : i32
      %mul3A_662 = arith.constant 64 : i32
      %mul3A_663 = arith.muli %mul3A_661, %mul3A_662 : i32
      %add3A_664 = arith.constant 320 : i32
      %add3A_665 = arith.addi %mul3A_663, %add3A_664 : i32
      %add3A_666 = arith.constant 0 : i32
      %add3A_667 = arith.addi %add3A_665, %add3A_666 : i32
      %swap3A_668 = arith.index_cast %add3A_667 : i32 to index
      %swap3A_669 = tpu.vector_load %arg16[%swap3A_668] {strides = array<i32>} : memref<4096xf32, #tpu.memory_space<vmem>>, vector<16xf32>,
      tpu.vector_store %arg16[%swap3A_668], %add3A_659 {strides = array<i32>} : memref<4096xf32, #tpu.memory_space<vmem>>, vector<16xf32>,
      %add3A_670 = arith.addf %get3A_432, %scan3A_246#21 : vector<16xf32>
      %mul3A_671 = arith.constant 8 : i32
      %mul3A_672 = arith.muli %scan3A_426, %mul3A_671 : i32
      %mul3A_673 = arith.constant 64 : i32
      %mul3A_674 = arith.muli %mul3A_672, %mul3A_673 : i32
      %add3A_675 = arith.constant 320 : i32
      %add3A_676 = arith.addi %mul3A_674, %add3A_675 : i32
      %add3A_677 = arith.constant 16 : i32
      %add3A_678 = arith.addi %add3A_676, %add3A_677 : i32
      %swap3A_679 = arith.index_cast %add3A_678 : i32 to index
      %swap3A_680 = tpu.vector_load %arg16[%swap3A_679] {strides = array<i32>} : memref<4096xf32, #tpu.memory_space<vmem>>, vector<16xf32>,
      tpu.vector_store %arg16[%swap3A_679], %add3A_670 {strides = array<i32>} : memref<4096xf32, #tpu.memory_space<vmem>>, vector<16xf32>,
      %add3A_681 = arith.addf %get3A_435, %scan3A_246#22 : vector<16xf32>
      %mul3A_682 = arith.constant 8 : i32
      %mul3A_683 = arith.muli %scan3A_426, %mul3A_682 : i32
      %mul3A_684 = arith.constant 64 : i32
      %mul3A_685 = arith.muli %mul3A_683, %mul3A_684 : i32
      %add3A_686 = arith.constant 320 : i32
      %add3A_687 = arith.addi %mul3A_685, %add3A_686 : i32
      %add3A_688 = arith.constant 32 : i32
      %add3A_689 = arith.addi %add3A_687, %add3A_688 : i32
      %swap3A_690 = arith.index_cast %add3A_689 : i32 to index
      %swap3A_691 = tpu.vector_load %arg16[%swap3A_690] {strides = array<i32>} : memref<4096xf32, #tpu.memory_space<vmem>>, vector<16xf32>,
      tpu.vector_store %arg16[%swap3A_690], %add3A_681 {strides = array<i32>} : memref<4096xf32, #tpu.memory_space<vmem>>, vector<16xf32>,
      %add3A_692 = arith.addf %get3A_438, %scan3A_246#23 : vector<16xf32>
      %mul3A_693 = arith.constant 8 : i32
      %mul3A_694 = arith.muli %scan3A_426, %mul3A_693 : i32
      %mul3A_695 = arith.constant 64 : i32
      %mul3A_696 = arith.muli %mul3A_694, %mul3A_695 : i32
      %add3A_697 = arith.constant 320 : i32
      %add3A_698 = arith.addi %mul3A_696, %add3A_697 : i32
      %add3A_699 = arith.constant 48 : i32
      %add3A_700 = arith.addi %add3A_698, %add3A_699 : i32
      %swap3A_701 = arith.index_cast %add3A_700 : i32 to index
      %swap3A_702 = tpu.vector_load %arg16[%swap3A_701] {strides = array<i32>} : memref<4096xf32, #tpu.memory_space<vmem>>, vector<16xf32>,
      tpu.vector_store %arg16[%swap3A_701], %add3A_692 {strides = array<i32>} : memref<4096xf32, #tpu.memory_space<vmem>>, vector<16xf32>,
      %add3A_703 = arith.addf %get3A_429, %scan3A_246#24 : vector<16xf32>
      %mul3A_704 = arith.constant 8 : i32
      %mul3A_705 = arith.muli %scan3A_426, %mul3A_704 : i32
      %mul3A_706 = arith.constant 64 : i32
      %mul3A_707 = arith.muli %mul3A_705, %mul3A_706 : i32
      %add3A_708 = arith.constant 384 : i32
      %add3A_709 = arith.addi %mul3A_707, %add3A_708 : i32
      %add3A_710 = arith.constant 0 : i32
      %add3A_711 = arith.addi %add3A_709, %add3A_710 : i32
      %swap3A_712 = arith.index_cast %add3A_711 : i32 to index
      %swap3A_713 = tpu.vector_load %arg16[%swap3A_712] {strides = array<i32>} : memref<4096xf32, #tpu.memory_space<vmem>>, vector<16xf32>,
      tpu.vector_store %arg16[%swap3A_712], %add3A_703 {strides = array<i32>} : memref<4096xf32, #tpu.memory_space<vmem>>, vector<16xf32>,
      %add3A_714 = arith.addf %get3A_432, %scan3A_246#25 : vector<16xf32>
      %mul3A_715 = arith.constant 8 : i32
      %mul3A_716 = arith.muli %scan3A_426, %mul3A_715 : i32
      %mul3A_717 = arith.constant 64 : i32
      %mul3A_718 = arith.muli %mul3A_716, %mul3A_717 : i32
      %add3A_719 = arith.constant 384 : i32
      %add3A_720 = arith.addi %mul3A_718, %add3A_719 : i32
      %add3A_721 = arith.constant 16 : i32
      %add3A_722 = arith.addi %add3A_720, %add3A_721 : i32
      %swap3A_723 = arith.index_cast %add3A_722 : i32 to index
      %swap3A_724 = tpu.vector_load %arg16[%swap3A_723] {strides = array<i32>} : memref<4096xf32, #tpu.memory_space<vmem>>, vector<16xf32>,
      tpu.vector_store %arg16[%swap3A_723], %add3A_714 {strides = array<i32>} : memref<4096xf32, #tpu.memory_space<vmem>>, vector<16xf32>,
      %add3A_725 = arith.addf %get3A_435, %scan3A_246#26 : vector<16xf32>
      %mul3A_726 = arith.constant 8 : i32
      %mul3A_727 = arith.muli %scan3A_426, %mul3A_726 : i32
      %mul3A_728 = arith.constant 64 : i32
      %mul3A_729 = arith.muli %mul3A_727, %mul3A_728 : i32
      %add3A_730 = arith.constant 384 : i32
      %add3A_731 = arith.addi %mul3A_729, %add3A_730 : i32
      %add3A_732 = arith.constant 32 : i32
      %add3A_733 = arith.addi %add3A_731, %add3A_732 : i32
      %swap3A_734 = arith.index_cast %add3A_733 : i32 to index
      %swap3A_735 = tpu.vector_load %arg16[%swap3A_734] {strides = array<i32>} : memref<4096xf32, #tpu.memory_space<vmem>>, vector<16xf32>,
      tpu.vector_store %arg16[%swap3A_734], %add3A_725 {strides = array<i32>} : memref<4096xf32, #tpu.memory_space<vmem>>, vector<16xf32>,
      %add3A_736 = arith.addf %get3A_438, %scan3A_246#27 : vector<16xf32>
      %mul3A_737 = arith.constant 8 : i32
      %mul3A_738 = arith.muli %scan3A_426, %mul3A_737 : i32
      %mul3A_739 = arith.constant 64 : i32
      %mul3A_740 = arith.muli %mul3A_738, %mul3A_739 : i32
      %add3A_741 = arith.constant 384 : i32
      %add3A_742 = arith.addi %mul3A_740, %add3A_741 : i32
      %add3A_743 = arith.constant 48 : i32
      %add3A_744 = arith.addi %add3A_742, %add3A_743 : i32
      %swap3A_745 = arith.index_cast %add3A_744 : i32 to index
      %swap3A_746 = tpu.vector_load %arg16[%swap3A_745] {strides = array<i32>} : memref<4096xf32, #tpu.memory_space<vmem>>, vector<16xf32>,
      tpu.vector_store %arg16[%swap3A_745], %add3A_736 {strides = array<i32>} : memref<4096xf32, #tpu.memory_space<vmem>>, vector<16xf32>,
      %add3A_747 = arith.addf %get3A_429, %scan3A_246#28 : vector<16xf32>
      %mul3A_748 = arith.constant 8 : i32
      %mul3A_749 = arith.muli %scan3A_426, %mul3A_748 : i32
      %mul3A_750 = arith.constant 64 : i32
      %mul3A_751 = arith.muli %mul3A_749, %mul3A_750 : i32
      %add3A_752 = arith.constant 448 : i32
      %add3A_753 = arith.addi %mul3A_751, %add3A_752 : i32
      %add3A_754 = arith.constant 0 : i32
      %add3A_755 = arith.addi %add3A_753, %add3A_754 : i32
      %swap3A_756 = arith.index_cast %add3A_755 : i32 to index
      %swap3A_757 = tpu.vector_load %arg16[%swap3A_756] {strides = array<i32>} : memref<4096xf32, #tpu.memory_space<vmem>>, vector<16xf32>,
      tpu.vector_store %arg16[%swap3A_756], %add3A_747 {strides = array<i32>} : memref<4096xf32, #tpu.memory_space<vmem>>, vector<16xf32>,
      %add3A_758 = arith.addf %get3A_432, %scan3A_246#29 : vector<16xf32>
      %mul3A_759 = arith.constant 8 : i32
      %mul3A_760 = arith.muli %scan3A_426, %mul3A_759 : i32
      %mul3A_761 = arith.constant 64 : i32
      %mul3A_762 = arith.muli %mul3A_760, %mul3A_761 : i32
      %add3A_763 = arith.constant 448 : i32
      %add3A_764 = arith.addi %mul3A_762, %add3A_763 : i32
      %add3A_765 = arith.constant 16 : i32
      %add3A_766 = arith.addi %add3A_764, %add3A_765 : i32
      %swap3A_767 = arith.index_cast %add3A_766 : i32 to index
      %swap3A_768 = tpu.vector_load %arg16[%swap3A_767] {strides = array<i32>} : memref<4096xf32, #tpu.memory_space<vmem>>, vector<16xf32>,
      tpu.vector_store %arg16[%swap3A_767], %add3A_758 {strides = array<i32>} : memref<4096xf32, #tpu.memory_space<vmem>>, vector<16xf32>,
      %add3A_769 = arith.addf %get3A_435, %scan3A_246#30 : vector<16xf32>
      %mul3A_770 = arith.constant 8 : i32
      %mul3A_771 = arith.muli %scan3A_426, %mul3A_770 : i32
      %mul3A_772 = arith.constant 64 : i32
      %mul3A_773 = arith.muli %mul3A_771, %mul3A_772 : i32
      %add3A_774 = arith.constant 448 : i32
      %add3A_775 = arith.addi %mul3A_773, %add3A_774 : i32
      %add3A_776 = arith.constant 32 : i32
      %add3A_777 = arith.addi %add3A_775, %add3A_776 : i32
      %swap3A_778 = arith.index_cast %add3A_777 : i32 to index
      %swap3A_779 = tpu.vector_load %arg16[%swap3A_778] {strides = array<i32>} : memref<4096xf32, #tpu.memory_space<vmem>>, vector<16xf32>,
      tpu.vector_store %arg16[%swap3A_778], %add3A_769 {strides = array<i32>} : memref<4096xf32, #tpu.memory_space<vmem>>, vector<16xf32>,
      %add3A_780 = arith.addf %get3A_438, %scan3A_246#31 : vector<16xf32>
      %mul3A_781 = arith.constant 8 : i32
      %mul3A_782 = arith.muli %scan3A_426, %mul3A_781 : i32
      %mul3A_783 = arith.constant 64 : i32
      %mul3A_784 = arith.muli %mul3A_782, %mul3A_783 : i32
      %add3A_785 = arith.constant 448 : i32
      %add3A_786 = arith.addi %mul3A_784, %add3A_785 : i32
      %add3A_787 = arith.constant 48 : i32
      %add3A_788 = arith.addi %add3A_786, %add3A_787 : i32
      %swap3A_789 = arith.index_cast %add3A_788 : i32 to index
      %swap3A_790 = tpu.vector_load %arg16[%swap3A_789] {strides = array<i32>} : memref<4096xf32, #tpu.memory_space<vmem>>, vector<16xf32>,
      tpu.vector_store %arg16[%swap3A_789], %add3A_780 {strides = array<i32>} : memref<4096xf32, #tpu.memory_space<vmem>>, vector<16xf32>,
    }
    %scan3A_253 = arith.constant 8 : i32
    %broadcast_in_dim3A_254 = arith.constant 0 : i32
    %broadcast_in_dim3A_255 = vector.broadcast %broadcast_in_dim3A_254 : i32 to vector<16xi32>
    %add3A_256 = arith.addi %broadcast_in_dim3A_255, %iota3A : vector<16xi32>
    %broadcast_in_dim3A_257 = arith.constant 16 : i32
    %broadcast_in_dim3A_258 = vector.broadcast %broadcast_in_dim3A_257 : i32 to vector<16xi32>
    %add3A_259 = arith.addi %broadcast_in_dim3A_258, %iota3A : vector<16xi32>
    %broadcast_in_dim3A_260 = arith.constant 32 : i32
    %broadcast_in_dim3A_261 = vector.broadcast %broadcast_in_dim3A_260 : i32 to vector<16xi32>
    %add3A_262 = arith.addi %broadcast_in_dim3A_261, %iota3A : vector<16xi32>
    %broadcast_in_dim3A_263 = arith.constant 48 : i32
    %broadcast_in_dim3A_264 = vector.broadcast %broadcast_in_dim3A_263 : i32 to vector<16xi32>
    %add3A_265 = arith.addi %broadcast_in_dim3A_264, %iota3A : vector<16xi32>
    %get3A_266 = arith.constant 0 : i32
    %get3A_267 = arith.index_cast %get3A_266 : i32 to index
    %get3A_268 = arith.constant 0 : index
    %get3A_269 = tpu.vector_load %arg12[%get3A_267, %get3A_268] {strides = array<i32>} : memref<8x64xf32, #tpu.memory_space<vmem>>, vector<16xf32>,
    %get3A_270 = arith.constant 0 : i32
    %get3A_271 = arith.index_cast %get3A_270 : i32 to index
    %get3A_272 = arith.constant 16 : index
    %get3A_273 = tpu.vector_load %arg12[%get3A_271, %get3A_272] {strides = array<i32>} : memref<8x64xf32, #tpu.memory_space<vmem>>, vector<16xf32>,
    %pack3A = tpu.pack_subelements %get3A_269, %get3A_273 {pack_format = #tpu.pack_format<interleaved>, positions = array<i32: 0, 1>} : vector<16xf32>, vector<16xf32> -> vector<32xbf16>
    %get3A_274 = arith.constant 0 : i32
    %get3A_275 = arith.index_cast %get3A_274 : i32 to index
    %get3A_276 = arith.constant 32 : index
    %get3A_277 = tpu.vector_load %arg12[%get3A_275, %get3A_276] {strides = array<i32>} : memref<8x64xf32, #tpu.memory_space<vmem>>, vector<16xf32>,
    %get3A_278 = arith.constant 0 : i32
    %get3A_279 = arith.index_cast %get3A_278 : i32 to index
    %get3A_280 = arith.constant 48 : index
    %get3A_281 = tpu.vector_load %arg12[%get3A_279, %get3A_280] {strides = array<i32>} : memref<8x64xf32, #tpu.memory_space<vmem>>, vector<16xf32>,
    %pack3A_282 = tpu.pack_subelements %get3A_277, %get3A_281 {pack_format = #tpu.pack_format<interleaved>, positions = array<i32: 0, 1>} : vector<16xf32>, vector<16xf32> -> vector<32xbf16>
    %get3A_283 = arith.constant 1 : i32
    %get3A_284 = arith.index_cast %get3A_283 : i32 to index
    %get3A_285 = arith.constant 0 : index
    %get3A_286 = tpu.vector_load %arg12[%get3A_284, %get3A_285] {strides = array<i32>} : memref<8x64xf32, #tpu.memory_space<vmem>>, vector<16xf32>,
    %get3A_287 = arith.constant 1 : i32
    %get3A_288 = arith.index_cast %get3A_287 : i32 to index
    %get3A_289 = arith.constant 16 : index
    %get3A_290 = tpu.vector_load %arg12[%get3A_288, %get3A_289] {strides = array<i32>} : memref<8x64xf32, #tpu.memory_space<vmem>>, vector<16xf32>,
    %pack3A_291 = tpu.pack_subelements %get3A_286, %get3A_290 {pack_format = #tpu.pack_format<interleaved>, positions = array<i32: 0, 1>} : vector<16xf32>, vector<16xf32> -> vector<32xbf16>
    %get3A_292 = arith.constant 1 : i32
    %get3A_293 = arith.index_cast %get3A_292 : i32 to index
    %get3A_294 = arith.constant 32 : index
    %get3A_295 = tpu.vector_load %arg12[%get3A_293, %get3A_294] {strides = array<i32>} : memref<8x64xf32, #tpu.memory_space<vmem>>, vector<16xf32>,
    %get3A_296 = arith.constant 1 : i32
    %get3A_297 = arith.index_cast %get3A_296 : i32 to index
    %get3A_298 = arith.constant 48 : index
    %get3A_299 = tpu.vector_load %arg12[%get3A_297, %get3A_298] {strides = array<i32>} : memref<8x64xf32, #tpu.memory_space<vmem>>, vector<16xf32>,
    %pack3A_300 = tpu.pack_subelements %get3A_295, %get3A_299 {pack_format = #tpu.pack_format<interleaved>, positions = array<i32: 0, 1>} : vector<16xf32>, vector<16xf32> -> vector<32xbf16>
    %get3A_301 = arith.constant 2 : i32
    %get3A_302 = arith.index_cast %get3A_301 : i32 to index
    %get3A_303 = arith.constant 0 : index
    %get3A_304 = tpu.vector_load %arg12[%get3A_302, %get3A_303] {strides = array<i32>} : memref<8x64xf32, #tpu.memory_space<vmem>>, vector<16xf32>,
    %get3A_305 = arith.constant 2 : i32
    %get3A_306 = arith.index_cast %get3A_305 : i32 to index
    %get3A_307 = arith.constant 16 : index
    %get3A_308 = tpu.vector_load %arg12[%get3A_306, %get3A_307] {strides = array<i32>} : memref<8x64xf32, #tpu.memory_space<vmem>>, vector<16xf32>,
    %pack3A_309 = tpu.pack_subelements %get3A_304, %get3A_308 {pack_format = #tpu.pack_format<interleaved>, positions = array<i32: 0, 1>} : vector<16xf32>, vector<16xf32> -> vector<32xbf16>
    %get3A_310 = arith.constant 2 : i32
    %get3A_311 = arith.index_cast %get3A_310 : i32 to index
    %get3A_312 = arith.constant 32 : index
    %get3A_313 = tpu.vector_load %arg12[%get3A_311, %get3A_312] {strides = array<i32>} : memref<8x64xf32, #tpu.memory_space<vmem>>, vector<16xf32>,
    %get3A_314 = arith.constant 2 : i32
    %get3A_315 = arith.index_cast %get3A_314 : i32 to index
    %get3A_316 = arith.constant 48 : index
    %get3A_317 = tpu.vector_load %arg12[%get3A_315, %get3A_316] {strides = array<i32>} : memref<8x64xf32, #tpu.memory_space<vmem>>, vector<16xf32>,
    %pack3A_318 = tpu.pack_subelements %get3A_313, %get3A_317 {pack_format = #tpu.pack_format<interleaved>, positions = array<i32: 0, 1>} : vector<16xf32>, vector<16xf32> -> vector<32xbf16>
    %get3A_319 = arith.constant 3 : i32
    %get3A_320 = arith.index_cast %get3A_319 : i32 to index
    %get3A_321 = arith.constant 0 : index
    %get3A_322 = tpu.vector_load %arg12[%get3A_320, %get3A_321] {strides = array<i32>} : memref<8x64xf32, #tpu.memory_space<vmem>>, vector<16xf32>,
    %get3A_323 = arith.constant 3 : i32
    %get3A_324 = arith.index_cast %get3A_323 : i32 to index
    %get3A_325 = arith.constant 16 : index
    %get3A_326 = tpu.vector_load %arg12[%get3A_324, %get3A_325] {strides = array<i32>} : memref<8x64xf32, #tpu.memory_space<vmem>>, vector<16xf32>,
    %pack3A_327 = tpu.pack_subelements %get3A_322, %get3A_326 {pack_format = #tpu.pack_format<interleaved>, positions = array<i32: 0, 1>} : vector<16xf32>, vector<16xf32> -> vector<32xbf16>
    %get3A_328 = arith.constant 3 : i32
    %get3A_329 = arith.index_cast %get3A_328 : i32 to index
    %get3A_330 = arith.constant 32 : index
    %get3A_331 = tpu.vector_load %arg12[%get3A_329, %get3A_330] {strides = array<i32>} : memref<8x64xf32, #tpu.memory_space<vmem>>, vector<16xf32>,
    %get3A_332 = arith.constant 3 : i32
    %get3A_333 = arith.index_cast %get3A_332 : i32 to index
    %get3A_334 = arith.constant 48 : index
    %get3A_335 = tpu.vector_load %arg12[%get3A_333, %get3A_334] {strides = array<i32>} : memref<8x64xf32, #tpu.memory_space<vmem>>, vector<16xf32>,
    %pack3A_336 = tpu.pack_subelements %get3A_331, %get3A_335 {pack_format = #tpu.pack_format<interleaved>, positions = array<i32: 0, 1>} : vector<16xf32>, vector<16xf32> -> vector<32xbf16>
    %get3A_337 = arith.constant 4 : i32
    %get3A_338 = arith.index_cast %get3A_337 : i32 to index
    %get3A_339 = arith.constant 0 : index
    %get3A_340 = tpu.vector_load %arg12[%get3A_338, %get3A_339] {strides = array<i32>} : memref<8x64xf32, #tpu.memory_space<vmem>>, vector<16xf32>,
    %get3A_341 = arith.constant 4 : i32
    %get3A_342 = arith.index_cast %get3A_341 : i32 to index
    %get3A_343 = arith.constant 16 : index
    %get3A_344 = tpu.vector_load %arg12[%get3A_342, %get3A_343] {strides = array<i32>} : memref<8x64xf32, #tpu.memory_space<vmem>>, vector<16xf32>,
    %pack3A_345 = tpu.pack_subelements %get3A_340, %get3A_344 {pack_format = #tpu.pack_format<interleaved>, positions = array<i32: 0, 1>} : vector<16xf32>, vector<16xf32> -> vector<32xbf16>
    %get3A_346 = arith.constant 4 : i32
    %get3A_347 = arith.index_cast %get3A_346 : i32 to index
    %get3A_348 = arith.constant 32 : index
    %get3A_349 = tpu.vector_load %arg12[%get3A_347, %get3A_348] {strides = array<i32>} : memref<8x64xf32, #tpu.memory_space<vmem>>, vector<16xf32>,
    %get3A_350 = arith.constant 4 : i32
    %get3A_351 = arith.index_cast %get3A_350 : i32 to index
    %get3A_352 = arith.constant 48 : index
    %get3A_353 = tpu.vector_load %arg12[%get3A_351, %get3A_352] {strides = array<i32>} : memref<8x64xf32, #tpu.memory_space<vmem>>, vector<16xf32>,
    %pack3A_354 = tpu.pack_subelements %get3A_349, %get3A_353 {pack_format = #tpu.pack_format<interleaved>, positions = array<i32: 0, 1>} : vector<16xf32>, vector<16xf32> -> vector<32xbf16>
    %get3A_355 = arith.constant 5 : i32
    %get3A_356 = arith.index_cast %get3A_355 : i32 to index
    %get3A_357 = arith.constant 0 : index
    %get3A_358 = tpu.vector_load %arg12[%get3A_356, %get3A_357] {strides = array<i32>} : memref<8x64xf32, #tpu.memory_space<vmem>>, vector<16xf32>,
    %get3A_359 = arith.constant 5 : i32
    %get3A_360 = arith.index_cast %get3A_359 : i32 to index
    %get3A_361 = arith.constant 16 : index
    %get3A_362 = tpu.vector_load %arg12[%get3A_360, %get3A_361] {strides = array<i32>} : memref<8x64xf32, #tpu.memory_space<vmem>>, vector<16xf32>,
    %pack3A_363 = tpu.pack_subelements %get3A_358, %get3A_362 {pack_format = #tpu.pack_format<interleaved>, positions = array<i32: 0, 1>} : vector<16xf32>, vector<16xf32> -> vector<32xbf16>
    %get3A_364 = arith.constant 5 : i32
    %get3A_365 = arith.index_cast %get3A_364 : i32 to index
    %get3A_366 = arith.constant 32 : index
    %get3A_367 = tpu.vector_load %arg12[%get3A_365, %get3A_366] {strides = array<i32>} : memref<8x64xf32, #tpu.memory_space<vmem>>, vector<16xf32>,
    %get3A_368 = arith.constant 5 : i32
    %get3A_369 = arith.index_cast %get3A_368 : i32 to index
    %get3A_370 = arith.constant 48 : index
    %get3A_371 = tpu.vector_load %arg12[%get3A_369, %get3A_370] {strides = array<i32>} : memref<8x64xf32, #tpu.memory_space<vmem>>, vector<16xf32>,
    %pack3A_372 = tpu.pack_subelements %get3A_367, %get3A_371 {pack_format = #tpu.pack_format<interleaved>, positions = array<i32: 0, 1>} : vector<16xf32>, vector<16xf32> -> vector<32xbf16>
    %get3A_373 = arith.constant 6 : i32
    %get3A_374 = arith.index_cast %get3A_373 : i32 to index
    %get3A_375 = arith.constant 0 : index
    %get3A_376 = tpu.vector_load %arg12[%get3A_374, %get3A_375] {strides = array<i32>} : memref<8x64xf32, #tpu.memory_space<vmem>>, vector<16xf32>,
    %get3A_377 = arith.constant 6 : i32
    %get3A_378 = arith.index_cast %get3A_377 : i32 to index
    %get3A_379 = arith.constant 16 : index
    %get3A_380 = tpu.vector_load %arg12[%get3A_378, %get3A_379] {strides = array<i32>} : memref<8x64xf32, #tpu.memory_space<vmem>>, vector<16xf32>,
    %pack3A_381 = tpu.pack_subelements %get3A_376, %get3A_380 {pack_format = #tpu.pack_format<interleaved>, positions = array<i32: 0, 1>} : vector<16xf32>, vector<16xf32> -> vector<32xbf16>
    %get3A_382 = arith.constant 6 : i32
    %get3A_383 = arith.index_cast %get3A_382 : i32 to index
    %get3A_384 = arith.constant 32 : index
    %get3A_385 = tpu.vector_load %arg12[%get3A_383, %get3A_384] {strides = array<i32>} : memref<8x64xf32, #tpu.memory_space<vmem>>, vector<16xf32>,
    %get3A_386 = arith.constant 6 : i32
    %get3A_387 = arith.index_cast %get3A_386 : i32 to index
    %get3A_388 = arith.constant 48 : index
    %get3A_389 = tpu.vector_load %arg12[%get3A_387, %get3A_388] {strides = array<i32>} : memref<8x64xf32, #tpu.memory_space<vmem>>, vector<16xf32>,
    %pack3A_390 = tpu.pack_subelements %get3A_385, %get3A_389 {pack_format = #tpu.pack_format<interleaved>, positions = array<i32: 0, 1>} : vector<16xf32>, vector<16xf32> -> vector<32xbf16>
    %get3A_391 = arith.constant 7 : i32
    %get3A_392 = arith.index_cast %get3A_391 : i32 to index
    %get3A_393 = arith.constant 0 : index
    %get3A_394 = tpu.vector_load %arg12[%get3A_392, %get3A_393] {strides = array<i32>} : memref<8x64xf32, #tpu.memory_space<vmem>>, vector<16xf32>,
    %get3A_395 = arith.constant 7 : i32
    %get3A_396 = arith.index_cast %get3A_395 : i32 to index
    %get3A_397 = arith.constant 16 : index
    %get3A_398 = tpu.vector_load %arg12[%get3A_396, %get3A_397] {strides = array<i32>} : memref<8x64xf32, #tpu.memory_space<vmem>>, vector<16xf32>,
    %pack3A_399 = tpu.pack_subelements %get3A_394, %get3A_398 {pack_format = #tpu.pack_format<interleaved>, positions = array<i32: 0, 1>} : vector<16xf32>, vector<16xf32> -> vector<32xbf16>
    %get3A_400 = arith.constant 7 : i32
    %get3A_401 = arith.index_cast %get3A_400 : i32 to index
    %get3A_402 = arith.constant 32 : index
    %get3A_403 = tpu.vector_load %arg12[%get3A_401, %get3A_402] {strides = array<i32>} : memref<8x64xf32, #tpu.memory_space<vmem>>, vector<16xf32>,
    %get3A_404 = arith.constant 7 : i32
    %get3A_405 = arith.index_cast %get3A_404 : i32 to index
    %get3A_406 = arith.constant 48 : index
    %get3A_407 = tpu.vector_load %arg12[%get3A_405, %get3A_406] {strides = array<i32>} : memref<8x64xf32, #tpu.memory_space<vmem>>, vector<16xf32>,
    %pack3A_408 = tpu.pack_subelements %get3A_403, %get3A_407 {pack_format = #tpu.pack_format<interleaved>, positions = array<i32: 0, 1>} : vector<16xf32>, vector<16xf32> -> vector<32xbf16>
    %mul3A_409 = arith.constant 256 : i32
    %mul3A_410 = arith.muli %arg0, %mul3A_409 : i32
    %scan3A_411 = arith.constant 0 : i32
    %scan3A_412 = arith.constant 0 : i32
    %scan3A_413 = arith.constant 128 : i32
    %scan3A_414 = arith.addi %scan3A_412, %scan3A_413 : i32
    %scan3A_415 = arith.constant 1 : i32
    scf.for %scan3A_426 = %scan3A_412 to %scan3A_414 step %scan3A_415  : i32 {
      %mul3A_427 = arith.constant 2 : i32
      %mul3A_428 = arith.muli %mul3A_427, %scan3A_426 : i32
      %add3A_429 = arith.addi %mul3A_410, %mul3A_428 : i32
      %broadcast_in_dim3A_430 = vector.broadcast %add3A_429 : i32 to vector<16xi32>
      %add3A_431 = arith.addi %broadcast_in_dim3A_430, %select_n3A_135 : vector<16xi32>
      %gather3A_432 = tpu.vector_load_idx %arg8[%add3A_431, %sub3A] : memref<512x8xf32, #tpu.memory_space<vmem>>[vector<16xi32>, vector<16xi32>], vector<16xf32>,
      %pack3A_433 = tpu.pack_subelements %gather3A_432, %gather3A_432 {pack_format = #tpu.pack_format<interleaved>, positions = array<i32: 0, 1>} : vector<16xf32>, vector<16xf32> -> vector<32xbf16>
      %bitcast3A = vector.bitcast %pack3A_433 : vector<32xbf16> to vector<16xi32>
      %mul3A_434 = arith.constant 16 : i32
      %mul3A_435 = arith.muli %scan3A_426, %mul3A_434 : i32
      %swap3A_436 = arith.index_cast %mul3A_435 : i32 to index
      %swap3A_437 = tpu.vector_load %arg18[%swap3A_436] {strides = array<i32>} : memref<2056xi32, #tpu.memory_space<vmem>>, vector<16xi32>,
      tpu.vector_store %arg18[%swap3A_436], %bitcast3A {strides = array<i32>} : memref<2056xi32, #tpu.memory_space<vmem>>, vector<16xi32>,
    }
    %scan3A_416 = arith.constant 128 : i32
    %scan3A_417 = arith.constant 0 : i32
    %scan3A_418 = arith.constant 0 : i32
    %scan3A_419 = arith.constant 16 : i32
    %scan3A_420 = arith.addi %scan3A_418, %scan3A_419 : i32
    %scan3A_421 = arith.constant 1 : i32
    scf.for %scan3A_426 = %scan3A_418 to %scan3A_420 step %scan3A_421  : i32 {
      %mul3A_427 = arith.constant 16 : i32
      %mul3A_428 = arith.muli %scan3A_426, %mul3A_427 : i32
      %add3A_429 = arith.addi %add3A, %mul3A_428 : i32
      %broadcast_in_dim3A_430 = vector.broadcast %add3A_429 : i32 to vector<16xi32>
      %add3A_431 = arith.addi %broadcast_in_dim3A_430, %iota3A : vector<16xi32>
      %mul3A_432 = arith.constant 16 : i32
      %mul3A_433 = arith.muli %scan3A_426, %mul3A_432 : i32
      %add3A_434 = arith.addi %mul3A_410, %mul3A_433 : i32
      %get3A_435 = arith.index_cast %add3A_434 : i32 to index
      %get3A_436 = tpu.vector_load %arg9[%get3A_435] {strides = array<i32>} : memref<512xi32, #tpu.memory_space<vmem>>, vector<16xi32>,
      %broadcast_in_dim3A_437 = arith.constant 0 : i32
      %broadcast_in_dim3A_438 = vector.broadcast %broadcast_in_dim3A_437 : i32 to vector<16xi32>
      %ge3A_439 = arith.cmpi sge, %add3A_431, %gather3A_57 : vector<16xi32>
      %jit3A_440 = arith.constant 1 : i32
      %jit3A_441 = arith.constant 0 : i32
      %broadcast_in_dim3A_442 = vector.broadcast %jit3A_440 : i32 to vector<16xi32>
      %broadcast_in_dim3A_443 = vector.broadcast %jit3A_441 : i32 to vector<16xi32>
      %select_n3A_444 = arith.select %ge3A_439, %broadcast_in_dim3A_442, %broadcast_in_dim3A_443 : vector<16xi1>, vector<16xi32>
      %add3A_445 = arith.addi %broadcast_in_dim3A_438, %select_n3A_444 : vector<16xi32>
      %ge3A_446 = arith.cmpi sge, %add3A_431, %gather3A_69 : vector<16xi32>
      %jit3A_447 = arith.constant 1 : i32
      %jit3A_448 = arith.constant 0 : i32
      %broadcast_in_dim3A_449 = vector.broadcast %jit3A_447 : i32 to vector<16xi32>
      %broadcast_in_dim3A_450 = vector.broadcast %jit3A_448 : i32 to vector<16xi32>
      %select_n3A_451 = arith.select %ge3A_446, %broadcast_in_dim3A_449, %broadcast_in_dim3A_450 : vector<16xi1>, vector<16xi32>
      %add3A_452 = arith.addi %add3A_445, %select_n3A_451 : vector<16xi32>
      %ge3A_453 = arith.cmpi sge, %add3A_431, %gather3A_81 : vector<16xi32>
      %jit3A_454 = arith.constant 1 : i32
      %jit3A_455 = arith.constant 0 : i32
      %broadcast_in_dim3A_456 = vector.broadcast %jit3A_454 : i32 to vector<16xi32>
      %broadcast_in_dim3A_457 = vector.broadcast %jit3A_455 : i32 to vector<16xi32>
      %select_n3A_458 = arith.select %ge3A_453, %broadcast_in_dim3A_456, %broadcast_in_dim3A_457 : vector<16xi1>, vector<16xi32>
      %add3A_459 = arith.addi %add3A_452, %select_n3A_458 : vector<16xi32>
      %ge3A_460 = arith.cmpi sge, %add3A_431, %gather3A_93 : vector<16xi32>
      %jit3A_461 = arith.constant 1 : i32
      %jit3A_462 = arith.constant 0 : i32
      %broadcast_in_dim3A_463 = vector.broadcast %jit3A_461 : i32 to vector<16xi32>
      %broadcast_in_dim3A_464 = vector.broadcast %jit3A_462 : i32 to vector<16xi32>
      %select_n3A_465 = arith.select %ge3A_460, %broadcast_in_dim3A_463, %broadcast_in_dim3A_464 : vector<16xi1>, vector<16xi32>
      %add3A_466 = arith.addi %add3A_459, %select_n3A_465 : vector<16xi32>
      %ge3A_467 = arith.cmpi sge, %add3A_431, %gather3A_105 : vector<16xi32>
      %jit3A_468 = arith.constant 1 : i32
      %jit3A_469 = arith.constant 0 : i32
      %broadcast_in_dim3A_470 = vector.broadcast %jit3A_468 : i32 to vector<16xi32>
      %broadcast_in_dim3A_471 = vector.broadcast %jit3A_469 : i32 to vector<16xi32>
      %select_n3A_472 = arith.select %ge3A_467, %broadcast_in_dim3A_470, %broadcast_in_dim3A_471 : vector<16xi1>, vector<16xi32>
      %add3A_473 = arith.addi %add3A_466, %select_n3A_472 : vector<16xi32>
      %ge3A_474 = arith.cmpi sge, %add3A_431, %gather3A_117 : vector<16xi32>
      %jit3A_475 = arith.constant 1 : i32
      %jit3A_476 = arith.constant 0 : i32
      %broadcast_in_dim3A_477 = vector.broadcast %jit3A_475 : i32 to vector<16xi32>
      %broadcast_in_dim3A_478 = vector.broadcast %jit3A_476 : i32 to vector<16xi32>
      %select_n3A_479 = arith.select %ge3A_474, %broadcast_in_dim3A_477, %broadcast_in_dim3A_478 : vector<16xi1>, vector<16xi32>
      %add3A_480 = arith.addi %add3A_473, %select_n3A_479 : vector<16xi32>
      %ge3A_481 = arith.cmpi sge, %add3A_431, %gather3A_129 : vector<16xi32>
      %jit3A_482 = arith.constant 1 : i32
      %jit3A_483 = arith.constant 0 : i32
      %broadcast_in_dim3A_484 = vector.broadcast %jit3A_482 : i32 to vector<16xi32>
      %broadcast_in_dim3A_485 = vector.broadcast %jit3A_483 : i32 to vector<16xi32>
      %select_n3A_486 = arith.select %ge3A_481, %broadcast_in_dim3A_484, %broadcast_in_dim3A_485 : vector<16xi1>, vector<16xi32>
      %add3A_487 = arith.addi %add3A_480, %select_n3A_486 : vector<16xi32>
      %mul3A_488 = arith.constant 8 : i32
      %mul3A_489 = vector.broadcast %mul3A_488 : i32 to vector<16xi32>
      %mul3A_490 = arith.muli %get3A_436, %mul3A_489 : vector<16xi32>
      %add3A_491 = arith.addi %mul3A_490, %add3A_487 : vector<16xi32>
      %mul3A_492 = arith.constant 64 : i32
      %mul3A_493 = vector.broadcast %mul3A_492 : i32 to vector<16xi32>
      %mul3A_494 = arith.muli %add3A_491, %mul3A_493 : vector<16xi32>
      %scan3A_495 = arith.constant 0 : i32
      %scan3A_496 = arith.constant 0 : i32
      %scan3A_497 = arith.constant 4 : i32
      %scan3A_498 = arith.addi %scan3A_496, %scan3A_497 : i32
      %scan3A_499 = arith.constant 1 : i32
      scf.for %scan3A_501 = %scan3A_496 to %scan3A_498 step %scan3A_499  : i32 {
        %mul3A_502 = arith.constant 4 : i32
        %mul3A_503 = arith.muli %scan3A_501, %mul3A_502 : i32
        %add3A_504 = arith.constant 0 : i32
        %add3A_505 = arith.addi %mul3A_503, %add3A_504 : i32
        %broadcast_in_dim3A_506 = vector.broadcast %add3A_505 : i32 to vector<16xi32>
        %lt3A_507 = arith.constant 0 : i32
        %lt3A_508 = vector.broadcast %lt3A_507 : i32 to vector<16xi32>
        %lt3A_509 = arith.cmpi slt, %broadcast_in_dim3A_506, %lt3A_508 : vector<16xi32>
        %add3A_510 = arith.constant 16 : i32
        %add3A_511 = vector.broadcast %add3A_510 : i32 to vector<16xi32>
        %add3A_512 = arith.addi %broadcast_in_dim3A_506, %add3A_511 : vector<16xi32>
        %select_n3A_513 = arith.select %lt3A_509, %add3A_512, %broadcast_in_dim3A_506 : vector<16xi1>, vector<16xi32>
        %reshape3A_514 = vector.shape_cast %select_n3A_513 : vector<16xi32> to vector<16x1xi32>
        %gather3A_515 = vector.shape_cast %reshape3A_514 : vector<16x1xi32> to vector<16xi32>
        %gather3A_516 = tpu.dynamic_gather %mul3A_494[%gather3A_515] in [0] : vector<16xi32>, vector<16xi32> -> vector<16xi32>
        %add3A_517 = arith.addi %gather3A_516, %add3A_256 : vector<16xi32>
        %gather3A_518 = tpu.vector_load_idx %arg16[%add3A_517] : memref<4096xf32, #tpu.memory_space<vmem>>[vector<16xi32>], vector<16xf32>,
        %add3A_519 = arith.addi %gather3A_516, %add3A_259 : vector<16xi32>
        %gather3A_520 = tpu.vector_load_idx %arg16[%add3A_519] : memref<4096xf32, #tpu.memory_space<vmem>>[vector<16xi32>], vector<16xf32>,
        %add3A_521 = arith.addi %gather3A_516, %add3A_262 : vector<16xi32>
        %gather3A_522 = tpu.vector_load_idx %arg16[%add3A_521] : memref<4096xf32, #tpu.memory_space<vmem>>[vector<16xi32>], vector<16xf32>,
        %add3A_523 = arith.addi %gather3A_516, %add3A_265 : vector<16xi32>
        %gather3A_524 = tpu.vector_load_idx %arg16[%add3A_523] : memref<4096xf32, #tpu.memory_space<vmem>>[vector<16xi32>], vector<16xf32>,
        %mul3A_525 = arith.constant 16 : i32
        %mul3A_526 = arith.muli %scan3A_426, %mul3A_525 : i32
        %add3A_527 = arith.addi %mul3A_526, %add3A_505 : i32
        %mul3A_528 = arith.constant 8 : i32
        %mul3A_529 = arith.muli %add3A_527, %mul3A_528 : i32
        %get3A_530 = arith.index_cast %mul3A_529 : i32 to index
        %get3A_531 = tpu.vector_load %arg18[%get3A_530] {strides = array<i32>} : memref<2056xi32, #tpu.memory_space<vmem>>, vector<16xi32>,
        %slice3A = vector.extract_strided_slice %get3A_531 {offsets = [0], sizes = [1], strides = [1]} : vector<16xi32> to vector<1xi32>
        %squeeze3A = vector.extract %slice3A[0] : i32 from vector<1xi32>
        %broadcast_in_dim3A_532 = vector.broadcast %squeeze3A : i32 to vector<16xi32>
        %bitcast3A = vector.bitcast %broadcast_in_dim3A_532 : vector<16xi32> to vector<32xbf16>
        %mul3A_533 = arith.mulf %bitcast3A, %pack3A : vector<32xbf16>
        %mul3A_534 = arith.mulf %bitcast3A, %pack3A_282 : vector<32xbf16>
        %slice3A_535 = vector.extract_strided_slice %get3A_531 {offsets = [1], sizes = [1], strides = [1]} : vector<16xi32> to vector<1xi32>
        %squeeze3A_536 = vector.extract %slice3A_535[0] : i32 from vector<1xi32>
        %broadcast_in_dim3A_537 = vector.broadcast %squeeze3A_536 : i32 to vector<16xi32>
        %bitcast3A_538 = vector.bitcast %broadcast_in_dim3A_537 : vector<16xi32> to vector<32xbf16>
        %mul3A_539 = arith.mulf %bitcast3A_538, %pack3A_291 : vector<32xbf16>
        %mul3A_540 = arith.mulf %bitcast3A_538, %pack3A_300 : vector<32xbf16>
        %slice3A_541 = vector.extract_strided_slice %get3A_531 {offsets = [2], sizes = [1], strides = [1]} : vector<16xi32> to vector<1xi32>
        %squeeze3A_542 = vector.extract %slice3A_541[0] : i32 from vector<1xi32>
        %broadcast_in_dim3A_543 = vector.broadcast %squeeze3A_542 : i32 to vector<16xi32>
        %bitcast3A_544 = vector.bitcast %broadcast_in_dim3A_543 : vector<16xi32> to vector<32xbf16>
        %mul3A_545 = arith.mulf %bitcast3A_544, %pack3A_309 : vector<32xbf16>
        %mul3A_546 = arith.mulf %bitcast3A_544, %pack3A_318 : vector<32xbf16>
        %slice3A_547 = vector.extract_strided_slice %get3A_531 {offsets = [3], sizes = [1], strides = [1]} : vector<16xi32> to vector<1xi32>
        %squeeze3A_548 = vector.extract %slice3A_547[0] : i32 from vector<1xi32>
        %broadcast_in_dim3A_549 = vector.broadcast %squeeze3A_548 : i32 to vector<16xi32>
        %bitcast3A_550 = vector.bitcast %broadcast_in_dim3A_549 : vector<16xi32> to vector<32xbf16>
        %mul3A_551 = arith.mulf %bitcast3A_550, %pack3A_327 : vector<32xbf16>
        %mul3A_552 = arith.mulf %bitcast3A_550, %pack3A_336 : vector<32xbf16>
        %slice3A_553 = vector.extract_strided_slice %get3A_531 {offsets = [4], sizes = [1], strides = [1]} : vector<16xi32> to vector<1xi32>
        %squeeze3A_554 = vector.extract %slice3A_553[0] : i32 from vector<1xi32>
        %broadcast_in_dim3A_555 = vector.broadcast %squeeze3A_554 : i32 to vector<16xi32>
        %bitcast3A_556 = vector.bitcast %broadcast_in_dim3A_555 : vector<16xi32> to vector<32xbf16>
        %mul3A_557 = arith.mulf %bitcast3A_556, %pack3A_345 : vector<32xbf16>
        %add3A_558 = arith.addf %mul3A_533, %mul3A_557 : vector<32xbf16>
        %mul3A_559 = arith.mulf %bitcast3A_556, %pack3A_354 : vector<32xbf16>
        %add3A_560 = arith.addf %mul3A_534, %mul3A_559 : vector<32xbf16>
        %slice3A_561 = vector.extract_strided_slice %get3A_531 {offsets = [5], sizes = [1], strides = [1]} : vector<16xi32> to vector<1xi32>
        %squeeze3A_562 = vector.extract %slice3A_561[0] : i32 from vector<1xi32>
        %broadcast_in_dim3A_563 = vector.broadcast %squeeze3A_562 : i32 to vector<16xi32>
        %bitcast3A_564 = vector.bitcast %broadcast_in_dim3A_563 : vector<16xi32> to vector<32xbf16>
        %mul3A_565 = arith.mulf %bitcast3A_564, %pack3A_363 : vector<32xbf16>
        %add3A_566 = arith.addf %mul3A_539, %mul3A_565 : vector<32xbf16>
        %mul3A_567 = arith.mulf %bitcast3A_564, %pack3A_372 : vector<32xbf16>
        %add3A_568 = arith.addf %mul3A_540, %mul3A_567 : vector<32xbf16>
        %slice3A_569 = vector.extract_strided_slice %get3A_531 {offsets = [6], sizes = [1], strides = [1]} : vector<16xi32> to vector<1xi32>
        %squeeze3A_570 = vector.extract %slice3A_569[0] : i32 from vector<1xi32>
        %broadcast_in_dim3A_571 = vector.broadcast %squeeze3A_570 : i32 to vector<16xi32>
        %bitcast3A_572 = vector.bitcast %broadcast_in_dim3A_571 : vector<16xi32> to vector<32xbf16>
        %mul3A_573 = arith.mulf %bitcast3A_572, %pack3A_381 : vector<32xbf16>
        %add3A_574 = arith.addf %mul3A_545, %mul3A_573 : vector<32xbf16>
        %mul3A_575 = arith.mulf %bitcast3A_572, %pack3A_390 : vector<32xbf16>
        %add3A_576 = arith.addf %mul3A_546, %mul3A_575 : vector<32xbf16>
        %slice3A_577 = vector.extract_strided_slice %get3A_531 {offsets = [7], sizes = [1], strides = [1]} : vector<16xi32> to vector<1xi32>
        %squeeze3A_578 = vector.extract %slice3A_577[0] : i32 from vector<1xi32>
        %broadcast_in_dim3A_579 = vector.broadcast %squeeze3A_578 : i32 to vector<16xi32>
        %bitcast3A_580 = vector.bitcast %broadcast_in_dim3A_579 : vector<16xi32> to vector<32xbf16>
        %mul3A_581 = arith.mulf %bitcast3A_580, %pack3A_399 : vector<32xbf16>
        %add3A_582 = arith.addf %mul3A_551, %mul3A_581 : vector<32xbf16>
        %mul3A_583 = arith.mulf %bitcast3A_580, %pack3A_408 : vector<32xbf16>
        %add3A_584 = arith.addf %mul3A_552, %mul3A_583 : vector<32xbf16>
        %add3A_585 = arith.addf %add3A_558, %add3A_566 : vector<32xbf16>
        %add3A_586 = arith.addf %add3A_574, %add3A_582 : vector<32xbf16>
        %add3A_587 = arith.addf %add3A_585, %add3A_586 : vector<32xbf16>
        %unpack3A = tpu.unpack_subelements %add3A_587, 0 {pack_format = #tpu.pack_format<interleaved>} : vector<32xbf16> -> vector<16xf32>
        %unpack3A_588 = tpu.unpack_subelements %add3A_587, 1 {pack_format = #tpu.pack_format<interleaved>} : vector<32xbf16> -> vector<16xf32>
        %add3A_589 = arith.addf %gather3A_518, %unpack3A : vector<16xf32>
        %mul3A_590 = arith.constant 16 : i32
        %mul3A_591 = arith.muli %scan3A_426, %mul3A_590 : i32
        %add3A_592 = arith.addi %mul3A_591, %add3A_505 : i32
        %swap3A_593 = arith.index_cast %add3A_592 : i32 to index
        %swap3A_594 = arith.constant 0 : index
        %swap3A_595 = tpu.vector_load %arg17[%swap3A_593, %swap3A_594] {strides = array<i32>} : memref<256x64xf32, #tpu.memory_space<vmem>>, vector<16xf32>,
        tpu.vector_store %arg17[%swap3A_593, %swap3A_594], %add3A_589 {strides = array<i32>} : memref<256x64xf32, #tpu.memory_space<vmem>>, vector<16xf32>,
        %add3A_596 = arith.addf %gather3A_520, %unpack3A_588 : vector<16xf32>
        %mul3A_597 = arith.constant 16 : i32
        %mul3A_598 = arith.muli %scan3A_426, %mul3A_597 : i32
        %add3A_599 = arith.addi %mul3A_598, %add3A_505 : i32
        %swap3A_600 = arith.index_cast %add3A_599 : i32 to index
        %swap3A_601 = arith.constant 16 : index
        %swap3A_602 = tpu.vector_load %arg17[%swap3A_600, %swap3A_601] {strides = array<i32>} : memref<256x64xf32, #tpu.memory_space<vmem>>, vector<16xf32>,
        tpu.vector_store %arg17[%swap3A_600, %swap3A_601], %add3A_596 {strides = array<i32>} : memref<256x64xf32, #tpu.memory_space<vmem>>, vector<16xf32>,
        %add3A_603 = arith.addf %add3A_560, %add3A_568 : vector<32xbf16>
        %add3A_604 = arith.addf %add3A_576, %add3A_584 : vector<32xbf16>
        %add3A_605 = arith.addf %add3A_603, %add3A_604 : vector<32xbf16>
        %unpack3A_606 = tpu.unpack_subelements %add3A_605, 0 {pack_format = #tpu.pack_format<interleaved>} : vector<32xbf16> -> vector<16xf32>
        %unpack3A_607 = tpu.unpack_subelements %add3A_605, 1 {pack_format = #tpu.pack_format<interleaved>} : vector<32xbf16> -> vector<16xf32>
        %add3A_608 = arith.addf %gather3A_522, %unpack3A_606 : vector<16xf32>
        %mul3A_609 = arith.constant 16 : i32
        %mul3A_610 = arith.muli %scan3A_426, %mul3A_609 : i32
        %add3A_611 = arith.addi %mul3A_610, %add3A_505 : i32
        %swap3A_612 = arith.index_cast %add3A_611 : i32 to index
        %swap3A_613 = arith.constant 32 : index
        %swap3A_614 = tpu.vector_load %arg17[%swap3A_612, %swap3A_613] {strides = array<i32>} : memref<256x64xf32, #tpu.memory_space<vmem>>, vector<16xf32>,
        tpu.vector_store %arg17[%swap3A_612, %swap3A_613], %add3A_608 {strides = array<i32>} : memref<256x64xf32, #tpu.memory_space<vmem>>, vector<16xf32>,
        %add3A_615 = arith.addf %gather3A_524, %unpack3A_607 : vector<16xf32>
        %mul3A_616 = arith.constant 16 : i32
        %mul3A_617 = arith.muli %scan3A_426, %mul3A_616 : i32
        %add3A_618 = arith.addi %mul3A_617, %add3A_505 : i32
        %swap3A_619 = arith.index_cast %add3A_618 : i32 to index
        %swap3A_620 = arith.constant 48 : index
        %swap3A_621 = tpu.vector_load %arg17[%swap3A_619, %swap3A_620] {strides = array<i32>} : memref<256x64xf32, #tpu.memory_space<vmem>>, vector<16xf32>,
        tpu.vector_store %arg17[%swap3A_619, %swap3A_620], %add3A_615 {strides = array<i32>} : memref<256x64xf32, #tpu.memory_space<vmem>>, vector<16xf32>,
        %mul3A_622 = arith.constant 4 : i32
        %mul3A_623 = arith.muli %scan3A_501, %mul3A_622 : i32
        %add3A_624 = arith.constant 1 : i32
        %add3A_625 = arith.addi %mul3A_623, %add3A_624 : i32
        %broadcast_in_dim3A_626 = vector.broadcast %add3A_625 : i32 to vector<16xi32>
        %lt3A_627 = arith.constant 0 : i32
        %lt3A_628 = vector.broadcast %lt3A_627 : i32 to vector<16xi32>
        %lt3A_629 = arith.cmpi slt, %broadcast_in_dim3A_626, %lt3A_628 : vector<16xi32>
        %add3A_630 = arith.constant 16 : i32
        %add3A_631 = vector.broadcast %add3A_630 : i32 to vector<16xi32>
        %add3A_632 = arith.addi %broadcast_in_dim3A_626, %add3A_631 : vector<16xi32>
        %select_n3A_633 = arith.select %lt3A_629, %add3A_632, %broadcast_in_dim3A_626 : vector<16xi1>, vector<16xi32>
        %reshape3A_634 = vector.shape_cast %select_n3A_633 : vector<16xi32> to vector<16x1xi32>
        %gather3A_635 = vector.shape_cast %reshape3A_634 : vector<16x1xi32> to vector<16xi32>
        %gather3A_636 = tpu.dynamic_gather %mul3A_494[%gather3A_635] in [0] : vector<16xi32>, vector<16xi32> -> vector<16xi32>
        %add3A_637 = arith.addi %gather3A_636, %add3A_256 : vector<16xi32>
        %gather3A_638 = tpu.vector_load_idx %arg16[%add3A_637] : memref<4096xf32, #tpu.memory_space<vmem>>[vector<16xi32>], vector<16xf32>,
        %add3A_639 = arith.addi %gather3A_636, %add3A_259 : vector<16xi32>
        %gather3A_640 = tpu.vector_load_idx %arg16[%add3A_639] : memref<4096xf32, #tpu.memory_space<vmem>>[vector<16xi32>], vector<16xf32>,
        %add3A_641 = arith.addi %gather3A_636, %add3A_262 : vector<16xi32>
        %gather3A_642 = tpu.vector_load_idx %arg16[%add3A_641] : memref<4096xf32, #tpu.memory_space<vmem>>[vector<16xi32>], vector<16xf32>,
        %add3A_643 = arith.addi %gather3A_636, %add3A_265 : vector<16xi32>
        %gather3A_644 = tpu.vector_load_idx %arg16[%add3A_643] : memref<4096xf32, #tpu.memory_space<vmem>>[vector<16xi32>], vector<16xf32>,
        %mul3A_645 = arith.constant 16 : i32
        %mul3A_646 = arith.muli %scan3A_426, %mul3A_645 : i32
        %add3A_647 = arith.addi %mul3A_646, %add3A_625 : i32
        %mul3A_648 = arith.constant 8 : i32
        %mul3A_649 = arith.muli %add3A_647, %mul3A_648 : i32
        %get3A_650 = arith.index_cast %mul3A_649 : i32 to index
        %get3A_651 = tpu.vector_load %arg18[%get3A_650] {strides = array<i32>} : memref<2056xi32, #tpu.memory_space<vmem>>, vector<16xi32>,
        %slice3A_652 = vector.extract_strided_slice %get3A_651 {offsets = [0], sizes = [1], strides = [1]} : vector<16xi32> to vector<1xi32>
        %squeeze3A_653 = vector.extract %slice3A_652[0] : i32 from vector<1xi32>
        %broadcast_in_dim3A_654 = vector.broadcast %squeeze3A_653 : i32 to vector<16xi32>
        %bitcast3A_655 = vector.bitcast %broadcast_in_dim3A_654 : vector<16xi32> to vector<32xbf16>
        %mul3A_656 = arith.mulf %bitcast3A_655, %pack3A : vector<32xbf16>
        %mul3A_657 = arith.mulf %bitcast3A_655, %pack3A_282 : vector<32xbf16>
        %slice3A_658 = vector.extract_strided_slice %get3A_651 {offsets = [1], sizes = [1], strides = [1]} : vector<16xi32> to vector<1xi32>
        %squeeze3A_659 = vector.extract %slice3A_658[0] : i32 from vector<1xi32>
        %broadcast_in_dim3A_660 = vector.broadcast %squeeze3A_659 : i32 to vector<16xi32>
        %bitcast3A_661 = vector.bitcast %broadcast_in_dim3A_660 : vector<16xi32> to vector<32xbf16>
        %mul3A_662 = arith.mulf %bitcast3A_661, %pack3A_291 : vector<32xbf16>
        %mul3A_663 = arith.mulf %bitcast3A_661, %pack3A_300 : vector<32xbf16>
        %slice3A_664 = vector.extract_strided_slice %get3A_651 {offsets = [2], sizes = [1], strides = [1]} : vector<16xi32> to vector<1xi32>
        %squeeze3A_665 = vector.extract %slice3A_664[0] : i32 from vector<1xi32>
        %broadcast_in_dim3A_666 = vector.broadcast %squeeze3A_665 : i32 to vector<16xi32>
        %bitcast3A_667 = vector.bitcast %broadcast_in_dim3A_666 : vector<16xi32> to vector<32xbf16>
        %mul3A_668 = arith.mulf %bitcast3A_667, %pack3A_309 : vector<32xbf16>
        %mul3A_669 = arith.mulf %bitcast3A_667, %pack3A_318 : vector<32xbf16>
        %slice3A_670 = vector.extract_strided_slice %get3A_651 {offsets = [3], sizes = [1], strides = [1]} : vector<16xi32> to vector<1xi32>
        %squeeze3A_671 = vector.extract %slice3A_670[0] : i32 from vector<1xi32>
        %broadcast_in_dim3A_672 = vector.broadcast %squeeze3A_671 : i32 to vector<16xi32>
        %bitcast3A_673 = vector.bitcast %broadcast_in_dim3A_672 : vector<16xi32> to vector<32xbf16>
        %mul3A_674 = arith.mulf %bitcast3A_673, %pack3A_327 : vector<32xbf16>
        %mul3A_675 = arith.mulf %bitcast3A_673, %pack3A_336 : vector<32xbf16>
        %slice3A_676 = vector.extract_strided_slice %get3A_651 {offsets = [4], sizes = [1], strides = [1]} : vector<16xi32> to vector<1xi32>
        %squeeze3A_677 = vector.extract %slice3A_676[0] : i32 from vector<1xi32>
        %broadcast_in_dim3A_678 = vector.broadcast %squeeze3A_677 : i32 to vector<16xi32>
        %bitcast3A_679 = vector.bitcast %broadcast_in_dim3A_678 : vector<16xi32> to vector<32xbf16>
        %mul3A_680 = arith.mulf %bitcast3A_679, %pack3A_345 : vector<32xbf16>
        %add3A_681 = arith.addf %mul3A_656, %mul3A_680 : vector<32xbf16>
        %mul3A_682 = arith.mulf %bitcast3A_679, %pack3A_354 : vector<32xbf16>
        %add3A_683 = arith.addf %mul3A_657, %mul3A_682 : vector<32xbf16>
        %slice3A_684 = vector.extract_strided_slice %get3A_651 {offsets = [5], sizes = [1], strides = [1]} : vector<16xi32> to vector<1xi32>
        %squeeze3A_685 = vector.extract %slice3A_684[0] : i32 from vector<1xi32>
        %broadcast_in_dim3A_686 = vector.broadcast %squeeze3A_685 : i32 to vector<16xi32>
        %bitcast3A_687 = vector.bitcast %broadcast_in_dim3A_686 : vector<16xi32> to vector<32xbf16>
        %mul3A_688 = arith.mulf %bitcast3A_687, %pack3A_363 : vector<32xbf16>
        %add3A_689 = arith.addf %mul3A_662, %mul3A_688 : vector<32xbf16>
        %mul3A_690 = arith.mulf %bitcast3A_687, %pack3A_372 : vector<32xbf16>
        %add3A_691 = arith.addf %mul3A_663, %mul3A_690 : vector<32xbf16>
        %slice3A_692 = vector.extract_strided_slice %get3A_651 {offsets = [6], sizes = [1], strides = [1]} : vector<16xi32> to vector<1xi32>
        %squeeze3A_693 = vector.extract %slice3A_692[0] : i32 from vector<1xi32>
        %broadcast_in_dim3A_694 = vector.broadcast %squeeze3A_693 : i32 to vector<16xi32>
        %bitcast3A_695 = vector.bitcast %broadcast_in_dim3A_694 : vector<16xi32> to vector<32xbf16>
        %mul3A_696 = arith.mulf %bitcast3A_695, %pack3A_381 : vector<32xbf16>
        %add3A_697 = arith.addf %mul3A_668, %mul3A_696 : vector<32xbf16>
        %mul3A_698 = arith.mulf %bitcast3A_695, %pack3A_390 : vector<32xbf16>
        %add3A_699 = arith.addf %mul3A_669, %mul3A_698 : vector<32xbf16>
        %slice3A_700 = vector.extract_strided_slice %get3A_651 {offsets = [7], sizes = [1], strides = [1]} : vector<16xi32> to vector<1xi32>
        %squeeze3A_701 = vector.extract %slice3A_700[0] : i32 from vector<1xi32>
        %broadcast_in_dim3A_702 = vector.broadcast %squeeze3A_701 : i32 to vector<16xi32>
        %bitcast3A_703 = vector.bitcast %broadcast_in_dim3A_702 : vector<16xi32> to vector<32xbf16>
        %mul3A_704 = arith.mulf %bitcast3A_703, %pack3A_399 : vector<32xbf16>
        %add3A_705 = arith.addf %mul3A_674, %mul3A_704 : vector<32xbf16>
        %mul3A_706 = arith.mulf %bitcast3A_703, %pack3A_408 : vector<32xbf16>
        %add3A_707 = arith.addf %mul3A_675, %mul3A_706 : vector<32xbf16>
        %add3A_708 = arith.addf %add3A_681, %add3A_689 : vector<32xbf16>
        %add3A_709 = arith.addf %add3A_697, %add3A_705 : vector<32xbf16>
        %add3A_710 = arith.addf %add3A_708, %add3A_709 : vector<32xbf16>
        %unpack3A_711 = tpu.unpack_subelements %add3A_710, 0 {pack_format = #tpu.pack_format<interleaved>} : vector<32xbf16> -> vector<16xf32>
        %unpack3A_712 = tpu.unpack_subelements %add3A_710, 1 {pack_format = #tpu.pack_format<interleaved>} : vector<32xbf16> -> vector<16xf32>
        %add3A_713 = arith.addf %gather3A_638, %unpack3A_711 : vector<16xf32>
        %mul3A_714 = arith.constant 16 : i32
        %mul3A_715 = arith.muli %scan3A_426, %mul3A_714 : i32
        %add3A_716 = arith.addi %mul3A_715, %add3A_625 : i32
        %swap3A_717 = arith.index_cast %add3A_716 : i32 to index
        %swap3A_718 = arith.constant 0 : index
        %swap3A_719 = tpu.vector_load %arg17[%swap3A_717, %swap3A_718] {strides = array<i32>} : memref<256x64xf32, #tpu.memory_space<vmem>>, vector<16xf32>,
        tpu.vector_store %arg17[%swap3A_717, %swap3A_718], %add3A_713 {strides = array<i32>} : memref<256x64xf32, #tpu.memory_space<vmem>>, vector<16xf32>,
        %add3A_720 = arith.addf %gather3A_640, %unpack3A_712 : vector<16xf32>
        %mul3A_721 = arith.constant 16 : i32
        %mul3A_722 = arith.muli %scan3A_426, %mul3A_721 : i32
        %add3A_723 = arith.addi %mul3A_722, %add3A_625 : i32
        %swap3A_724 = arith.index_cast %add3A_723 : i32 to index
        %swap3A_725 = arith.constant 16 : index
        %swap3A_726 = tpu.vector_load %arg17[%swap3A_724, %swap3A_725] {strides = array<i32>} : memref<256x64xf32, #tpu.memory_space<vmem>>, vector<16xf32>,
        tpu.vector_store %arg17[%swap3A_724, %swap3A_725], %add3A_720 {strides = array<i32>} : memref<256x64xf32, #tpu.memory_space<vmem>>, vector<16xf32>,
        %add3A_727 = arith.addf %add3A_683, %add3A_691 : vector<32xbf16>
        %add3A_728 = arith.addf %add3A_699, %add3A_707 : vector<32xbf16>
        %add3A_729 = arith.addf %add3A_727, %add3A_728 : vector<32xbf16>
        %unpack3A_730 = tpu.unpack_subelements %add3A_729, 0 {pack_format = #tpu.pack_format<interleaved>} : vector<32xbf16> -> vector<16xf32>
        %unpack3A_731 = tpu.unpack_subelements %add3A_729, 1 {pack_format = #tpu.pack_format<interleaved>} : vector<32xbf16> -> vector<16xf32>
        %add3A_732 = arith.addf %gather3A_642, %unpack3A_730 : vector<16xf32>
        %mul3A_733 = arith.constant 16 : i32
        %mul3A_734 = arith.muli %scan3A_426, %mul3A_733 : i32
        %add3A_735 = arith.addi %mul3A_734, %add3A_625 : i32
        %swap3A_736 = arith.index_cast %add3A_735 : i32 to index
        %swap3A_737 = arith.constant 32 : index
        %swap3A_738 = tpu.vector_load %arg17[%swap3A_736, %swap3A_737] {strides = array<i32>} : memref<256x64xf32, #tpu.memory_space<vmem>>, vector<16xf32>,
        tpu.vector_store %arg17[%swap3A_736, %swap3A_737], %add3A_732 {strides = array<i32>} : memref<256x64xf32, #tpu.memory_space<vmem>>, vector<16xf32>,
        %add3A_739 = arith.addf %gather3A_644, %unpack3A_731 : vector<16xf32>
        %mul3A_740 = arith.constant 16 : i32
        %mul3A_741 = arith.muli %scan3A_426, %mul3A_740 : i32
        %add3A_742 = arith.addi %mul3A_741, %add3A_625 : i32
        %swap3A_743 = arith.index_cast %add3A_742 : i32 to index
        %swap3A_744 = arith.constant 48 : index
        %swap3A_745 = tpu.vector_load %arg17[%swap3A_743, %swap3A_744] {strides = array<i32>} : memref<256x64xf32, #tpu.memory_space<vmem>>, vector<16xf32>,
        tpu.vector_store %arg17[%swap3A_743, %swap3A_744], %add3A_739 {strides = array<i32>} : memref<256x64xf32, #tpu.memory_space<vmem>>, vector<16xf32>,
        %mul3A_746 = arith.constant 4 : i32
        %mul3A_747 = arith.muli %scan3A_501, %mul3A_746 : i32
        %add3A_748 = arith.constant 2 : i32
        %add3A_749 = arith.addi %mul3A_747, %add3A_748 : i32
        %broadcast_in_dim3A_750 = vector.broadcast %add3A_749 : i32 to vector<16xi32>
        %lt3A_751 = arith.constant 0 : i32
        %lt3A_752 = vector.broadcast %lt3A_751 : i32 to vector<16xi32>
        %lt3A_753 = arith.cmpi slt, %broadcast_in_dim3A_750, %lt3A_752 : vector<16xi32>
        %add3A_754 = arith.constant 16 : i32
        %add3A_755 = vector.broadcast %add3A_754 : i32 to vector<16xi32>
        %add3A_756 = arith.addi %broadcast_in_dim3A_750, %add3A_755 : vector<16xi32>
        %select_n3A_757 = arith.select %lt3A_753, %add3A_756, %broadcast_in_dim3A_750 : vector<16xi1>, vector<16xi32>
        %reshape3A_758 = vector.shape_cast %select_n3A_757 : vector<16xi32> to vector<16x1xi32>
        %gather3A_759 = vector.shape_cast %reshape3A_758 : vector<16x1xi32> to vector<16xi32>
        %gather3A_760 = tpu.dynamic_gather %mul3A_494[%gather3A_759] in [0] : vector<16xi32>, vector<16xi32> -> vector<16xi32>
        %add3A_761 = arith.addi %gather3A_760, %add3A_256 : vector<16xi32>
        %gather3A_762 = tpu.vector_load_idx %arg16[%add3A_761] : memref<4096xf32, #tpu.memory_space<vmem>>[vector<16xi32>], vector<16xf32>,
        %add3A_763 = arith.addi %gather3A_760, %add3A_259 : vector<16xi32>
        %gather3A_764 = tpu.vector_load_idx %arg16[%add3A_763] : memref<4096xf32, #tpu.memory_space<vmem>>[vector<16xi32>], vector<16xf32>,
        %add3A_765 = arith.addi %gather3A_760, %add3A_262 : vector<16xi32>
        %gather3A_766 = tpu.vector_load_idx %arg16[%add3A_765] : memref<4096xf32, #tpu.memory_space<vmem>>[vector<16xi32>], vector<16xf32>,
        %add3A_767 = arith.addi %gather3A_760, %add3A_265 : vector<16xi32>
        %gather3A_768 = tpu.vector_load_idx %arg16[%add3A_767] : memref<4096xf32, #tpu.memory_space<vmem>>[vector<16xi32>], vector<16xf32>,
        %mul3A_769 = arith.constant 16 : i32
        %mul3A_770 = arith.muli %scan3A_426, %mul3A_769 : i32
        %add3A_771 = arith.addi %mul3A_770, %add3A_749 : i32
        %mul3A_772 = arith.constant 8 : i32
        %mul3A_773 = arith.muli %add3A_771, %mul3A_772 : i32
        %get3A_774 = arith.index_cast %mul3A_773 : i32 to index
        %get3A_775 = tpu.vector_load %arg18[%get3A_774] {strides = array<i32>} : memref<2056xi32, #tpu.memory_space<vmem>>, vector<16xi32>,
        %slice3A_776 = vector.extract_strided_slice %get3A_775 {offsets = [0], sizes = [1], strides = [1]} : vector<16xi32> to vector<1xi32>
        %squeeze3A_777 = vector.extract %slice3A_776[0] : i32 from vector<1xi32>
        %broadcast_in_dim3A_778 = vector.broadcast %squeeze3A_777 : i32 to vector<16xi32>
        %bitcast3A_779 = vector.bitcast %broadcast_in_dim3A_778 : vector<16xi32> to vector<32xbf16>
        %mul3A_780 = arith.mulf %bitcast3A_779, %pack3A : vector<32xbf16>
        %mul3A_781 = arith.mulf %bitcast3A_779, %pack3A_282 : vector<32xbf16>
        %slice3A_782 = vector.extract_strided_slice %get3A_775 {offsets = [1], sizes = [1], strides = [1]} : vector<16xi32> to vector<1xi32>
        %squeeze3A_783 = vector.extract %slice3A_782[0] : i32 from vector<1xi32>
        %broadcast_in_dim3A_784 = vector.broadcast %squeeze3A_783 : i32 to vector<16xi32>
        %bitcast3A_785 = vector.bitcast %broadcast_in_dim3A_784 : vector<16xi32> to vector<32xbf16>
        %mul3A_786 = arith.mulf %bitcast3A_785, %pack3A_291 : vector<32xbf16>
        %mul3A_787 = arith.mulf %bitcast3A_785, %pack3A_300 : vector<32xbf16>
        %slice3A_788 = vector.extract_strided_slice %get3A_775 {offsets = [2], sizes = [1], strides = [1]} : vector<16xi32> to vector<1xi32>
        %squeeze3A_789 = vector.extract %slice3A_788[0] : i32 from vector<1xi32>
        %broadcast_in_dim3A_790 = vector.broadcast %squeeze3A_789 : i32 to vector<16xi32>
        %bitcast3A_791 = vector.bitcast %broadcast_in_dim3A_790 : vector<16xi32> to vector<32xbf16>
        %mul3A_792 = arith.mulf %bitcast3A_791, %pack3A_309 : vector<32xbf16>
        %mul3A_793 = arith.mulf %bitcast3A_791, %pack3A_318 : vector<32xbf16>
        %slice3A_794 = vector.extract_strided_slice %get3A_775 {offsets = [3], sizes = [1], strides = [1]} : vector<16xi32> to vector<1xi32>
        %squeeze3A_795 = vector.extract %slice3A_794[0] : i32 from vector<1xi32>
        %broadcast_in_dim3A_796 = vector.broadcast %squeeze3A_795 : i32 to vector<16xi32>
        %bitcast3A_797 = vector.bitcast %broadcast_in_dim3A_796 : vector<16xi32> to vector<32xbf16>
        %mul3A_798 = arith.mulf %bitcast3A_797, %pack3A_327 : vector<32xbf16>
        %mul3A_799 = arith.mulf %bitcast3A_797, %pack3A_336 : vector<32xbf16>
        %slice3A_800 = vector.extract_strided_slice %get3A_775 {offsets = [4], sizes = [1], strides = [1]} : vector<16xi32> to vector<1xi32>
        %squeeze3A_801 = vector.extract %slice3A_800[0] : i32 from vector<1xi32>
        %broadcast_in_dim3A_802 = vector.broadcast %squeeze3A_801 : i32 to vector<16xi32>
        %bitcast3A_803 = vector.bitcast %broadcast_in_dim3A_802 : vector<16xi32> to vector<32xbf16>
        %mul3A_804 = arith.mulf %bitcast3A_803, %pack3A_345 : vector<32xbf16>
        %add3A_805 = arith.addf %mul3A_780, %mul3A_804 : vector<32xbf16>
        %mul3A_806 = arith.mulf %bitcast3A_803, %pack3A_354 : vector<32xbf16>
        %add3A_807 = arith.addf %mul3A_781, %mul3A_806 : vector<32xbf16>
        %slice3A_808 = vector.extract_strided_slice %get3A_775 {offsets = [5], sizes = [1], strides = [1]} : vector<16xi32> to vector<1xi32>
        %squeeze3A_809 = vector.extract %slice3A_808[0] : i32 from vector<1xi32>
        %broadcast_in_dim3A_810 = vector.broadcast %squeeze3A_809 : i32 to vector<16xi32>
        %bitcast3A_811 = vector.bitcast %broadcast_in_dim3A_810 : vector<16xi32> to vector<32xbf16>
        %mul3A_812 = arith.mulf %bitcast3A_811, %pack3A_363 : vector<32xbf16>
        %add3A_813 = arith.addf %mul3A_786, %mul3A_812 : vector<32xbf16>
        %mul3A_814 = arith.mulf %bitcast3A_811, %pack3A_372 : vector<32xbf16>
        %add3A_815 = arith.addf %mul3A_787, %mul3A_814 : vector<32xbf16>
        %slice3A_816 = vector.extract_strided_slice %get3A_775 {offsets = [6], sizes = [1], strides = [1]} : vector<16xi32> to vector<1xi32>
        %squeeze3A_817 = vector.extract %slice3A_816[0] : i32 from vector<1xi32>
        %broadcast_in_dim3A_818 = vector.broadcast %squeeze3A_817 : i32 to vector<16xi32>
        %bitcast3A_819 = vector.bitcast %broadcast_in_dim3A_818 : vector<16xi32> to vector<32xbf16>
        %mul3A_820 = arith.mulf %bitcast3A_819, %pack3A_381 : vector<32xbf16>
        %add3A_821 = arith.addf %mul3A_792, %mul3A_820 : vector<32xbf16>
        %mul3A_822 = arith.mulf %bitcast3A_819, %pack3A_390 : vector<32xbf16>
        %add3A_823 = arith.addf %mul3A_793, %mul3A_822 : vector<32xbf16>
        %slice3A_824 = vector.extract_strided_slice %get3A_775 {offsets = [7], sizes = [1], strides = [1]} : vector<16xi32> to vector<1xi32>
        %squeeze3A_825 = vector.extract %slice3A_824[0] : i32 from vector<1xi32>
        %broadcast_in_dim3A_826 = vector.broadcast %squeeze3A_825 : i32 to vector<16xi32>
        %bitcast3A_827 = vector.bitcast %broadcast_in_dim3A_826 : vector<16xi32> to vector<32xbf16>
        %mul3A_828 = arith.mulf %bitcast3A_827, %pack3A_399 : vector<32xbf16>
        %add3A_829 = arith.addf %mul3A_798, %mul3A_828 : vector<32xbf16>
        %mul3A_830 = arith.mulf %bitcast3A_827, %pack3A_408 : vector<32xbf16>
        %add3A_831 = arith.addf %mul3A_799, %mul3A_830 : vector<32xbf16>
        %add3A_832 = arith.addf %add3A_805, %add3A_813 : vector<32xbf16>
        %add3A_833 = arith.addf %add3A_821, %add3A_829 : vector<32xbf16>
        %add3A_834 = arith.addf %add3A_832, %add3A_833 : vector<32xbf16>
        %unpack3A_835 = tpu.unpack_subelements %add3A_834, 0 {pack_format = #tpu.pack_format<interleaved>} : vector<32xbf16> -> vector<16xf32>
        %unpack3A_836 = tpu.unpack_subelements %add3A_834, 1 {pack_format = #tpu.pack_format<interleaved>} : vector<32xbf16> -> vector<16xf32>
        %add3A_837 = arith.addf %gather3A_762, %unpack3A_835 : vector<16xf32>
        %mul3A_838 = arith.constant 16 : i32
        %mul3A_839 = arith.muli %scan3A_426, %mul3A_838 : i32
        %add3A_840 = arith.addi %mul3A_839, %add3A_749 : i32
        %swap3A_841 = arith.index_cast %add3A_840 : i32 to index
        %swap3A_842 = arith.constant 0 : index
        %swap3A_843 = tpu.vector_load %arg17[%swap3A_841, %swap3A_842] {strides = array<i32>} : memref<256x64xf32, #tpu.memory_space<vmem>>, vector<16xf32>,
        tpu.vector_store %arg17[%swap3A_841, %swap3A_842], %add3A_837 {strides = array<i32>} : memref<256x64xf32, #tpu.memory_space<vmem>>, vector<16xf32>,
        %add3A_844 = arith.addf %gather3A_764, %unpack3A_836 : vector<16xf32>
        %mul3A_845 = arith.constant 16 : i32
        %mul3A_846 = arith.muli %scan3A_426, %mul3A_845 : i32
        %add3A_847 = arith.addi %mul3A_846, %add3A_749 : i32
        %swap3A_848 = arith.index_cast %add3A_847 : i32 to index
        %swap3A_849 = arith.constant 16 : index
        %swap3A_850 = tpu.vector_load %arg17[%swap3A_848, %swap3A_849] {strides = array<i32>} : memref<256x64xf32, #tpu.memory_space<vmem>>, vector<16xf32>,
        tpu.vector_store %arg17[%swap3A_848, %swap3A_849], %add3A_844 {strides = array<i32>} : memref<256x64xf32, #tpu.memory_space<vmem>>, vector<16xf32>,
        %add3A_851 = arith.addf %add3A_807, %add3A_815 : vector<32xbf16>
        %add3A_852 = arith.addf %add3A_823, %add3A_831 : vector<32xbf16>
        %add3A_853 = arith.addf %add3A_851, %add3A_852 : vector<32xbf16>
        %unpack3A_854 = tpu.unpack_subelements %add3A_853, 0 {pack_format = #tpu.pack_format<interleaved>} : vector<32xbf16> -> vector<16xf32>
        %unpack3A_855 = tpu.unpack_subelements %add3A_853, 1 {pack_format = #tpu.pack_format<interleaved>} : vector<32xbf16> -> vector<16xf32>
        %add3A_856 = arith.addf %gather3A_766, %unpack3A_854 : vector<16xf32>
        %mul3A_857 = arith.constant 16 : i32
        %mul3A_858 = arith.muli %scan3A_426, %mul3A_857 : i32
        %add3A_859 = arith.addi %mul3A_858, %add3A_749 : i32
        %swap3A_860 = arith.index_cast %add3A_859 : i32 to index
        %swap3A_861 = arith.constant 32 : index
        %swap3A_862 = tpu.vector_load %arg17[%swap3A_860, %swap3A_861] {strides = array<i32>} : memref<256x64xf32, #tpu.memory_space<vmem>>, vector<16xf32>,
        tpu.vector_store %arg17[%swap3A_860, %swap3A_861], %add3A_856 {strides = array<i32>} : memref<256x64xf32, #tpu.memory_space<vmem>>, vector<16xf32>,
        %add3A_863 = arith.addf %gather3A_768, %unpack3A_855 : vector<16xf32>
        %mul3A_864 = arith.constant 16 : i32
        %mul3A_865 = arith.muli %scan3A_426, %mul3A_864 : i32
        %add3A_866 = arith.addi %mul3A_865, %add3A_749 : i32
        %swap3A_867 = arith.index_cast %add3A_866 : i32 to index
        %swap3A_868 = arith.constant 48 : index
        %swap3A_869 = tpu.vector_load %arg17[%swap3A_867, %swap3A_868] {strides = array<i32>} : memref<256x64xf32, #tpu.memory_space<vmem>>, vector<16xf32>,
        tpu.vector_store %arg17[%swap3A_867, %swap3A_868], %add3A_863 {strides = array<i32>} : memref<256x64xf32, #tpu.memory_space<vmem>>, vector<16xf32>,
        %mul3A_870 = arith.constant 4 : i32
        %mul3A_871 = arith.muli %scan3A_501, %mul3A_870 : i32
        %add3A_872 = arith.constant 3 : i32
        %add3A_873 = arith.addi %mul3A_871, %add3A_872 : i32
        %broadcast_in_dim3A_874 = vector.broadcast %add3A_873 : i32 to vector<16xi32>
        %lt3A_875 = arith.constant 0 : i32
        %lt3A_876 = vector.broadcast %lt3A_875 : i32 to vector<16xi32>
        %lt3A_877 = arith.cmpi slt, %broadcast_in_dim3A_874, %lt3A_876 : vector<16xi32>
        %add3A_878 = arith.constant 16 : i32
        %add3A_879 = vector.broadcast %add3A_878 : i32 to vector<16xi32>
        %add3A_880 = arith.addi %broadcast_in_dim3A_874, %add3A_879 : vector<16xi32>
        %select_n3A_881 = arith.select %lt3A_877, %add3A_880, %broadcast_in_dim3A_874 : vector<16xi1>, vector<16xi32>
        %reshape3A_882 = vector.shape_cast %select_n3A_881 : vector<16xi32> to vector<16x1xi32>
        %gather3A_883 = vector.shape_cast %reshape3A_882 : vector<16x1xi32> to vector<16xi32>
        %gather3A_884 = tpu.dynamic_gather %mul3A_494[%gather3A_883] in [0] : vector<16xi32>, vector<16xi32> -> vector<16xi32>
        %add3A_885 = arith.addi %gather3A_884, %add3A_256 : vector<16xi32>
        %gather3A_886 = tpu.vector_load_idx %arg16[%add3A_885] : memref<4096xf32, #tpu.memory_space<vmem>>[vector<16xi32>], vector<16xf32>,
        %add3A_887 = arith.addi %gather3A_884, %add3A_259 : vector<16xi32>
        %gather3A_888 = tpu.vector_load_idx %arg16[%add3A_887] : memref<4096xf32, #tpu.memory_space<vmem>>[vector<16xi32>], vector<16xf32>,
        %add3A_889 = arith.addi %gather3A_884, %add3A_262 : vector<16xi32>
        %gather3A_890 = tpu.vector_load_idx %arg16[%add3A_889] : memref<4096xf32, #tpu.memory_space<vmem>>[vector<16xi32>], vector<16xf32>,
        %add3A_891 = arith.addi %gather3A_884, %add3A_265 : vector<16xi32>
        %gather3A_892 = tpu.vector_load_idx %arg16[%add3A_891] : memref<4096xf32, #tpu.memory_space<vmem>>[vector<16xi32>], vector<16xf32>,
        %mul3A_893 = arith.constant 16 : i32
        %mul3A_894 = arith.muli %scan3A_426, %mul3A_893 : i32
        %add3A_895 = arith.addi %mul3A_894, %add3A_873 : i32
        %mul3A_896 = arith.constant 8 : i32
        %mul3A_897 = arith.muli %add3A_895, %mul3A_896 : i32
        %get3A_898 = arith.index_cast %mul3A_897 : i32 to index
        %get3A_899 = tpu.vector_load %arg18[%get3A_898] {strides = array<i32>} : memref<2056xi32, #tpu.memory_space<vmem>>, vector<16xi32>,
        %slice3A_900 = vector.extract_strided_slice %get3A_899 {offsets = [0], sizes = [1], strides = [1]} : vector<16xi32> to vector<1xi32>
        %squeeze3A_901 = vector.extract %slice3A_900[0] : i32 from vector<1xi32>
        %broadcast_in_dim3A_902 = vector.broadcast %squeeze3A_901 : i32 to vector<16xi32>
        %bitcast3A_903 = vector.bitcast %broadcast_in_dim3A_902 : vector<16xi32> to vector<32xbf16>
        %mul3A_904 = arith.mulf %bitcast3A_903, %pack3A : vector<32xbf16>
        %mul3A_905 = arith.mulf %bitcast3A_903, %pack3A_282 : vector<32xbf16>
        %slice3A_906 = vector.extract_strided_slice %get3A_899 {offsets = [1], sizes = [1], strides = [1]} : vector<16xi32> to vector<1xi32>
        %squeeze3A_907 = vector.extract %slice3A_906[0] : i32 from vector<1xi32>
        %broadcast_in_dim3A_908 = vector.broadcast %squeeze3A_907 : i32 to vector<16xi32>
        %bitcast3A_909 = vector.bitcast %broadcast_in_dim3A_908 : vector<16xi32> to vector<32xbf16>
        %mul3A_910 = arith.mulf %bitcast3A_909, %pack3A_291 : vector<32xbf16>
        %mul3A_911 = arith.mulf %bitcast3A_909, %pack3A_300 : vector<32xbf16>
        %slice3A_912 = vector.extract_strided_slice %get3A_899 {offsets = [2], sizes = [1], strides = [1]} : vector<16xi32> to vector<1xi32>
        %squeeze3A_913 = vector.extract %slice3A_912[0] : i32 from vector<1xi32>
        %broadcast_in_dim3A_914 = vector.broadcast %squeeze3A_913 : i32 to vector<16xi32>
        %bitcast3A_915 = vector.bitcast %broadcast_in_dim3A_914 : vector<16xi32> to vector<32xbf16>
        %mul3A_916 = arith.mulf %bitcast3A_915, %pack3A_309 : vector<32xbf16>
        %mul3A_917 = arith.mulf %bitcast3A_915, %pack3A_318 : vector<32xbf16>
        %slice3A_918 = vector.extract_strided_slice %get3A_899 {offsets = [3], sizes = [1], strides = [1]} : vector<16xi32> to vector<1xi32>
        %squeeze3A_919 = vector.extract %slice3A_918[0] : i32 from vector<1xi32>
        %broadcast_in_dim3A_920 = vector.broadcast %squeeze3A_919 : i32 to vector<16xi32>
        %bitcast3A_921 = vector.bitcast %broadcast_in_dim3A_920 : vector<16xi32> to vector<32xbf16>
        %mul3A_922 = arith.mulf %bitcast3A_921, %pack3A_327 : vector<32xbf16>
        %mul3A_923 = arith.mulf %bitcast3A_921, %pack3A_336 : vector<32xbf16>
        %slice3A_924 = vector.extract_strided_slice %get3A_899 {offsets = [4], sizes = [1], strides = [1]} : vector<16xi32> to vector<1xi32>
        %squeeze3A_925 = vector.extract %slice3A_924[0] : i32 from vector<1xi32>
        %broadcast_in_dim3A_926 = vector.broadcast %squeeze3A_925 : i32 to vector<16xi32>
        %bitcast3A_927 = vector.bitcast %broadcast_in_dim3A_926 : vector<16xi32> to vector<32xbf16>
        %mul3A_928 = arith.mulf %bitcast3A_927, %pack3A_345 : vector<32xbf16>
        %add3A_929 = arith.addf %mul3A_904, %mul3A_928 : vector<32xbf16>
        %mul3A_930 = arith.mulf %bitcast3A_927, %pack3A_354 : vector<32xbf16>
        %add3A_931 = arith.addf %mul3A_905, %mul3A_930 : vector<32xbf16>
        %slice3A_932 = vector.extract_strided_slice %get3A_899 {offsets = [5], sizes = [1], strides = [1]} : vector<16xi32> to vector<1xi32>
        %squeeze3A_933 = vector.extract %slice3A_932[0] : i32 from vector<1xi32>
        %broadcast_in_dim3A_934 = vector.broadcast %squeeze3A_933 : i32 to vector<16xi32>
        %bitcast3A_935 = vector.bitcast %broadcast_in_dim3A_934 : vector<16xi32> to vector<32xbf16>
        %mul3A_936 = arith.mulf %bitcast3A_935, %pack3A_363 : vector<32xbf16>
        %add3A_937 = arith.addf %mul3A_910, %mul3A_936 : vector<32xbf16>
        %mul3A_938 = arith.mulf %bitcast3A_935, %pack3A_372 : vector<32xbf16>
        %add3A_939 = arith.addf %mul3A_911, %mul3A_938 : vector<32xbf16>
        %slice3A_940 = vector.extract_strided_slice %get3A_899 {offsets = [6], sizes = [1], strides = [1]} : vector<16xi32> to vector<1xi32>
        %squeeze3A_941 = vector.extract %slice3A_940[0] : i32 from vector<1xi32>
        %broadcast_in_dim3A_942 = vector.broadcast %squeeze3A_941 : i32 to vector<16xi32>
        %bitcast3A_943 = vector.bitcast %broadcast_in_dim3A_942 : vector<16xi32> to vector<32xbf16>
        %mul3A_944 = arith.mulf %bitcast3A_943, %pack3A_381 : vector<32xbf16>
        %add3A_945 = arith.addf %mul3A_916, %mul3A_944 : vector<32xbf16>
        %mul3A_946 = arith.mulf %bitcast3A_943, %pack3A_390 : vector<32xbf16>
        %add3A_947 = arith.addf %mul3A_917, %mul3A_946 : vector<32xbf16>
        %slice3A_948 = vector.extract_strided_slice %get3A_899 {offsets = [7], sizes = [1], strides = [1]} : vector<16xi32> to vector<1xi32>
        %squeeze3A_949 = vector.extract %slice3A_948[0] : i32 from vector<1xi32>
        %broadcast_in_dim3A_950 = vector.broadcast %squeeze3A_949 : i32 to vector<16xi32>
        %bitcast3A_951 = vector.bitcast %broadcast_in_dim3A_950 : vector<16xi32> to vector<32xbf16>
        %mul3A_952 = arith.mulf %bitcast3A_951, %pack3A_399 : vector<32xbf16>
        %add3A_953 = arith.addf %mul3A_922, %mul3A_952 : vector<32xbf16>
        %mul3A_954 = arith.mulf %bitcast3A_951, %pack3A_408 : vector<32xbf16>
        %add3A_955 = arith.addf %mul3A_923, %mul3A_954 : vector<32xbf16>
        %add3A_956 = arith.addf %add3A_929, %add3A_937 : vector<32xbf16>
        %add3A_957 = arith.addf %add3A_945, %add3A_953 : vector<32xbf16>
        %add3A_958 = arith.addf %add3A_956, %add3A_957 : vector<32xbf16>
        %unpack3A_959 = tpu.unpack_subelements %add3A_958, 0 {pack_format = #tpu.pack_format<interleaved>} : vector<32xbf16> -> vector<16xf32>
        %unpack3A_960 = tpu.unpack_subelements %add3A_958, 1 {pack_format = #tpu.pack_format<interleaved>} : vector<32xbf16> -> vector<16xf32>
        %add3A_961 = arith.addf %gather3A_886, %unpack3A_959 : vector<16xf32>
        %mul3A_962 = arith.constant 16 : i32
        %mul3A_963 = arith.muli %scan3A_426, %mul3A_962 : i32
        %add3A_964 = arith.addi %mul3A_963, %add3A_873 : i32
        %swap3A_965 = arith.index_cast %add3A_964 : i32 to index
        %swap3A_966 = arith.constant 0 : index
        %swap3A_967 = tpu.vector_load %arg17[%swap3A_965, %swap3A_966] {strides = array<i32>} : memref<256x64xf32, #tpu.memory_space<vmem>>, vector<16xf32>,
        tpu.vector_store %arg17[%swap3A_965, %swap3A_966], %add3A_961 {strides = array<i32>} : memref<256x64xf32, #tpu.memory_space<vmem>>, vector<16xf32>,
        %add3A_968 = arith.addf %gather3A_888, %unpack3A_960 : vector<16xf32>
        %mul3A_969 = arith.constant 16 : i32
        %mul3A_970 = arith.muli %scan3A_426, %mul3A_969 : i32
        %add3A_971 = arith.addi %mul3A_970, %add3A_873 : i32
        %swap3A_972 = arith.index_cast %add3A_971 : i32 to index
        %swap3A_973 = arith.constant 16 : index
        %swap3A_974 = tpu.vector_load %arg17[%swap3A_972, %swap3A_973] {strides = array<i32>} : memref<256x64xf32, #tpu.memory_space<vmem>>, vector<16xf32>,
        tpu.vector_store %arg17[%swap3A_972, %swap3A_973], %add3A_968 {strides = array<i32>} : memref<256x64xf32, #tpu.memory_space<vmem>>, vector<16xf32>,
        %add3A_975 = arith.addf %add3A_931, %add3A_939 : vector<32xbf16>
        %add3A_976 = arith.addf %add3A_947, %add3A_955 : vector<32xbf16>
        %add3A_977 = arith.addf %add3A_975, %add3A_976 : vector<32xbf16>
        %unpack3A_978 = tpu.unpack_subelements %add3A_977, 0 {pack_format = #tpu.pack_format<interleaved>} : vector<32xbf16> -> vector<16xf32>
        %unpack3A_979 = tpu.unpack_subelements %add3A_977, 1 {pack_format = #tpu.pack_format<interleaved>} : vector<32xbf16> -> vector<16xf32>
        %add3A_980 = arith.addf %gather3A_890, %unpack3A_978 : vector<16xf32>
        %mul3A_981 = arith.constant 16 : i32
        %mul3A_982 = arith.muli %scan3A_426, %mul3A_981 : i32
        %add3A_983 = arith.addi %mul3A_982, %add3A_873 : i32
        %swap3A_984 = arith.index_cast %add3A_983 : i32 to index
        %swap3A_985 = arith.constant 32 : index
        %swap3A_986 = tpu.vector_load %arg17[%swap3A_984, %swap3A_985] {strides = array<i32>} : memref<256x64xf32, #tpu.memory_space<vmem>>, vector<16xf32>,
        tpu.vector_store %arg17[%swap3A_984, %swap3A_985], %add3A_980 {strides = array<i32>} : memref<256x64xf32, #tpu.memory_space<vmem>>, vector<16xf32>,
        %add3A_987 = arith.addf %gather3A_892, %unpack3A_979 : vector<16xf32>
        %mul3A_988 = arith.constant 16 : i32
        %mul3A_989 = arith.muli %scan3A_426, %mul3A_988 : i32
        %add3A_990 = arith.addi %mul3A_989, %add3A_873 : i32
        %swap3A_991 = arith.index_cast %add3A_990 : i32 to index
        %swap3A_992 = arith.constant 48 : index
        %swap3A_993 = tpu.vector_load %arg17[%swap3A_991, %swap3A_992] {strides = array<i32>} : memref<256x64xf32, #tpu.memory_space<vmem>>, vector<16xf32>,
        tpu.vector_store %arg17[%swap3A_991, %swap3A_992], %add3A_987 {strides = array<i32>} : memref<256x64xf32, #tpu.memory_space<vmem>>, vector<16xf32>,
      }
      %scan3A_500 = arith.constant 4 : i32
    }
    %scan3A_422 = arith.constant 16 : i32
    %mul3A_423 = arith.constant 2 : i32
    %mul3A_424 = arith.muli %arg1, %mul3A_423 : i32
    %add3A_425 = arith.addi %mul3A_424, %arg0 : i32
    "tpu.region"() ({
      %run_scoped3A = tpu.sem_alloc : memref<!tpu.dma_semaphore, #tpu.memory_space<semaphore_mem>>
      %dma_start3A_426 = tpu.memref_reshape %arg7 : memref<8192x64xf32, #tpu.memory_space<hbm>> -> memref<32x256x64xf32, #tpu.memory_space<hbm>>
      %dma_start3A_427 = arith.constant 0 : i32
      %dma_start3A_428 = arith.constant 0 : i32
      %dma_start3A_429 = tpu.memref_slice %dma_start3A_426[%add3A_425, %dma_start3A_427, %dma_start3A_428] : memref<32x256x64xf32, #tpu.memory_space<hbm>> -> memref<1x256x64xf32, #tpu.memory_space<hbm>>
      %dma_start3A_430 = tpu.memref_squeeze %dma_start3A_429 : memref<1x256x64xf32, #tpu.memory_space<hbm>> -> memref<256x64xf32, #tpu.memory_space<hbm>>
      %dma_start3A_431 = tpu.memref_reshape %arg7 : memref<8192x64xf32, #tpu.memory_space<hbm>> -> memref<32x256x64xf32, #tpu.memory_space<hbm>>
      %dma_start3A_432 = arith.constant 0 : i32
      %dma_start3A_433 = arith.constant 0 : i32
      %dma_start3A_434 = tpu.memref_slice %dma_start3A_431[%add3A_425, %dma_start3A_432, %dma_start3A_433] : memref<32x256x64xf32, #tpu.memory_space<hbm>> -> memref<1x256x64xf32, #tpu.memory_space<hbm>>
      %dma_start3A_435 = tpu.memref_squeeze %dma_start3A_434 : memref<1x256x64xf32, #tpu.memory_space<hbm>> -> memref<256x64xf32, #tpu.memory_space<hbm>>
      tpu.enqueue_dma source(%arg17 : memref<256x64xf32, #tpu.memory_space<vmem>>) target(%dma_start3A_435 : memref<256x64xf32, #tpu.memory_space<hbm>>) target_semaphore(%run_scoped3A : memref<!tpu.dma_semaphore, #tpu.memory_space<semaphore_mem>>)
      %dma_wait3A_436 = tpu.memref_reshape %arg7 : memref<8192x64xf32, #tpu.memory_space<hbm>> -> memref<32x256x64xf32, #tpu.memory_space<hbm>>
      %dma_wait3A_437 = arith.constant 0 : i32
      %dma_wait3A_438 = arith.constant 0 : i32
      %dma_wait3A_439 = tpu.memref_slice %dma_wait3A_436[%add3A_425, %dma_wait3A_437, %dma_wait3A_438] : memref<32x256x64xf32, #tpu.memory_space<hbm>> -> memref<1x256x64xf32, #tpu.memory_space<hbm>>
      %dma_wait3A_440 = tpu.memref_squeeze %dma_wait3A_439 : memref<1x256x64xf32, #tpu.memory_space<hbm>> -> memref<256x64xf32, #tpu.memory_space<hbm>>
      %dma_wait3A_441 = tpu.memref_reshape %arg7 : memref<8192x64xf32, #tpu.memory_space<hbm>> -> memref<32x256x64xf32, #tpu.memory_space<hbm>>
      %dma_wait3A_442 = arith.constant 0 : i32
      %dma_wait3A_443 = arith.constant 0 : i32
      %dma_wait3A_444 = tpu.memref_slice %dma_wait3A_441[%add3A_425, %dma_wait3A_442, %dma_wait3A_443] : memref<32x256x64xf32, #tpu.memory_space<hbm>> -> memref<1x256x64xf32, #tpu.memory_space<hbm>>
      %dma_wait3A_445 = tpu.memref_squeeze %dma_wait3A_444 : memref<1x256x64xf32, #tpu.memory_space<hbm>> -> memref<256x64xf32, #tpu.memory_space<hbm>>
      tpu.wait_dma2 semaphore(%run_scoped3A : memref<!tpu.dma_semaphore, #tpu.memory_space<semaphore_mem>>) src(%arg17 : memref<256x64xf32, #tpu.memory_space<vmem>>) dst(%dma_wait3A_445 : memref<256x64xf32, #tpu.memory_space<hbm>>)
      tpu.yield
    }) : () -> ()
    return
  }
}

</mosaic_0001>

<sc_bundles>
// kernel: kernel.3.cloned.1.call-start
scs
__scs_entry_jumppad:
0x0: {  	(pc) =	sbr.rel $0x88, $3  }
0x1: {  	(tag) =	ssettag $0x0;
	lr =	simm.s32 $0x1  }
0x2: {  	[smem:$0x3F9C] =	sst lr;
	_ =	strace $0xD0000000  }
0x3: {  	_ = 	snop  }
0x4: {  	_ = 	snop  }
0x5: {  	_ = 	snop  }
0x6: {  	_ = 	snop  }
0x7: {  	_ = 	snop  }
__scs_overlays_trampoline_lowered:
0x8: {  	[smem:$0x3FAB] =	sst s0  }
0x9: {  	[smem:$0x3FAC] =	sst s1  }
0xa: {  	[smem:$0x3FAD] =	sst s2  }
0xb: {  	[smem:$0x3FAE] =	sst s3  }
0xc: {  	[smem:$0x3FAF] =	sst s4  }
0xd: {  	[smem:$0x3FB0] =	sst s5  }
0xe: {  	[smem:$0x3FB1] =	sst s6  }
0xf: {  	[smem:$0x3FB2] =	sst s7  }
0x10: {  	[smem:$0x3FB3] =	sst s8  }
0x11: {  	[smem:$0x3FB4] =	sst s9;
	s0 =	simm.s32 @!p0 $0x0  }
0x12: {  	s1 =	sld [smem:$0x3F9A];
	s0 =	simm.s32 @p0 $0x1  }
0x13: {  	[smem:$0x3FB5] =	sst s0;
	s0 =	simm.s32 @!p1 $0x0  }
0x14: {  	s2 =	sld [smem:$0x3F99];
	s0 =	simm.s32 @p1 $0x1  }
0x15: {  	[smem:$0x3FB6] =	sst s0;
	s0 =	simm.s32 @!p2 $0x0  }
0x16: {  	s3 =	sld [smem:$0x3FDB];
	s0 =	simm.s32 @p2 $0x1  }
0x17: {  	s4 =	simm.s32 $0x1BF5;
	[smem:$0x3FB8] =	sst s0  }
0x18: {  	s0 =	sld [smem:$0x3F9B];
	_ =	swait.ge [sflag:s4], $0x0  }
0x19: {  	s7 =	sld [smem:$0x3F9C]  }
0x1a: {  	s8 =	sadd.s32 $0xFFFFE003, lr  }
0x1b: {  	s9 =	sadd.s32 $0xFFFFFEF7, lr;
	s5 =	simm.s32 $0xFFFFFFFF;
	p2 =	slt.u32 s8, $0xFFFFF086  }
0x1c: {  	p1 =	slt.u32 s9, $0xF7A;
	s5 =	simm.s32 @!p2 $0x0  }
0x1d: {  	s5 =	simm.s32 @p1 $0x1;
	p0 =	seq.s32 s7, s2  }
0x1e: {  	s7 =	smul.u32 @!p0 $0xF7A, s2;
	p2 =	seq.s32 @!p0 s5, $0x0  }
0x1f: {  	s9 =	smul.u32 $0xF7A, s1;
	s8 =	simm.s32 @!p0 $0x1BF5;
	p2 =	por !p2, p0  }
0x20: {  	[sflag:s8] =	ssyncset.s32 @!p0 $0xFFFFF086;
	s6 =	sadd.s32 @!p0 s3, s7;
	s7 =	simm.s32 @!p0 $0x108  }
0x21: {  	s3 =	sadd.s32 s3, s9;
	s6 =	sadd.s32 @!p0 $0x88, s6;
	s7 =	simm.s32 @p2 $0x1082  }
0x22: {  	[simem:s7], [sflag:s8] =	dma.local @!p0 [hbm:s6], $0xF7A  }
0x23: {  	s9 =	sor.u32 $0xD0000000, s2;
	s6 =	simm.s32 $0x108;
	_ =	swait.ge @!p0 [sflag:s8], $0x0  }
0x24: {  	s3 =	sadd.s32 $0x88, s3;
	s6 =	simm.s32 @!p1 $0x1082;
	[sflag:s4] =	ssyncset.s32 $0xFFFFF086  }
0x25: {  	[simem:s6], [sflag:s4] =	dma.local [hbm:s3], $0xF7A  }
0x26: {  	[smem:$0x3F9C] =	sst s1;
	(tag) =	ssettag s2;
	_ =	strace s9  }
0x27: {  	s1 =	sld [smem:$0x3FAC]  }
0x28: {  	s2 =	sld [smem:$0x3FAD]  }
0x29: {  	s4 =	sld [smem:$0x3FAF]  }
0x2a: {  	p0 =	seq.s32 s5, $0x0;
	s5 =	sld [smem:$0x3FB0]  }
0x2b: {  	s6 =	sld [smem:$0x3FB1]  }
0x2c: {  	s7 =	sld [smem:$0x3FB2]  }
0x2d: {  	s3 =	simm.s32 $0x108;
	s8 =	sld [smem:$0x3FB3]  }
0x2e: {  	s3 =	simm.s32 @!p0 $0x1082;
	s9 =	sld [smem:$0x3FB4]  }
0x2f: {  	lr =	sadd.s32 s0, s3;
	s0 =	sld [smem:$0x3FAB]  }
0x30: {  	s3 =	sld [smem:$0x3FAE]  }
0x31: {  	[smem:$0x3FB7] =	sst s10  }
0x32: {  	s10 =	sld [smem:$0x3FB5];
	_ =	sdelay $0x3  }
0x33: {  	p0 =	seq.s32 s10, $0x1;
	s10 =	sld [smem:$0x3FB7];
	_ =	sdelay $0x3  }
0x34: {  	[smem:$0x3FB7] =	sst s10  }
0x35: {  	s10 =	sld [smem:$0x3FB6];
	_ =	sdelay $0x3  }
0x36: {  	p1 =	seq.s32 s10, $0x1;
	s10 =	sld [smem:$0x3FB7];
	_ =	sdelay $0x3  }
0x37: {  	[smem:$0x3FB7] =	sst s10  }
0x38: {  	s10 =	sld [smem:$0x3FB8]  }
0x39: {  	_ = 	snop;
	(pc) =	sbr.ind lr, $3  }
0x3a: {  	_ = 	snop  }
0x3b: {  	_ = 	snop  }
0x3c: {  	p2 =	seq.s32 s10, $0x1;
	s10 =	sld [smem:$0x3FB7]  }
0x3d: {  	_ =	shalt  }
0x3e: {  	_ =	shalt  }
0x3f: {  	_ =	shalt  }
0x40: {  	_ =	shalt  }
0x41: {  	_ =	shalt  }
0x42: {  	_ =	shalt  }
0x43: {  	_ =	shalt  }
0x44: {  	_ =	shalt  }
0x45: {  	_ =	shalt  }
0x46: {  	_ =	shalt  }
0x47: {  	_ =	shalt  }
0x48: {  	_ =	shalt  }
0x49: {  	_ =	shalt  }
0x4a: {  	_ =	shalt  }
0x4b: {  	_ =	shalt  }
0x4c: {  	_ =	shalt  }
0x4d: {  	_ =	shalt  }
0x4e: {  	_ =	shalt  }
0x4f: {  	_ =	shalt  }
0x50: {  	_ =	shalt  }
0x51: {  	_ =	shalt  }
0x52: {  	_ =	shalt  }
0x53: {  	_ =	shalt  }
0x54: {  	_ =	shalt  }
0x55: {  	_ =	shalt  }
0x56: {  	_ =	shalt  }
0x57: {  	_ =	shalt  }
0x58: {  	_ =	shalt  }
0x59: {  	_ =	shalt  }
0x5a: {  	_ =	shalt  }
0x5b: {  	_ =	shalt  }
0x5c: {  	_ =	shalt  }
0x5d: {  	_ =	shalt  }
0x5e: {  	_ =	shalt  }
0x5f: {  	_ =	shalt  }
0x60: {  	_ =	shalt  }
0x61: {  	_ =	shalt  }
0x62: {  	_ =	shalt  }
0x63: {  	_ =	shalt  }
0x64: {  	_ =	shalt  }
0x65: {  	_ =	shalt  }
0x66: {  	_ =	shalt  }
0x67: {  	_ =	shalt  }
0x68: {  	_ =	shalt  }
0x69: {  	_ =	shalt  }
0x6a: {  	_ =	shalt  }
0x6b: {  	_ =	shalt  }
0x6c: {  	_ =	shalt  }
0x6d: {  	_ =	shalt  }
0x6e: {  	_ =	shalt  }
0x6f: {  	_ =	shalt  }
0x70: {  	_ =	shalt  }
0x71: {  	_ =	shalt  }
0x72: {  	_ =	shalt  }
0x73: {  	_ =	shalt  }
0x74: {  	_ =	shalt  }
0x75: {  	_ =	shalt  }
0x76: {  	_ =	shalt  }
0x77: {  	_ =	shalt  }
0x78: {  	_ =	shalt  }
0x79: {  	_ =	shalt  }
0x7a: {  	_ =	shalt  }
0x7b: {  	_ =	shalt  }
0x7c: {  	_ =	shalt  }
0x7d: {  	_ =	shalt  }
0x7e: {  	_ =	shalt  }
0x7f: {  	_ =	shalt  }
0x80: {  	_ =	shalt  }
0x81: {  	_ =	shalt  }
0x82: {  	_ =	shalt  }
0x83: {  	_ =	shalt  }
0x84: {  	_ =	shalt  }
0x85: {  	_ =	shalt  }
0x86: {  	_ =	shalt  }
0x87: {  	_ =	shalt  }
.Lfunc_end0:
.L_simem_size_0:
called_computation_lowered:
.L_overlay_start_0:
0x88: {  	s2 =	sld [smem:$0x3FD9]  }
0x89: {  	s3 =	sld [smem:$0x3FFE];
	_ =	sdelay $0x1  }
0x8a: {  	s1 =	srdreg.scid  }
0x8b: {  	s0 =	sand.u32 $0x1, s1  }
0x8c: {  	s17 =	sshll.u32 s0, $0xA;
	s2 =	sadd.s32 s3, s2  }
0x8d: {  	s2 =	sadd.s32 s2, s17  }
0x8e: {  	[smem:$0x3FC3] =	sst s2  }
0x8f: {  	_ = 	snop  }
0x90: {  	s2 =	sld [smem:$0x3FC8]  }
0x91: {  	s18 =	sld [smem:$0x3FC7]  }
0x92: {  	s4 =	sld [smem:$0x3FC6]  }
0x93: {  	s5 =	sld [smem:$0x3FC5];
	(tm) =	ssettm $0x1  }
0x94: {  	s6 =	sld [smem:$0x3FFB];
	_ =	sdelay $0x3  }
0x95: {  	_ =	strace s6  }
0x96: {  	s6 =	sld [smem:$0x3FFC];
	_ =	sdelay $0x3  }
0x97: {  	_ =	strace s6  }
0x98: {  	s6 =	sld [smem:$0x3FFD];
	_ =	sdelay $0x3  }
0x99: {  	_ =	strace s6  }
0x9a: {  	_ =	strace $0x8FFFFFFF  }
0x9b: {  	s19 =	sld [smem:$0x3FDB];
	_ =	sdelay $0x1  }
0x9c: {  	s7 =	simm.s32 $_scs_section_size  }
0x9d: {  	s8 =	simm.s32 $_size__tile_overlayer_lowered;
	s9 =	simm.s32 $_tile_overlayer_lowered  }
0x9e: {  	s22 =	simm.s32 $0x1BFF;
	s21 =	sshll.u32 s9, $0x1;
	s6 =	sadd.s32 s7, s19  }
0x9f: {  	s10 =	simm.s32 $0x0;
	s20 =	sshll.u32 s8, $0x1;
	s8 =	sadd.s32 s21, s6  }
0xa0: {  	[timem:s10], [sflag:s22] =	dma.local [hbm:s8], s20  }
0xa1: {  	_ =	swait.ge [sflag:s22], s20  }
0xa2: {  	s7 =	ssub.s32 $0x0, s20;
	[sflag:s22] =	ssyncset.done $0x0  }
0xa3: {  	[sflag:s22] =	ssyncadd.s32 s7;
	_ =	sdelay $0x1  }
0xa4: {  	s23 =	simm.s32 $0x1B8B  }
0xa5: {  	_ =	swait.ge [sflag:s23], $0x1  }
0xa6: {  	[sflag:s23] =	ssyncset.done $0x0  }
0xa7: {  	s25 =	simm.s32 $0x1B8E;
	s24 =	sld [smem:$0x3FFE];
	[sflag:s23] =	ssyncadd.s32 $0xFFFFFFFF  }
0xa8: {  	s26 =	simm.s32 $execute0_lowered;
	[smem:$0x3FD2] =	sst s25  }
0xa9: {  	s8 =	sshll.u32 s26, $0x1;
	_ =	strace $0x80000046;
	[dreg:$0x1] =	wrdreg $0xFFFFFFFF  }
0xaa: {  	s28 =	simm.s32 $_size_execute0_lowered;
	s6 =	sadd.s32 s6, s8;
	[dreg:$0x0] =	wrdreg $0x0  }
0xab: {  	s8 =	sshll.u32 s28, $0x1;
	[dreg:$0x2] =	wrdreg s6  }
0xac: {  	[dreg:$0x3] =	wrdreg s8  }
0xad: {  	[dreg:$0x4] =	wrdreg $0xC0  }
0xae: {  	_ =	task [dreg:s10], $0x5FFFF  }
0xaf: {  	[dreg:$0x1] =	wrdreg $0xFFFFFFFF  }
0xb0: {  	[dreg:$0x0] =	wrdreg $0x60  }
0xb1: {  	[dreg:$0x2] =	wrdreg s24  }
0xb2: {  	[dreg:$0x3] =	wrdreg s2  }
0xb3: {  	[dreg:$0x4] =	wrdreg s18  }
0xb4: {  	[dreg:$0x5] =	wrdreg s4  }
0xb5: {  	[dreg:$0x6] =	wrdreg s5  }
0xb6: {  	[dreg:$0x7] =	wrdreg $0x10B000  }
0xb7: {  	[dreg:$0x8] =	wrdreg $0x9  }
0xb8: {  	_ =	task.clear_ibuf [dreg:s10], $0x9FFFF;
	_ =	strace $0x90000046  }
0xb9: {  	s29 =	simm.s32 $0x9;
	_ =	strace $0x80000048  }
0xba: {  	_ =	swait.ge [sflag:s29], $0x1  }
0xbb: {  	[sflag:s29] =	ssyncadd.s32 $0xFFFFFFFF  }
0xbc: {  	_ =	strace $0x90000048  }
0xbd: {  	_ =	sfence  }
0xbe: {  	s30 =	sld [smem:$0x0];
	_ =	sdelay $0x2  }
0xbf: {  	s31 =	sshll.u32 s1, $0xD;
	s1 =	sshrl.u32 s1, $0x2  }
0xc0: {  	s3 =	sand.u32 $0x4000, s31;
	s1 =	sadd.s32 s1, s30  }
0xc1: {  	s0 =	sor.u32 s3, s0;
	s1 =	sshll.u32 s1, $0x11  }
0xc2: {  	s0 =	sor.u32 s1, s0  }
0xc3: {  	s0 =	sadd.s32 $0x8F2B, s0  }
0xc4: {  	[sflag:s0] =	ssyncadd.remote.s32 $0x1  }
0xc5: {  	_ =	sfence.sel $0xFFFF  }
0xc6: {  	[dreg:$0x0] =	wrdreg $0xFFFFFFFF;
	(pc) =	sbr.abs _section_cstart, $3  }
0xc7: {  	[dreg:$0x1] =	wrdreg $0xFFFFFFFF  }
0xc8: {  	_ =	task.clear_ibuf [dreg:s10], $0x2FFFF;
	_ =	strace $0x9FFFFFFF  }
0xc9: {  	(tm) =	ssettm $0x7FFFFFFF  }
tec
execute0_lowered:
.L_overlay_start_1:
0x0: {  	(tag) =	ssettag $0x1  }
0x1: {  	s0 =	rddreg [dreg:$0x0]  }
0x2: {  	s11 =	rddreg [dreg:$0x1]  }
0x3: {  	s1 =	rddreg [dreg:$0x2]  }
0x4: {  	s2 =	rddreg [dreg:$0x3]  }
0x5: {  	s3 =	rddreg [dreg:$0x4]  }
0x6: {  	s5 =	rddreg [dreg:$0x5];
	s7 =	srdreg.scid  }
0x7: {  	s6 =	simm.s32 $0x0;
	s4 =	stileid.u32;
	s16 =	simm.s32 $0x10200  }
0x8: {  	v8 =	vlaneseq.u32;
	s17 =	simm.s32 $0x10280;
	s18 =	simm.s32 $0x10680;
	s19 =	simm.s32 $0x1  }
0x9: {  	s20 =	simm.s32 $0x10A80;
	s21 =	simm.s32 $0x2;
	[smem:$0x7FF] =	sst s6;
	v15 =	vshrl.u32 v8, $0x3  }
0xa: {  	s22 =	simm.s32 $0x10B80;
	s23 =	simm.s32 $0x11380;
	_ =	strace $0x80000047;
	v16 =	vor.u32 $0x2, v15;
	[tilespmem:$0x1FF80] =	vst v15  }
0xb: {  	s24 =	simm.s32 $0x12380;
	s25 =	simm.s32 $0x0;
	s12 =	sand.u32 $0x1, s7;
	v17 =	vor.u32 $0x4, v15;
	[tilespmem:$0x1FF90] =	vst v16  }
0xc: {  	s29 =	sshll.u32 s4, $0xD;
	s7 =	sshll.u32 s4, $0x9;
	s13 =	sshll.u32 s4, $0x6;
	v18 =	vor.u32 $0x6, v15;
	[tilespmem:$0x1FFA0] =	vst v17  }
0xd: {  	s8 =	ssub.s32 $0x2, s12;
	s0 =	sadd.s32 s29, s0;
	s11 =	sadd.s32 s11, s13;
	v19 =	vor.u32 $0x8, v15;
	[tilespmem:$0x1FFB0] =	vst v18  }
0xe: {  	s31 =	sshrl.u32 s7, $0x2;
	s14 =	sshll.u32 s12, $0xC;
	v20 =	vor.u32 $0xA, v15;
	s30 =	sshrl.u32 s8, $0x1;
	[tilespmem:$0x1FFC0] =	vst v19  }
0xf: {  	v21 =	vor.u32 $0xC, v15;
	s10 =	sadd.s32 $0x400, s0;
	s0 =	sadd.s32 s14, s0;
	[tilespmem:$0x1FFD0] =	vst v20;
	s15 =	ssub.s32 s8, s30  }
0x10: {  	v9 =	vimm.s32 $0x0;
	v22 =	vor.u32 $0xE, v15;
	[tilespmem:$0x1FFE0] =	vst v21;
	s8 =	sshll.u32 s12, $0x8;
	s12 =	sadd.s32 s31, s5;
	s14 =	sadd.s32 $0x20400, s0  }
0x11: {  	v14 =	vimm.f32 $1.000000000e+00;
	v13 =	vand.u32 $0x7, v8;
	v12 =	vmul.u32 $0x80, v15;
	[tilespmem:$0x1FFF0] =	vst v22;
	s9 =	sor.u32 s8, s7;
	s13 =	sor.u32 $0x10000, s8;
	s15 =	smax.u32 s15, $0x1  }
.LBB2_1:
0x12: {  	[tilespmem:s6], [sflag:$0x1] =	stream.linear.gather [hbm4b:s10+s6], $0x10000, $0x38;
	[tilespmem:$0x1AC00] =	vst v63  }
0x13: {  	s26 =	simm.s32 $0x10000  }
0x14: {  	[tilespmem:s26], [sflag:$0x1] =	stream.linear.gather [hbm4b:s11+s6], $0x200, $0x38;
	[tilespmem:$0x1AC00] =	vst v63  }
0x15: {  	_ = 	snop  }
0x16: {  	[tilespmem:s16], [sflag:$0x1] =	stream.linear.gather [hbm4b:s1+s6], $0x9, $0x38;
	[tilespmem:$0x1AC00] =	vst v63  }
0x17: {  	_ = 	snop  }
0x18: {  	[tilespmem:s17], [sflag:$0x1] =	stream.linear.gather [hbm4b:s2+s6], $0x400, $0x38;
	[tilespmem:$0x1AC00] =	vst v63  }
0x19: {  	_ = 	snop  }
0x1a: {  	[tilespmem:s18], [sflag:$0x1] =	stream.linear.gather [hbm4b:s3+s6], $0x400, $0x38;
	[tilespmem:$0x1AC00] =	vst v63  }
0x1b: {  	_ =	swait.ge [sflag:s19], $0x10000  }
0x1c: {  	[sflag:s19] =	ssyncset.done $0x0  }
0x1d: {  	[sflag:s19] =	ssyncadd.s32 $0xFFFF0000  }
0x1e: {  	_ =	swait.ge [sflag:s19], $0x200  }
0x1f: {  	[sflag:s19] =	ssyncset.done $0x0  }
0x20: {  	[sflag:s19] =	ssyncadd.s32 $0xFFFFFE00  }
0x21: {  	_ =	swait.ge [sflag:s19], $0x9  }
0x22: {  	[sflag:s19] =	ssyncset.done $0x0  }
0x23: {  	[sflag:s19] =	ssyncadd.s32 $0xFFFFFFF7  }
0x24: {  	_ =	swait.ge [sflag:s19], $0x400  }
0x25: {  	[sflag:s19] =	ssyncset.done $0x0  }
0x26: {  	[sflag:s19] =	ssyncadd.s32 $0xFFFFFC00  }
0x27: {  	_ =	swait.ge [sflag:s19], $0x400  }
0x28: {  	[sflag:s19] =	ssyncset.done $0x0  }
0x29: {  	[sflag:s19] =	ssyncadd.s32 $0xFFFFFC00  }
0x2a: {  	v0 =	vld [tilespmem:$0x10200];
	_ =	sdelay $0x3  }
0x2b: {  	v1 =	vimm.s32 $0x1  }
0x2c: {  	v23 =	vperm.xlane v0, v1;
	v1 =	vimm.s32 $0x2  }
0x2d: {  	v3 =	vimm.f32 $0.0e+00;
	v24 =	vperm.xlane v0, v1;
	v1 =	vimm.s32 $0x3  }
0x2e: {  	[tilespmem:$0x10A80] =	vst v3;
	v25 =	vperm.xlane v0, v1;
	v1 =	vimm.s32 $0x4  }
0x2f: {  	[tilespmem:$0x10A90] =	vst v3;
	v26 =	vperm.xlane v0, v1;
	v1 =	vimm.s32 $0x5  }
0x30: {  	s0 =	sadd.s32 $0x0, s7;
	[tilespmem:$0x10AA0] =	vst v3;
	v28 =	vperm.xlane v0, v1;
	v1 =	vimm.s32 $0x6  }
0x31: {  	v2 =	vimm.s32 $0x7;
	[tilespmem:$0x10AB0] =	vst v3;
	v29 =	vperm.xlane v0, v1;
	v1 =	vor.u32 s0, v8  }
0x32: {  	[tilespmem:$0x10AC0] =	vst v3;
	v27 =	vperm.xlane v0, v2;
	vm0 =	vge.s32 v1, v23;
	vm1 =	vge.s32 v1, v24  }
0x33: {  	[tilespmem:$0x10AD0] =	vst v3;
	vm2 =	vge.s32 v1, v25;
	v0 =	vsel vm0, $0x1, v9;
	v2 =	vsel vm1, $0x1, v9  }
0x34: {  	[tilespmem:$0x10AE0] =	vst v3;
	vm8 =	vge.s32 v1, v26;
	v0 =	vadd.s32 v2, v0;
	v2 =	vsel vm2, $0x1, v9  }
0x35: {  	[tilespmem:$0x10AF0] =	vst v3;
	vm9 =	vge.s32 v1, v28;
	v3 =	vsel vm8, $0x1, v9;
	v0 =	vadd.s32 v2, v0  }
0x36: {  	vm10 =	vge.s32 v1, v29;
	v2 =	vld [tilespmem:s26+$0x0];
	v0 =	vadd.s32 v3, v0;
	v3 =	vsel vm9, $0x1, v9  }
0x37: {  	vm11 =	vge.s32 v1, v27;
	v0 =	vadd.s32 v3, v0;
	v3 =	vsel vm10, $0x1, v9  }
0x38: {  	v1 =	vsel vm11, $0x1, v9;
	v0 =	vadd.s32 v3, v0  }
0x39: {  	s31 =	simm.s32 $0x0;
	v0 =	vadd.s32 v1, v0  }
0x3a: {  	v1 =	vmov s31;
	v3 =	vshll.u32 v0, $0x4  }
0x3b: {  	v1 =	vshll.u32 v1, $0x7;
	v2 =	vadd.s32 v3, v2  }
0x3c: {  	v1 =	vor.u32 v12, v1;
	v2 =	vadd.s32 $0x8, v2  }
0x3d: {  	v1 =	vor.u32 v13, v1;
	_ =	sdelay $0x1  }
0x3e: {  	s4 =	simm.s32 $0x2;
	v3 =	vperm.xlane v0, v15  }
0x3f: {  	v4 =	vmov s4  }
0x40: {  	v3 =	vshll.u32 v3, $0x4;
	[tilespmem:v2+s20+$0x0] =	vst.idx.add.f32.msk $0xffff, v14;
	v2 =	vshll.u32 v4, $0x7  }
0x41: {  	v3 =	vor.u32 v13, v3;
	v1 =	vld.idx.msk [tilespmem:v1+s6+$0x0], $0xffff;
	v2 =	vor.u32 v12, v2  }
0x42: {  	v2 =	vor.u32 v13, v2;
	_ =	sdelay $0x1  }
0x43: {  	s29 =	simm.s32 $0x4;
	v4 =	vperm.xlane v0, v16  }
0x44: {  	v5 =	vmov s29  }
0x45: {  	v4 =	vshll.u32 v4, $0x4;
	[tilespmem:v3+s20+$0x0] =	vst.idx.add.f32.msk $0xffff, v1;
	v1 =	vshll.u32 v5, $0x7  }
0x46: {  	v3 =	vor.u32 v13, v4;
	v2 =	vld.idx.msk [tilespmem:v2+s6+$0x0], $0xffff;
	v1 =	vor.u32 v12, v1  }
0x47: {  	v1 =	vor.u32 v13, v1;
	_ =	sdelay $0x1  }
0x48: {  	s30 =	simm.s32 $0x6;
	v4 =	vperm.xlane v0, v17  }
0x49: {  	v5 =	vmov s30  }
0x4a: {  	v4 =	vshll.u32 v4, $0x4;
	[tilespmem:v3+s20+$0x0] =	vst.idx.add.f32.msk $0xffff, v2;
	v2 =	vshll.u32 v5, $0x7  }
0x4b: {  	v3 =	vor.u32 v13, v4;
	v1 =	vld.idx.msk [tilespmem:v1+s6+$0x0], $0xffff;
	v2 =	vor.u32 v12, v2  }
0x4c: {  	v2 =	vor.u32 v13, v2;
	_ =	sdelay $0x1  }
0x4d: {  	s31 =	simm.s32 $0x8;
	v4 =	vperm.xlane v0, v18  }
0x4e: {  	v5 =	vmov s31  }
0x4f: {  	v4 =	vshll.u32 v4, $0x4;
	[tilespmem:v3+s20+$0x0] =	vst.idx.add.f32.msk $0xffff, v1;
	v1 =	vshll.u32 v5, $0x7  }
0x50: {  	v3 =	vor.u32 v13, v4;
	v2 =	vld.idx.msk [tilespmem:v2+s6+$0x0], $0xffff;
	v1 =	vor.u32 v12, v1  }
0x51: {  	v1 =	vor.u32 v13, v1;
	_ =	sdelay $0x1  }
0x52: {  	s4 =	simm.s32 $0xA;
	v4 =	vperm.xlane v0, v19  }
0x53: {  	v5 =	vmov s4  }
0x54: {  	v4 =	vshll.u32 v4, $0x4;
	[tilespmem:v3+s20+$0x0] =	vst.idx.add.f32.msk $0xffff, v2;
	v2 =	vshll.u32 v5, $0x7  }
0x55: {  	v3 =	vor.u32 v13, v4;
	v1 =	vld.idx.msk [tilespmem:v1+s6+$0x0], $0xffff;
	v2 =	vor.u32 v12, v2  }
0x56: {  	v2 =	vor.u32 v13, v2;
	_ =	sdelay $0x1  }
0x57: {  	s29 =	simm.s32 $0xC;
	v4 =	vperm.xlane v0, v20  }
0x58: {  	v5 =	vmov s29  }
0x59: {  	v4 =	vshll.u32 v4, $0x4;
	[tilespmem:v3+s20+$0x0] =	vst.idx.add.f32.msk $0xffff, v1;
	v1 =	vshll.u32 v5, $0x7  }
0x5a: {  	v3 =	vor.u32 v13, v4;
	v2 =	vld.idx.msk [tilespmem:v2+s6+$0x0], $0xffff;
	v1 =	vor.u32 v12, v1  }
0x5b: {  	v1 =	vor.u32 v13, v1;
	_ =	sdelay $0x1  }
0x5c: {  	s30 =	simm.s32 $0xE;
	v4 =	vperm.xlane v0, v21  }
0x5d: {  	v5 =	vmov s30  }
0x5e: {  	v4 =	vshll.u32 v4, $0x4;
	[tilespmem:v3+s20+$0x0] =	vst.idx.add.f32.msk $0xffff, v2;
	v2 =	vshll.u32 v5, $0x7  }
0x5f: {  	v4 =	vor.u32 v13, v4;
	v3 =	vld.idx.msk [tilespmem:v1+s6+$0x0], $0xffff;
	v1 =	vor.u32 v12, v2  }
0x60: {  	v5 =	vor.u32 v13, v1;
	_ =	sdelay $0x1  }
0x61: {  	v0 =	vperm.xlane v0, v22  }
0x62: {  	s31 =	simm.s32 $0x10  }
0x63: {  	s28 =	sadd.s32 $0x10, s7;
	v6 =	vmov s31;
	v0 =	vshll.u32 v0, $0x4;
	[tilespmem:v4+s20+$0x0] =	vst.idx.add.f32.msk $0xffff, v3  }
0x64: {  	v2 =	vor.u32 v13, v0;
	v0 =	vshll.u32 v6, $0x7;
	v1 =	vor.u32 s28, v8;
	v3 =	vld.idx.msk [tilespmem:v5+s6+$0x0], $0xffff  }
0x65: {  	vm12 =	vge.s32 v1, v23;
	vm13 =	vge.s32 v1, v24;
	vm14 =	vge.s32 v1, v25  }
0x66: {  	vm15 =	vge.s32 v1, v26;
	v6 =	vsel vm13, $0x1, v9;
	v4 =	vsel vm12, $0x1, v9  }
0x67: {  	s0 =	simm.s32 $0x2E;
	s28 =	simm.s32 $0x1E;
	v5 =	vadd.s32 v6, v4;
	v6 =	vsel vm14, $0x1, v9;
	v4 =	vsel vm15, $0x1, v9  }
.LBB2_2:
0x68: {  	p0 =	sne.s32 s0, $0x1FE  }
0x69: {  	v5 =	vadd.s32 v6, v5;
	vm0 =	vge.s32 v1, v28;
	[tilespmem:v2+s20+$0x0] =	vst.idx.add.f32.msk $0xffff, v3;
	s26 =	sadd.s32 $0x10, s26;
	s29 =	smov.u32 s0;
	s0 =	sadd.s32 $0x10, s0  }
0x6a: {  	v2 =	vld [tilespmem:s26+$0x0];
	v3 =	vadd.s32 v4, v5;
	v4 =	vsel vm0, $0x1, v9;
	vm0 =	vge.s32 v1, v29  }
0x6b: {  	v3 =	vadd.s32 v4, v3;
	v4 =	vsel vm0, $0x1, v9;
	vm0 =	vge.s32 v1, v27  }
0x6c: {  	v0 =	vor.u32 v12, v0;
	v1 =	vadd.s32 v4, v3;
	v3 =	vsel vm0, $0x1, v9  }
0x6d: {  	v1 =	vadd.s32 v3, v1  }
0x6e: {  	v3 =	vshll.u32 v1, $0x4;
	v4 =	vperm.xlane v1, v15;
	v5 =	vperm.xlane v1, v16  }
0x6f: {  	v6 =	vperm.xlane v1, v18;
	v2 =	vadd.s32 v3, v2;
	v3 =	vperm.xlane v1, v17  }
0x70: {  	v2 =	vadd.s32 $0x8, v2;
	v4 =	vshll.u32 v4, $0x4;
	v5 =	vshll.u32 v5, $0x4  }
0x71: {  	v0 =	vor.u32 v13, v0;
	v6 =	vshll.u32 v6, $0x4;
	v3 =	vshll.u32 v3, $0x4  }
0x72: {  	v7 =	vperm.xlane v1, v19;
	v10 =	vperm.xlane v1, v20  }
0x73: {  	v11 =	vperm.xlane v1, v21;
	v1 =	vperm.xlane v1, v22  }
0x74: {  	s30 =	sadd.s32 $0xFFFFFFF4, s28;
	v7 =	vshll.u32 v7, $0x4;
	v10 =	vshll.u32 v10, $0x4  }
0x75: {  	v11 =	vshll.u32 v11, $0x4;
	v1 =	vshll.u32 v1, $0x4;
	[tilespmem:v2+s20+$0x0] =	vst.idx.add.f32.msk $0xffff, v14;
	v2 =	vmov s30  }
0x76: {  	v0 =	vld.idx.msk [tilespmem:v0+s6+$0x0], $0xffff;
	v2 =	vshll.u32 v2, $0x7  }
0x77: {  	v4 =	vor.u32 v13, v4;
	v2 =	vor.u32 v12, v2  }
0x78: {  	v2 =	vor.u32 v13, v2;
	_ =	sdelay $0x2  }
0x79: {  	s30 =	sadd.s32 $0xFFFFFFF6, s28  }
0x7a: {  	[tilespmem:v4+s20+$0x0] =	vst.idx.add.f32.msk $0xffff, v0;
	v0 =	vmov s30  }
0x7b: {  	v2 =	vld.idx.msk [tilespmem:v2+s6+$0x0], $0xffff;
	v0 =	vshll.u32 v0, $0x7  }
0x7c: {  	v4 =	vor.u32 v13, v5;
	v0 =	vor.u32 v12, v0  }
0x7d: {  	v0 =	vor.u32 v13, v0;
	_ =	sdelay $0x2  }
0x7e: {  	s30 =	sadd.s32 $0xFFFFFFF8, s28  }
0x7f: {  	[tilespmem:v4+s20+$0x0] =	vst.idx.add.f32.msk $0xffff, v2;
	v2 =	vmov s30  }
0x80: {  	v0 =	vld.idx.msk [tilespmem:v0+s6+$0x0], $0xffff;
	v2 =	vshll.u32 v2, $0x7  }
0x81: {  	v3 =	vor.u32 v13, v3;
	v2 =	vor.u32 v12, v2  }
0x82: {  	v2 =	vor.u32 v13, v2;
	_ =	sdelay $0x2  }
0x83: {  	s30 =	sadd.s32 $0xFFFFFFFA, s28  }
0x84: {  	[tilespmem:v3+s20+$0x0] =	vst.idx.add.f32.msk $0xffff, v0;
	v0 =	vmov s30  }
0x85: {  	v2 =	vld.idx.msk [tilespmem:v2+s6+$0x0], $0xffff;
	v0 =	vshll.u32 v0, $0x7  }
0x86: {  	v3 =	vor.u32 v13, v6;
	v0 =	vor.u32 v12, v0  }
0x87: {  	v0 =	vor.u32 v13, v0;
	_ =	sdelay $0x2  }
0x88: {  	s30 =	sadd.s32 $0xFFFFFFFC, s28  }
0x89: {  	[tilespmem:v3+s20+$0x0] =	vst.idx.add.f32.msk $0xffff, v2;
	v2 =	vmov s30  }
0x8a: {  	v0 =	vld.idx.msk [tilespmem:v0+s6+$0x0], $0xffff;
	v2 =	vshll.u32 v2, $0x7  }
0x8b: {  	v3 =	vor.u32 v13, v7;
	v2 =	vor.u32 v12, v2  }
0x8c: {  	v2 =	vor.u32 v13, v2;
	_ =	sdelay $0x2  }
0x8d: {  	s30 =	sadd.s32 $0xFFFFFFFE, s28  }
0x8e: {  	[tilespmem:v3+s20+$0x0] =	vst.idx.add.f32.msk $0xffff, v0;
	v0 =	vmov s30  }
0x8f: {  	v2 =	vld.idx.msk [tilespmem:v2+s6+$0x0], $0xffff;
	v0 =	vshll.u32 v0, $0x7  }
0x90: {  	v3 =	vor.u32 v13, v10;
	v0 =	vor.u32 v12, v0  }
0x91: {  	v0 =	vor.u32 v13, v0;
	_ =	sdelay $0x3  }
0x92: {  	[tilespmem:v3+s20+$0x0] =	vst.idx.add.f32.msk $0xffff, v2;
	v2 =	vmov s28;
	s28 =	smov.u32 s29  }
0x93: {  	v0 =	vld.idx.msk [tilespmem:v0+s6+$0x0], $0xffff;
	v2 =	vshll.u32 v2, $0x7  }
0x94: {  	v3 =	vor.u32 v13, v11;
	v2 =	vor.u32 v12, v2  }
0x95: {  	v2 =	vor.u32 v13, v2;
	_ =	sdelay $0x3  }
0x96: {  	[tilespmem:v3+s20+$0x0] =	vst.idx.add.f32.msk $0xffff, v0  }
0x97: {  	s29 =	sadd.s32 $0xFFFFFFF2, s28;
	v3 =	vld.idx.msk [tilespmem:v2+s6+$0x0], $0xffff  }
.Ltmp0:
0x98: {  	s30 =	sadd.s32 s7, s29;
	v0 =	vmov s29;
	v2 =	vor.u32 v13, v1;
	(pc) =	sbr.rel @p0 .LBB2_2-.Ltmp0, $4  }
0x99: {  	v1 =	vor.u32 s30, v8;
	v0 =	vshll.u32 v0, $0x7  }
0x9a: {  	vm0 =	vge.s32 v1, v23;
	vm1 =	vge.s32 v1, v24;
	vm2 =	vge.s32 v1, v25  }
0x9b: {  	v4 =	vsel vm0, $0x1, v9;
	v5 =	vsel vm1, $0x1, v9;
	vm0 =	vge.s32 v1, v26  }
0x9c: {  	v6 =	vsel vm2, $0x1, v9;
	v5 =	vadd.s32 v5, v4;
	v4 =	vsel vm0, $0x1, v9  }
0x9d: {  	_ =	sdelay $0x3  }
0x9e: {  	v5 =	vadd.s32 v6, v5;
	vm0 =	vge.s32 v1, v28;
	[tilespmem:v2+s20+$0x0] =	vst.idx.add.f32.msk $0xffff, v3;
	s0 =	sadd.s32 $0x10, s26  }
0x9f: {  	vm14 =	vge.s32 v1, v29;
	v2 =	vld [tilespmem:s0+$0x0];
	v3 =	vadd.s32 v4, v5;
	v4 =	vsel vm0, $0x1, v9  }
0xa0: {  	vm15 =	vge.s32 v1, v27;
	v3 =	vadd.s32 v4, v3;
	v4 =	vsel vm14, $0x1, v9  }
0xa1: {  	v1 =	vadd.s32 v4, v3;
	v3 =	vsel vm15, $0x1, v9  }
0xa2: {  	v1 =	vadd.s32 v3, v1  }
0xa3: {  	v3 =	vshll.u32 v1, $0x4  }
0xa4: {  	v2 =	vadd.s32 v3, v2  }
0xa5: {  	v0 =	vor.u32 v12, v0;
	v2 =	vadd.s32 $0x8, v2  }
0xa6: {  	v0 =	vor.u32 v13, v0;
	_ =	sdelay $0x1  }
0xa7: {  	s31 =	sadd.s32 $0xFFFFFFF4, s28;
	v3 =	vperm.xlane v1, v15  }
0xa8: {  	v4 =	vmov s31  }
0xa9: {  	v3 =	vshll.u32 v3, $0x4;
	[tilespmem:v2+s20+$0x0] =	vst.idx.add.f32.msk $0xffff, v14;
	v2 =	vshll.u32 v4, $0x7  }
0xaa: {  	v3 =	vor.u32 v13, v3;
	v0 =	vld.idx.msk [tilespmem:v0+s6+$0x0], $0xffff;
	v2 =	vor.u32 v12, v2  }
0xab: {  	v2 =	vor.u32 v13, v2;
	_ =	sdelay $0x1  }
0xac: {  	s4 =	sadd.s32 $0xFFFFFFF6, s28;
	v4 =	vperm.xlane v1, v16  }
0xad: {  	v5 =	vmov s4  }
0xae: {  	v4 =	vshll.u32 v4, $0x4;
	[tilespmem:v3+s20+$0x0] =	vst.idx.add.f32.msk $0xffff, v0;
	v0 =	vshll.u32 v5, $0x7  }
0xaf: {  	v3 =	vor.u32 v13, v4;
	v2 =	vld.idx.msk [tilespmem:v2+s6+$0x0], $0xffff;
	v0 =	vor.u32 v12, v0  }
0xb0: {  	v0 =	vor.u32 v13, v0;
	_ =	sdelay $0x1  }
0xb1: {  	s26 =	sadd.s32 $0xFFFFFFF8, s28;
	v4 =	vperm.xlane v1, v17  }
0xb2: {  	v5 =	vmov s26  }
0xb3: {  	v4 =	vshll.u32 v4, $0x4;
	[tilespmem:v3+s20+$0x0] =	vst.idx.add.f32.msk $0xffff, v2;
	v2 =	vshll.u32 v5, $0x7  }
0xb4: {  	v3 =	vor.u32 v13, v4;
	v0 =	vld.idx.msk [tilespmem:v0+s6+$0x0], $0xffff;
	v2 =	vor.u32 v12, v2  }
0xb5: {  	v2 =	vor.u32 v13, v2;
	_ =	sdelay $0x1  }
0xb6: {  	s29 =	sadd.s32 $0xFFFFFFFA, s28;
	v4 =	vperm.xlane v1, v18  }
0xb7: {  	v5 =	vmov s29  }
0xb8: {  	v4 =	vshll.u32 v4, $0x4;
	[tilespmem:v3+s20+$0x0] =	vst.idx.add.f32.msk $0xffff, v0;
	v0 =	vshll.u32 v5, $0x7  }
0xb9: {  	v3 =	vor.u32 v13, v4;
	v2 =	vld.idx.msk [tilespmem:v2+s6+$0x0], $0xffff;
	v0 =	vor.u32 v12, v0  }
0xba: {  	v0 =	vor.u32 v13, v0;
	_ =	sdelay $0x1  }
0xbb: {  	s30 =	sadd.s32 $0xFFFFFFFC, s28;
	v4 =	vperm.xlane v1, v19  }
0xbc: {  	v5 =	vmov s30  }
0xbd: {  	v4 =	vshll.u32 v4, $0x4;
	[tilespmem:v3+s20+$0x0] =	vst.idx.add.f32.msk $0xffff, v2;
	v2 =	vshll.u32 v5, $0x7  }
0xbe: {  	v3 =	vor.u32 v13, v4;
	v0 =	vld.idx.msk [tilespmem:v0+s6+$0x0], $0xffff;
	v2 =	vor.u32 v12, v2  }
0xbf: {  	v2 =	vor.u32 v13, v2;
	_ =	sdelay $0x1  }
0xc0: {  	s31 =	sadd.s32 $0xFFFFFFFE, s28;
	v4 =	vperm.xlane v1, v20  }
0xc1: {  	v5 =	vmov s31  }
0xc2: {  	v4 =	vshll.u32 v4, $0x4;
	[tilespmem:v3+s20+$0x0] =	vst.idx.add.f32.msk $0xffff, v0;
	v0 =	vshll.u32 v5, $0x7  }
0xc3: {  	v3 =	vor.u32 v13, v4;
	v2 =	vld.idx.msk [tilespmem:v2+s6+$0x0], $0xffff;
	v0 =	vor.u32 v12, v0  }
0xc4: {  	v0 =	vor.u32 v13, v0;
	_ =	sdelay $0x1  }
0xc5: {  	v4 =	vperm.xlane v1, v21  }
0xc6: {  	v5 =	vmov s28  }
0xc7: {  	v4 =	vshll.u32 v4, $0x4;
	[tilespmem:v3+s20+$0x0] =	vst.idx.add.f32.msk $0xffff, v2;
	v2 =	vshll.u32 v5, $0x7  }
0xc8: {  	v3 =	vor.u32 v13, v4;
	v0 =	vld.idx.msk [tilespmem:v0+s6+$0x0], $0xffff;
	v2 =	vor.u32 v12, v2  }
0xc9: {  	v2 =	vor.u32 v13, v2;
	_ =	sdelay $0x1  }
0xca: {  	v1 =	vperm.xlane v1, v22  }
0xcb: {  	[tilespmem:$0x1FF20] =	vst v26  }
0xcc: {  	v1 =	vshll.u32 v1, $0x4;
	[tilespmem:v3+s20+$0x0] =	vst.idx.add.f32.msk $0xffff, v0  }
0xcd: {  	[tilespmem:$0x1FF30] =	vst v25;
	v1 =	vor.u32 v13, v1;
	v0 =	vld.idx.msk [tilespmem:v2+s6+$0x0], $0xffff  }
0xce: {  	[tilespmem:$0x1FF40] =	vst v24  }
0xcf: {  	[tilespmem:$0x1FF50] =	vst v23  }
0xd0: {  	[tilespmem:$0x1FF60] =	vst v28  }
0xd1: {  	[tilespmem:$0x1FF70] =	vst v29  }
0xd2: {  	[tilespmem:v1+s20+$0x0] =	vst.idx.add.f32.msk $0xffff, v0  }
0xd3: {  	[spmem:s12] =	stream.linear.scatter [tilespmem:s20], [sflag:$0x2], $0x80, $0x38;
	[tilespmem:$0x1AC00] =	vst v63  }
0xd4: {  	_ =	swait.ge [sflag:s21], $0x80  }
0xd5: {  	[sflag:s21] =	ssyncset.done $0x0  }
0xd6: {  	[sflag:s21] =	ssyncadd.s32 $0xFFFFFF80  }
0xd7: {  	[bflag:$0x0] =	sbarrier.arrive $0xFFFF  }
0xd8: {  	[tilespmem:s22], [sflag:$0x2] =	stream.linear.gather [spmem:s5], $0x800, $0x38;
	[tilespmem:$0x1AC00] =	vst v63  }
0xd9: {  	_ =	swait.ge [sflag:s21], $0x800  }
0xda: {  	[sflag:s21] =	ssyncset.done $0x0  }
0xdb: {  	s29 =	simm.s32 $0x0;
	[sflag:s21] =	ssyncadd.s32 $0xFFFFF800  }
0xdc: {  	v1 =	vld [tilespmem:s29+$0x10BF0]  }
0xdd: {  	v2 =	vld [tilespmem:s29+$0x10B80]  }
0xde: {  	v5 =	vld [tilespmem:s29+$0x10B90]  }
0xdf: {  	v11 =	vld [tilespmem:s29+$0x10BA0]  }
0xe0: {  	v14 =	vld [tilespmem:s29+$0x10BB0]  }
0xe1: {  	v28 =	vimm.f32 $0.0e+00;
	v10 =	vimm.f32 $0.0e+00;
	v6 =	vimm.f32 $0.0e+00;
	v0 =	vld [tilespmem:s29+$0x10BC0]  }
0xe2: {  	v15 =	vimm.f32 $0.0e+00;
	v16 =	vld [tilespmem:s29+$0x10BD0];
	v3 =	vadd.f32 v1, v28;
	v4 =	vadd.f32 v2, v28  }
0xe3: {  	s0 =	simm.s32 $0x0;
	s26 =	simm.s32 $0x80;
	s28 =	simm.s32 $0x400;
	v7 =	vld [tilespmem:s29+$0x10BE0];
	v2 =	vadd.f32 v5, v28;
	v1 =	vimm.f32 $0.0e+00;
	v5 =	vimm.f32 $0.0e+00  }
.LBB2_4:
0xe4: {  	p0 =	sne.s32 s28, $0x1E00;
	v17 =	vld [tilespmem:s26+$0x10BF0];
	v10 =	vadd.f32 v11, v10  }
0xe5: {  	v18 =	vld [tilespmem:s26+$0x10B80];
	v1 =	vadd.f32 v14, v1  }
0xe6: {  	v19 =	vld [tilespmem:s26+$0x10B90];
	v6 =	vadd.f32 v0, v6  }
.Ltmp1:
0xe7: {  	v11 =	vld [tilespmem:s26+$0x10BA0];
	v15 =	vadd.f32 v16, v15;
	(pc) =	sbr.rel @p0 .LBB2_4-.Ltmp1, $4  }
0xe8: {  	v14 =	vld [tilespmem:s26+$0x10BB0];
	v5 =	vadd.f32 v7, v5  }
0xe9: {  	v0 =	vld [tilespmem:s26+$0x10BC0];
	v3 =	vadd.f32 v17, v3  }
0xea: {  	v4 =	vadd.f32 v18, v4;
	v16 =	vld [tilespmem:s26+$0x10BD0]  }
0xeb: {  	v2 =	vadd.f32 v19, v2;
	v7 =	vld [tilespmem:s26+$0x10BE0];
	s26 =	sshra.s32 s28, $0x2;
	s28 =	sadd.s32 $0x200, s28  }
0xec: {  	v17 =	vld [tilespmem:s26+$0x10BF0]  }
0xed: {  	v18 =	vld [tilespmem:s26+$0x10B80]  }
0xee: {  	v19 =	vld [tilespmem:s26+$0x10BA0]  }
0xef: {  	v29 =	vld [tilespmem:s26+$0x10BB0]  }
0xf0: {  	v30 =	vld [tilespmem:s26+$0x10BD0]  }
0xf1: {  	v31 =	vld [tilespmem:s26+$0x10B90]  }
0xf2: {  	v10 =	vadd.f32 v11, v10;
	v32 =	vld [tilespmem:s26+$0x10BC0]  }
0xf3: {  	s31 =	simm.s32 $0x106A0;
	v1 =	vadd.f32 v14, v1;
	v14 =	vld [tilespmem:s26+$0x10BE0];
	v11 =	vadd.f32 v16, v15  }
0xf4: {  	v35 =	vadd.f32 v19, v10;
	v10 =	vld [tilespmem:s31+$0x10]  }
0xf5: {  	v16 =	vmov s0;
	v36 =	vadd.f32 v29, v1;
	v37 =	vadd.f32 v30, v11;
	v1 =	vld [tilespmem:s31+$0x0]  }
0xf6: {  	v39 =	vadd.f32 v17, v3;
	v40 =	vadd.f32 v18, v4;
	v3 =	vld [tilespmem:s31+$0xFFFFFFF0];
	v4 =	vperm.xlane v35, v16  }
0xf7: {  	v42 =	vadd.f32 v31, v2;
	v2 =	vld [tilespmem:s31+$0xFFFFFFE0];
	v17 =	vperm.xlane v37, v16;
	v19 =	vperm.xlane v36, v16  }
0xf8: {  	v0 =	vadd.f32 v0, v6;
	v33 =	vperm.xlane v39, v16;
	v11 =	vperm.xlane v40, v16  }
0xf9: {  	v5 =	vadd.f32 v7, v5;
	v7 =	vperm.xlane v42, v16;
	v6 =	vmul.f32 v19, v10  }
0xfa: {  	v49 =	vadd.f32 v32, v0;
	v0 =	vmul.f32 v17, v1;
	v15 =	vmul.f32 v17, v10  }
0xfb: {  	v51 =	vadd.f32 v14, v5;
	v5 =	vmul.f32 v17, v3;
	v14 =	vmul.f32 v7, v1  }
0xfc: {  	v55 =	vimm.f32 $0.0e+00;
	v18 =	vmul.f32 v4, v2;
	v34 =	vmul.f32 v4, v3  }
0xfd: {  	v48 =	vimm.f32 $0.0e+00;
	v45 =	vmul.f32 v11, v10;
	v47 =	vmul.f32 v33, v2  }
0xfe: {  	v59 =	vmul.f32 v4, v10;
	v61 =	vmul.f32 v33, v1;
	v29 =	vadd.f32 v15, v28  }
0xff: {  	v30 =	vadd.f32 v14, v28;
	v14 =	vmul.f32 v4, v1;
	v31 =	vadd.f32 v5, v28  }
0x100: {  	v5 =	vmul.f32 v7, v3;
	v32 =	vadd.f32 v18, v28;
	v15 =	vperm.xlane v49, v16  }
0x101: {  	v18 =	vmul.f32 v19, v3;
	v34 =	vadd.f32 v34, v28;
	v16 =	vperm.xlane v51, v16  }
0x102: {  	v54 =	vadd.f32 v6, v28;
	v6 =	vmul.f32 v7, v10;
	v4 =	vadd.f32 v45, v28  }
0x103: {  	v41 =	vadd.f32 v14, v28;
	v14 =	vmul.f32 v19, v1;
	v43 =	vadd.f32 v5, v28  }
0x104: {  	v5 =	vmul.f32 v15, v10;
	v50 =	vadd.f32 v18, v28;
	v18 =	vmul.f32 v33, v3  }
0x105: {  	v38 =	vmul.f32 v15, v1;
	v56 =	vadd.f32 v6, v28;
	v58 =	vmul.f32 v16, v2  }
0x106: {  	v19 =	vmul.f32 v19, v2;
	v60 =	vmul.f32 v16, v1;
	v44 =	vadd.f32 v5, v28  }
0x107: {  	v46 =	vadd.f32 v14, v28;
	v5 =	vmul.f32 v16, v10;
	v52 =	vadd.f32 v18, v28  }
0x108: {  	v14 =	vmul.f32 v11, v3;
	v53 =	vadd.f32 v38, v28;
	v18 =	vmul.f32 v33, v10  }
0x109: {  	v10 =	vmul.f32 v15, v3;
	v3 =	vmul.f32 v16, v3;
	v45 =	vadd.f32 v19, v28  }
0x10a: {  	v19 =	vmul.f32 v17, v2;
	v33 =	vimm.f32 $0.0e+00;
	v17 =	vimm.f32 $0.0e+00  }
0x10b: {  	v16 =	vimm.f32 $0.0e+00;
	v38 =	vadd.f32 v5, v28;
	v5 =	vadd.f32 v0, v28  }
0x10c: {  	v6 =	vadd.f32 v14, v28;
	v14 =	vmul.f32 v7, v2;
	v7 =	vadd.f32 v47, v28  }
0x10d: {  	v0 =	vadd.f32 v10, v28;
	v57 =	vadd.f32 v3, v28;
	v3 =	vimm.f32 $0.0e+00  }
0x10e: {  	s26 =	simm.s32 $0x10720;
	s0 =	simm.s32 $0x1;
	v47 =	vimm.f32 $0.0e+00;
	v10 =	vadd.f32 v14, v28;
	v14 =	vimm.f32 $0.0e+00  }
.LBB2_6:
0x10f: {  	p0 =	sne.s32 s0, $0x7;
	v62 =	vmul.f32 v11, v1;
	v1 =	vld [tilespmem:s26+$0x0];
	v28 =	vadd.f32 v59, v28;
	v3 =	vadd.f32 v60, v3;
	s28 =	smov.u32 s0;
	s0 =	sadd.s32 $0x1, s0  }
0x110: {  	v60 =	vmul.f32 v11, v2;
	v2 =	vmul.f32 v15, v2;
	v55 =	vadd.f32 v18, v55;
	v59 =	vld [tilespmem:s26+$0x10]  }
0x111: {  	v48 =	vadd.f32 v58, v48;
	v14 =	vadd.f32 v61, v14;
	v18 =	vmov s28;
	v63 =	vld [tilespmem:s26+$0xFFFFFFF0]  }
0x112: {  	v58 =	vperm.xlane v35, v18;
	v20 =	vperm.xlane v37, v18;
	v33 =	vadd.f32 v2, v33  }
0x113: {  	v47 =	vadd.f32 v19, v47;
	v61 =	vperm.xlane v36, v18;
	v21 =	vperm.xlane v39, v18;
	v2 =	vld [tilespmem:s26+$0xFFFFFFE0]  }
0x114: {  	v11 =	vperm.xlane v40, v18;
	v19 =	vperm.xlane v42, v18;
	v17 =	vadd.f32 v62, v17  }
0x115: {  	v16 =	vadd.f32 v60, v16;
	v22 =	vmul.f32 v20, v1;
	v62 =	vmul.f32 v61, v59  }
0x116: {  	v60 =	vmul.f32 v20, v59;
	v15 =	vmul.f32 v20, v63  }
0x117: {  	v23 =	vmul.f32 v19, v1;
	v24 =	vmul.f32 v61, v63  }
0x118: {  	v26 =	vmul.f32 v58, v63;
	v29 =	vadd.f32 v60, v29;
	v25 =	vmul.f32 v58, v2  }
0x119: {  	v30 =	vadd.f32 v23, v30;
	v23 =	vmul.f32 v58, v1;
	v31 =	vadd.f32 v15, v31  }
0x11a: {  	v60 =	vmul.f32 v19, v63;
	v15 =	vperm.xlane v49, v18;
	v32 =	vadd.f32 v25, v32  }
0x11b: {  	v34 =	vadd.f32 v26, v34;
	v41 =	vadd.f32 v23, v41;
	v23 =	vmul.f32 v61, v1  }
0x11c: {  	v50 =	vadd.f32 v24, v50;
	v43 =	vadd.f32 v60, v43;
	v24 =	vmul.f32 v15, v59  }
0x11d: {  	v54 =	vadd.f32 v62, v54;
	v25 =	vperm.xlane v51, v18;
	v18 =	vmul.f32 v21, v63  }
0x11e: {  	v26 =	vmul.f32 v19, v59;
	v60 =	vmul.f32 v15, v1;
	v44 =	vadd.f32 v24, v44  }
0x11f: {  	v46 =	vadd.f32 v23, v46;
	v23 =	vmul.f32 v25, v59;
	v52 =	vadd.f32 v18, v52  }
0x120: {  	v24 =	vmul.f32 v11, v63;
	v53 =	vadd.f32 v60, v53;
	v18 =	vmul.f32 v21, v59  }
0x121: {  	v56 =	vadd.f32 v26, v56;
	v26 =	vmul.f32 v21, v2;
	v60 =	vmul.f32 v11, v59  }
0x122: {  	v62 =	vmul.f32 v15, v63;
	v59 =	vmul.f32 v58, v59;
	v38 =	vadd.f32 v23, v38  }
.Ltmp2:
0x123: {  	v5 =	vadd.f32 v22, v5;
	v58 =	vmul.f32 v25, v2;
	v4 =	vadd.f32 v60, v4;
	(pc) =	sbr.rel @p0 .LBB2_6-.Ltmp2, $4  }
0x124: {  	v19 =	vmul.f32 v19, v2;
	v7 =	vadd.f32 v26, v7;
	v6 =	vadd.f32 v24, v6  }
0x125: {  	v22 =	vmul.f32 v61, v2;
	v0 =	vadd.f32 v62, v0;
	v23 =	vmul.f32 v25, v63  }
0x126: {  	v61 =	vmul.f32 v21, v1;
	v10 =	vadd.f32 v19, v10;
	v60 =	vmul.f32 v25, v1  }
0x127: {  	s26 =	sadd.s32 $0x80, s26;
	v45 =	vadd.f32 v22, v45;
	v19 =	vmul.f32 v20, v2;
	v57 =	vadd.f32 v23, v57  }
0x128: {  	s0 =	simm.s32 $0x102A0  }
0x129: {  	v62 =	vld [tilespmem:s0+$0x0]  }
0x12a: {  	v59 =	vadd.f32 v59, v28;
	v28 =	vmul.f32 v11, v2;
	s26 =	simm.s32 $0x8  }
0x12b: {  	v2 =	vmul.f32 v15, v2;
	v15 =	vadd.f32 v18, v55;
	v18 =	vmov s26  }
0x12c: {  	v22 =	vld [tilespmem:s0+$0x10];
	v20 =	vperm.xlane v37, v18  }
0x12d: {  	v1 =	vmul.f32 v11, v1  }
0x12e: {  	v14 =	vadd.f32 v61, v14;
	v23 =	vld [tilespmem:s0+$0xFFFFFFF0];
	v61 =	vadd.f32 v2, v33;
	v2 =	vmul.f32 v20, v62  }
0x12f: {  	v3 =	vadd.f32 v60, v3;
	[tilespmem:$0x1FEE0] =	vst v1;
	v24 =	vperm.xlane v35, v18;
	v1 =	vld [tilespmem:s0+$0xFFFFFFE0];
	v26 =	vperm.xlane v36, v18  }
0x130: {  	v60 =	vadd.f32 v58, v48;
	v25 =	vperm.xlane v39, v18;
	v21 =	vperm.xlane v42, v18;
	[tilespmem:$0x1FEF0] =	vst v2;
	v2 =	vld [tilespmem:$0x1FEE0]  }
0x131: {  	v63 =	vadd.f32 v19, v47;
	v11 =	vperm.xlane v40, v18;
	v19 =	vmul.f32 v26, v22  }
0x132: {  	v16 =	vadd.f32 v28, v16;
	v48 =	vmul.f32 v20, v22;
	v28 =	vmul.f32 v21, v62  }
0x133: {  	v55 =	vmul.f32 v26, v23;
	v58 =	vmul.f32 v24, v23  }
0x134: {  	v47 =	vmul.f32 v24, v1;
	v48 =	vadd.f32 v48, v29;
	v33 =	vadd.f32 v28, v30  }
0x135: {  	v29 =	vmul.f32 v24, v62;
	v2 =	vadd.f32 v2, v17;
	v17 =	vmul.f32 v20, v23  }
0x136: {  	v30 =	vmul.f32 v21, v23;
	v54 =	vadd.f32 v19, v54;
	v28 =	vadd.f32 v47, v32  }
0x137: {  	v47 =	vadd.f32 v58, v34;
	v31 =	vadd.f32 v17, v31;
	v17 =	vperm.xlane v49, v18  }
0x138: {  	[tilespmem:$0x1FF10] =	vst v20;
	v41 =	vadd.f32 v29, v41;
	v29 =	vmul.f32 v26, v62;
	v20 =	vperm.xlane v51, v18  }
0x139: {  	v32 =	vadd.f32 v30, v43;
	v18 =	vmul.f32 v25, v23;
	v30 =	vmul.f32 v17, v22  }
0x13a: {  	v34 =	vadd.f32 v55, v50;
	v50 =	vadd.f32 v29, v46;
	v19 =	vmul.f32 v17, v62  }
0x13b: {  	v58 =	vmul.f32 v21, v22;
	v46 =	vadd.f32 v18, v52;
	v55 =	vadd.f32 v30, v44  }
0x13c: {  	v30 =	vmul.f32 v20, v22;
	v52 =	vadd.f32 v19, v53;
	v53 =	vmul.f32 v11, v22  }
0x13d: {  	v29 =	vadd.f32 v58, v56  }
0x13e: {  	v58 =	vadd.f32 v30, v38;
	v30 =	vadd.f32 v53, v4;
	v4 =	vld [tilespmem:$0x1FEF0];
	_ =	sdelay $0x1  }
0x13f: {  	v18 =	vmul.f32 v11, v23;
	_ =	sdelay $0x1  }
0x140: {  	[tilespmem:$0x1FF00] =	vst v18  }
0x141: {  	v56 =	vadd.f32 v4, v5;
	v5 =	vld [tilespmem:$0x1FF00];
	_ =	sdelay $0x4  }
0x142: {  	v43 =	vadd.f32 v5, v6;
	v5 =	vmul.f32 v21, v1;
	_ =	sdelay $0x1  }
0x143: {  	v19 =	vmul.f32 v25, v22;
	v44 =	vmul.f32 v25, v1;
	v38 =	vadd.f32 v5, v10;
	v5 =	vld [tilespmem:$0x1FF10]  }
0x144: {  	v18 =	vmul.f32 v24, v22;
	v22 =	vmul.f32 v17, v23  }
0x145: {  	v44 =	vadd.f32 v44, v7;
	v7 =	vmul.f32 v26, v1  }
0x146: {  	v53 =	vadd.f32 v22, v0;
	v21 =	vmul.f32 v20, v23  }
0x147: {  	v0 =	vmul.f32 v25, v62;
	v45 =	vadd.f32 v7, v45;
	v6 =	vmul.f32 v20, v62  }
0x148: {  	s26 =	simm.s32 $0x10320;
	s0 =	simm.s32 $0x9;
	v4 =	vmul.f32 v20, v1;
	v57 =	vadd.f32 v21, v57;
	v5 =	vmul.f32 v5, v1  }
.LBB2_8:
0x149: {  	p0 =	sne.s32 s0, $0xF;
	v7 =	vmul.f32 v11, v62;
	v62 =	vld [tilespmem:s26+$0x0];
	v59 =	vadd.f32 v18, v59;
	v3 =	vadd.f32 v6, v3;
	s28 =	smov.u32 s0;
	s0 =	sadd.s32 $0x1, s0  }
0x14a: {  	v10 =	vmul.f32 v11, v1;
	v1 =	vmul.f32 v17, v1;
	v15 =	vadd.f32 v19, v15;
	v6 =	vld [tilespmem:s26+$0x10]  }
0x14b: {  	v60 =	vadd.f32 v4, v60;
	v14 =	vadd.f32 v0, v14;
	v18 =	vmov s28;
	v20 =	vld [tilespmem:s26+$0xFFFFFFF0]  }
0x14c: {  	v0 =	vperm.xlane v35, v18;
	v21 =	vperm.xlane v37, v18;
	v61 =	vadd.f32 v1, v61  }
0x14d: {  	v63 =	vadd.f32 v5, v63;
	v22 =	vperm.xlane v36, v18;
	v23 =	vperm.xlane v39, v18;
	v1 =	vld [tilespmem:s26+$0xFFFFFFE0]  }
0x14e: {  	v11 =	vperm.xlane v40, v18;
	v5 =	vperm.xlane v42, v18;
	v2 =	vadd.f32 v7, v2  }
0x14f: {  	v16 =	vadd.f32 v10, v16;
	v7 =	vmul.f32 v21, v62;
	v4 =	vmul.f32 v22, v6  }
0x150: {  	v17 =	vmul.f32 v21, v6;
	v10 =	vmul.f32 v21, v20  }
0x151: {  	v19 =	vmul.f32 v5, v62;
	v24 =	vmul.f32 v22, v20  }
0x152: {  	v26 =	vmul.f32 v0, v20;
	v48 =	vadd.f32 v17, v48;
	v25 =	vmul.f32 v0, v1  }
0x153: {  	v33 =	vadd.f32 v19, v33;
	v19 =	vmul.f32 v0, v62;
	v31 =	vadd.f32 v10, v31  }
0x154: {  	v17 =	vperm.xlane v49, v18;
	v10 =	vmul.f32 v5, v20;
	v28 =	vadd.f32 v25, v28  }
0x155: {  	v47 =	vadd.f32 v26, v47;
	v41 =	vadd.f32 v19, v41;
	v19 =	vmul.f32 v22, v62  }
0x156: {  	v34 =	vadd.f32 v24, v34;
	v32 =	vadd.f32 v10, v32;
	v10 =	vmul.f32 v17, v6  }
0x157: {  	v54 =	vadd.f32 v4, v54;
	v4 =	vmul.f32 v23, v20;
	v24 =	vperm.xlane v51, v18  }
0x158: {  	v18 =	vmul.f32 v5, v6;
	v25 =	vmul.f32 v17, v62;
	v55 =	vadd.f32 v10, v55  }
0x159: {  	v46 =	vadd.f32 v4, v46;
	v50 =	vadd.f32 v19, v50;
	v10 =	vmul.f32 v24, v6  }
0x15a: {  	v26 =	vmul.f32 v11, v20;
	v19 =	vmul.f32 v23, v6;
	v52 =	vadd.f32 v25, v52  }
0x15b: {  	v4 =	vmul.f32 v11, v6;
	v29 =	vadd.f32 v18, v29;
	v25 =	vmul.f32 v23, v1  }
0x15c: {  	v18 =	vmul.f32 v0, v6;
	v0 =	vmul.f32 v17, v20;
	v58 =	vadd.f32 v10, v58  }
.Ltmp3:
0x15d: {  	v56 =	vadd.f32 v7, v56;
	v30 =	vadd.f32 v4, v30;
	v4 =	vmul.f32 v24, v1;
	(pc) =	sbr.rel @p0 .LBB2_8-.Ltmp3, $4  }
0x15e: {  	v5 =	vmul.f32 v5, v1;
	v43 =	vadd.f32 v26, v43;
	v44 =	vadd.f32 v25, v44  }
0x15f: {  	v7 =	vmul.f32 v22, v1;
	v53 =	vadd.f32 v0, v53;
	v10 =	vmul.f32 v24, v20  }
0x160: {  	v38 =	vadd.f32 v5, v38;
	v6 =	vmul.f32 v24, v62;
	v0 =	vmul.f32 v23, v62  }
0x161: {  	s26 =	sadd.s32 $0x80, s26;
	v45 =	vadd.f32 v7, v45;
	v5 =	vmul.f32 v21, v1;
	v57 =	vadd.f32 v10, v57  }
0x162: {  	s26 =	simm.s32 $0x0  }
0x163: {  	v7 =	vld [tilespmem:s26+$0x102B0];
	_ =	sdelay $0x2  }
0x164: {  	v37 =	vadd.f32 v19, v15  }
0x165: {  	v10 =	vld [tilespmem:s26+$0x10280]  }
0x166: {  	v20 =	vmul.f32 v11, v1;
	v49 =	vld [tilespmem:s26+$0x10290];
	v15 =	vadd.f32 v7, v37  }
0x167: {  	s0 =	simm.s32 $0x11480;
	v22 =	vld [tilespmem:s26+$0x102A0];
	v21 =	vadd.f32 v7, v58  }
0x168: {  	v36 =	vadd.f32 v20, v16;
	v23 =	vadd.f32 v7, v48;
	[tilespmem:s0+$0xF0] =	vst v15  }
0x169: {  	v35 =	vadd.f32 v0, v14;
	v51 =	vadd.f32 v7, v54;
	[tilespmem:s0+$0xB0] =	vst v21  }
0x16a: {  	v3 =	vadd.f32 v6, v3;
	v0 =	vadd.f32 v10, v36;
	[tilespmem:s0+$0x70] =	vst v23  }
0x16b: {  	v6 =	vadd.f32 v49, v47;
	[tilespmem:s0+$0xFFFFFFF0] =	vst v51  }
0x16c: {  	v14 =	vadd.f32 v22, v3;
	[tilespmem:s0+$0xFFFFFF00] =	vst v0  }
0x16d: {  	v15 =	vadd.f32 v7, v55;
	[tilespmem:s0+$0xFFFFFF90] =	vst v6  }
0x16e: {  	v0 =	vadd.f32 v22, v35;
	[tilespmem:s0+$0xA0] =	vst v14  }
0x16f: {  	v6 =	vadd.f32 v22, v56;
	[tilespmem:s0+$0x30] =	vst v15  }
0x170: {  	v14 =	vadd.f32 v22, v50;
	[tilespmem:s0+$0xE0] =	vst v0  }
0x171: {  	v0 =	vadd.f32 v22, v52;
	[tilespmem:s0+$0x60] =	vst v6  }
0x172: {  	v6 =	vadd.f32 v22, v41;
	[tilespmem:s0+$0xFFFFFFE0] =	vst v14  }
0x173: {  	v14 =	vadd.f32 v49, v46;
	[tilespmem:s0+$0x20] =	vst v0  }
0x174: {  	v15 =	vadd.f32 v49, v43;
	[tilespmem:s0+$0xFFFFFFA0] =	vst v6  }
0x175: {  	v0 =	vadd.f32 v22, v33;
	[tilespmem:s0+$0xD0] =	vst v14  }
0x176: {  	v6 =	vadd.f32 v49, v57;
	[tilespmem:s0+$0xFFFFFF10] =	vst v15  }
0x177: {  	v14 =	vadd.f32 v49, v53;
	[tilespmem:s0+$0xFFFFFF60] =	vst v0  }
0x178: {  	v0 =	vmul.f32 v11, v62;
	v11 =	vadd.f32 v49, v31;
	[tilespmem:s0+$0x90] =	vst v6  }
0x179: {  	v6 =	vadd.f32 v49, v32;
	[tilespmem:s0+$0x10] =	vst v14;
	v14 =	vmul.f32 v17, v1;
	v1 =	vadd.f32 v4, v60  }
0x17a: {  	v0 =	vadd.f32 v0, v2;
	v2 =	vadd.f32 v49, v34;
	[tilespmem:s0+$0x50] =	vst v11  }
0x17b: {  	[tilespmem:s0+$0xFFFFFF50] =	vst v6;
	v6 =	vadd.f32 v10, v1  }
0x17c: {  	v4 =	vadd.f32 v14, v61;
	v11 =	vadd.f32 v22, v0;
	[tilespmem:s0+$0xFFFFFFD0] =	vst v2  }
0x17d: {  	v2 =	vadd.f32 v5, v63;
	v5 =	vadd.f32 v10, v44;
	[tilespmem:s0+$0x80] =	vst v6  }
0x17e: {  	v14 =	vadd.f32 v10, v4;
	[tilespmem:s0+$0xFFFFFF20] =	vst v11  }
0x17f: {  	v6 =	vadd.f32 v10, v45;
	[tilespmem:s0+$0xC0] =	vst v5  }
0x180: {  	v11 =	vadd.f32 v10, v2;
	[tilespmem:s0+$0x0] =	vst v14  }
0x181: {  	v14 =	vadd.f32 v10, v28;
	[tilespmem:s0+$0xFFFFFFC0] =	vst v6  }
0x182: {  	v5 =	vadd.f32 v18, v59;
	v6 =	vadd.f32 v7, v29;
	[tilespmem:s0+$0x40] =	vst v11  }
0x183: {  	v10 =	vadd.f32 v10, v38;
	[tilespmem:s0+$0xFFFFFF80] =	vst v14  }
0x184: {  	v11 =	vadd.f32 v7, v5;
	[tilespmem:s0+$0xFFFFFF70] =	vst v6  }
0x185: {  	v7 =	vadd.f32 v7, v30;
	[tilespmem:s0+$0xFFFFFF40] =	vst v10  }
0x186: {  	[tilespmem:s0+$0xFFFFFFB0] =	vst v11  }
0x187: {  	s28 =	simm.s32 $0x80;
	s26 =	simm.s32 $0x400;
	[tilespmem:s0+$0xFFFFFF30] =	vst v7  }
.LBB2_10:
0x188: {  	p0 =	sne.s32 s26, $0xE00;
	v6 =	vld [tilespmem:s28+$0x102B0];
	_ =	sdelay $0x4  }
0x189: {  	v7 =	vld [tilespmem:s28+$0x10280];
	v10 =	vadd.f32 v6, v58;
	v11 =	vadd.f32 v6, v37  }
0x18a: {  	s0 =	sadd.s32 $0x200, s0;
	v15 =	vadd.f32 v6, v55;
	v16 =	vadd.f32 v6, v48;
	v14 =	vld [tilespmem:s28+$0x10290]  }
0x18b: {  	v18 =	vadd.f32 v6, v5;
	v19 =	vadd.f32 v6, v54;
	v17 =	vld [tilespmem:s28+$0x102A0];
	[tilespmem:s0+$0xF0] =	vst v11  }
0x18c: {  	v11 =	vadd.f32 v6, v30;
	v6 =	vadd.f32 v6, v29;
	[tilespmem:s0+$0xB0] =	vst v10  }
0x18d: {  	[tilespmem:s0+$0x70] =	vst v16  }
0x18e: {  	v10 =	vadd.f32 v7, v36;
	[tilespmem:s0+$0x30] =	vst v15;
	v15 =	vadd.f32 v7, v44  }
0x18f: {  	v16 =	vadd.f32 v14, v47;
	[tilespmem:s0+$0xFFFFFFF0] =	vst v19;
	v19 =	vadd.f32 v14, v46  }
0x190: {  	[tilespmem:s0+$0xFFFFFF00] =	vst v10;
	v10 =	vadd.f32 v17, v3;
	v20 =	vadd.f32 v17, v35  }
0x191: {  	v21 =	vadd.f32 v17, v56;
	[tilespmem:s0+$0xFFFFFF90] =	vst v16;
	v16 =	vadd.f32 v17, v52  }
0x192: {  	v22 =	vadd.f32 v17, v41;
	v23 =	vadd.f32 v17, v50;
	[tilespmem:s0+$0xE0] =	vst v20  }
0x193: {  	v24 =	vadd.f32 v14, v57;
	v20 =	vadd.f32 v17, v33;
	[tilespmem:s0+$0xA0] =	vst v10  }
0x194: {  	v25 =	vadd.f32 v14, v31;
	v10 =	vadd.f32 v14, v53;
	[tilespmem:s0+$0x60] =	vst v21  }
0x195: {  	v26 =	vadd.f32 v14, v34;
	v21 =	vadd.f32 v14, v32;
	[tilespmem:s0+$0x20] =	vst v16  }
0x196: {  	v14 =	vadd.f32 v14, v43;
	v16 =	vadd.f32 v17, v0;
	[tilespmem:s0+$0xFFFFFFE0] =	vst v23  }
0x197: {  	v17 =	vadd.f32 v7, v2;
	[tilespmem:s0+$0xFFFFFFA0] =	vst v22;
	v22 =	vadd.f32 v7, v1  }
0x198: {  	v23 =	vadd.f32 v7, v4;
	[tilespmem:s0+$0xFFFFFF60] =	vst v20;
	v20 =	vadd.f32 v7, v45  }
0x199: {  	v39 =	vadd.f32 v7, v38;
	v7 =	vadd.f32 v7, v28;
	[tilespmem:s0+$0xD0] =	vst v19  }
0x19a: {  	[tilespmem:s0+$0x90] =	vst v24  }
0x19b: {  	[tilespmem:s0+$0x50] =	vst v25  }
0x19c: {  	[tilespmem:s0+$0x10] =	vst v10  }
0x19d: {  	[tilespmem:s0+$0xFFFFFFD0] =	vst v26  }
0x19e: {  	[tilespmem:s0+$0xFFFFFF50] =	vst v21  }
0x19f: {  	[tilespmem:s0+$0xFFFFFF20] =	vst v16  }
0x1a0: {  	[tilespmem:s0+$0xFFFFFF10] =	vst v14  }
0x1a1: {  	[tilespmem:s0+$0xC0] =	vst v15  }
0x1a2: {  	[tilespmem:s0+$0x80] =	vst v22  }
0x1a3: {  	[tilespmem:s0+$0x40] =	vst v17  }
0x1a4: {  	[tilespmem:s0+$0x0] =	vst v23  }
0x1a5: {  	[tilespmem:s0+$0xFFFFFFC0] =	vst v20  }
.Ltmp4:
0x1a6: {  	[tilespmem:s0+$0xFFFFFFB0] =	vst v18;
	(pc) =	sbr.rel @p0 .LBB2_10-.Ltmp4, $4  }
0x1a7: {  	[tilespmem:s0+$0xFFFFFF80] =	vst v7  }
0x1a8: {  	[tilespmem:s0+$0xFFFFFF70] =	vst v6  }
0x1a9: {  	[tilespmem:s0+$0xFFFFFF40] =	vst v39  }
0x1aa: {  	s28 =	sshra.s32 s26, $0x2;
	s26 =	sadd.s32 $0x200, s26;
	[tilespmem:s0+$0xFFFFFF30] =	vst v11  }
0x1ab: {  	v6 =	vld [tilespmem:s28+$0x102B0];
	_ =	sdelay $0x2  }
0x1ac: {  	v15 =	vld [tilespmem:s28+$0x102A0];
	_ =	sdelay $0x1  }
0x1ad: {  	v10 =	vadd.f32 v6, v37  }
0x1ae: {  	v7 =	vld [tilespmem:s28+$0x10280];
	s0 =	sadd.s32 $0x200, s0;
	v14 =	vadd.f32 v6, v58  }
0x1af: {  	v11 =	vld [tilespmem:s28+$0x10290];
	v16 =	vadd.f32 v6, v48;
	[tilespmem:s0+$0xF0] =	vst v10  }
0x1b0: {  	v3 =	vadd.f32 v15, v3;
	[tilespmem:s0+$0xB0] =	vst v14  }
0x1b1: {  	v0 =	vadd.f32 v15, v0;
	[tilespmem:s0+$0x70] =	vst v16  }
0x1b2: {  	v10 =	vadd.f32 v6, v55;
	[tilespmem:s0+$0xA0] =	vst v3  }
0x1b3: {  	v14 =	vadd.f32 v6, v54;
	[tilespmem:s0+$0xFFFFFF20] =	vst v0  }
0x1b4: {  	v55 =	vadd.f32 v7, v36;
	[tilespmem:s0+$0x30] =	vst v10  }
0x1b5: {  	v3 =	vadd.f32 v15, v50;
	[tilespmem:s0+$0xFFFFFFF0] =	vst v14  }
0x1b6: {  	v0 =	vadd.f32 v7, v1;
	[tilespmem:s0+$0xFFFFFF00] =	vst v55  }
0x1b7: {  	v1 =	vadd.f32 v7, v2;
	[tilespmem:s0+$0xFFFFFFE0] =	vst v3  }
0x1b8: {  	v2 =	vadd.f32 v7, v4;
	[tilespmem:s0+$0x80] =	vst v0  }
0x1b9: {  	v10 =	vadd.f32 v11, v47;
	[tilespmem:s0+$0x40] =	vst v1  }
0x1ba: {  	v14 =	vadd.f32 v15, v35;
	[tilespmem:s0+$0x0] =	vst v2  }
0x1bb: {  	v3 =	vadd.f32 v11, v46;
	[tilespmem:s0+$0xFFFFFF90] =	vst v10  }
0x1bc: {  	v0 =	vadd.f32 v7, v45;
	[tilespmem:s0+$0xE0] =	vst v14  }
0x1bd: {  	v1 =	vadd.f32 v6, v5;
	[tilespmem:s0+$0xD0] =	vst v3  }
0x1be: {  	v2 =	vadd.f32 v7, v28;
	[tilespmem:s0+$0xFFFFFFC0] =	vst v0  }
0x1bf: {  	v10 =	vadd.f32 v15, v56;
	[tilespmem:s0+$0xFFFFFFB0] =	vst v1  }
0x1c0: {  	v14 =	vadd.f32 v15, v52;
	[tilespmem:s0+$0xFFFFFF80] =	vst v2  }
0x1c1: {  	v3 =	vadd.f32 v11, v53;
	[tilespmem:s0+$0x60] =	vst v10  }
0x1c2: {  	v0 =	vadd.f32 v6, v29;
	[tilespmem:s0+$0x20] =	vst v14  }
0x1c3: {  	v1 =	vadd.f32 v7, v38;
	[tilespmem:s0+$0x10] =	vst v3  }
0x1c4: {  	v2 =	vadd.f32 v6, v30;
	[tilespmem:s0+$0xFFFFFF70] =	vst v0  }
0x1c5: {  	v10 =	vadd.f32 v15, v41;
	[tilespmem:s0+$0xFFFFFF40] =	vst v1  }
0x1c6: {  	v14 =	vadd.f32 v15, v33;
	[tilespmem:s0+$0xFFFFFF30] =	vst v2  }
0x1c7: {  	v3 =	vadd.f32 v11, v43;
	[tilespmem:s0+$0xFFFFFFA0] =	vst v10  }
0x1c8: {  	v10 =	vadd.f32 v11, v57;
	[tilespmem:s0+$0xFFFFFF60] =	vst v14  }
0x1c9: {  	v14 =	vadd.f32 v11, v31;
	[tilespmem:s0+$0xFFFFFF10] =	vst v3  }
0x1ca: {  	[tilespmem:s0+$0x90] =	vst v10;
	v10 =	vadd.f32 v11, v34  }
0x1cb: {  	[tilespmem:s0+$0x50] =	vst v14;
	v14 =	vadd.f32 v11, v32  }
0x1cc: {  	[tilespmem:s0+$0xFFFFFFD0] =	vst v10;
	v10 =	vadd.f32 v7, v44  }
0x1cd: {  	[tilespmem:s0+$0xFFFFFF50] =	vst v14  }
0x1ce: {  	[tilespmem:s0+$0xC0] =	vst v10  }
0x1cf: {  	v0 =	vld [tilespmem:$0x10680]  }
0x1d0: {  	v1 =	vld [tilespmem:$0x10690]  }
0x1d1: {  	v2 =	vld [tilespmem:$0x106A0]  }
0x1d2: {  	v3 =	vld [tilespmem:$0x106B0]  }
0x1d3: {  	v57 =	vld [tilespmem:$0x10700]  }
0x1d4: {  	v58 =	vld [tilespmem:$0x10710]  }
0x1d5: {  	v6 =	vld [tilespmem:$0x10720]  }
0x1d6: {  	v7 =	vld [tilespmem:$0x10730]  }
0x1d7: {  	v10 =	vld [tilespmem:$0x10780]  }
0x1d8: {  	v11 =	vld [tilespmem:$0x10790]  }
0x1d9: {  	v14 =	vld [tilespmem:$0x107A0]  }
0x1da: {  	v15 =	vld [tilespmem:$0x107B0]  }
0x1db: {  	v16 =	vld [tilespmem:$0x10800]  }
0x1dc: {  	v17 =	vld [tilespmem:$0x10810]  }
0x1dd: {  	v18 =	vld [tilespmem:$0x10820]  }
0x1de: {  	v19 =	vld [tilespmem:$0x10830]  }
0x1df: {  	v20 =	vld [tilespmem:$0x10880]  }
0x1e0: {  	v21 =	vld [tilespmem:$0x10890]  }
0x1e1: {  	v22 =	vld [tilespmem:$0x108A0]  }
0x1e2: {  	v23 =	vld [tilespmem:$0x108B0]  }
0x1e3: {  	v24 =	vld [tilespmem:$0x10900]  }
0x1e4: {  	v25 =	vld [tilespmem:$0x10910]  }
0x1e5: {  	v26 =	vld [tilespmem:$0x10920]  }
0x1e6: {  	v39 =	vld [tilespmem:$0x10930]  }
0x1e7: {  	v40 =	vld [tilespmem:$0x10980]  }
0x1e8: {  	v59 =	vld [tilespmem:$0x10990]  }
0x1e9: {  	v42 =	vld [tilespmem:$0x109A0]  }
0x1ea: {  	v60 =	vld [tilespmem:$0x109B0]  }
0x1eb: {  	v28 =	vmov s8;
	v61 =	vld [tilespmem:$0x10A00]  }
0x1ec: {  	v28 =	vshll.u32 v28, $0x7;
	v62 =	vld [tilespmem:$0x10A10]  }
0x1ed: {  	v30 =	vor.u32 v12, v28;
	v63 =	vld [tilespmem:$0x10A20]  }
0x1ee: {  	v28 =	vpack.i.f32.bf16 v1, v0;
	v29 =	vpack.i.f32.bf16 v3, v2;
	v0 =	vld [tilespmem:$0x10A30];
	v2 =	vor.u32 v13, v30  }
0x1ef: {  	v30 =	vpack.i.f32.bf16 v58, v57;
	v31 =	vpack.i.f32.bf16 v7, v6;
	v32 =	vpack.i.f32.bf16 v11, v10  }
0x1f0: {  	v33 =	vpack.i.f32.bf16 v15, v14;
	v34 =	vpack.i.f32.bf16 v17, v16;
	v35 =	vpack.i.f32.bf16 v19, v18  }
0x1f1: {  	v36 =	vpack.i.f32.bf16 v21, v20;
	v37 =	vpack.i.f32.bf16 v23, v22;
	v38 =	vpack.i.f32.bf16 v25, v24  }
0x1f2: {  	s26 =	simm.s32 $0x0;
	s28 =	sadd.s32 $0x2, s8;
	v39 =	vpack.i.f32.bf16 v39, v26;
	v40 =	vpack.i.f32.bf16 v59, v40;
	v41 =	vpack.i.f32.bf16 v60, v42  }
0x1f3: {  	s30 =	simm.s32 $0x80;
	s29 =	simm.s32 $0x0;
	s0 =	simm.s32 $0x40;
	v42 =	vpack.i.f32.bf16 v62, v61;
	v1 =	vmov s28;
	v43 =	vpack.i.f32.bf16 v0, v63;
	v0 =	vld.idx.msk [tilespmem:v2+s26+$0x0], $0xffff  }
.LBB2_12:
0x1f4: {  	p0 =	sne.s32 s30, $0x1FC0;
	v1 =	vshll.u32 v1, $0x7  }
0x1f5: {  	v1 =	vor.u32 v12, v1  }
0x1f6: {  	v2 =	vor.u32 v13, v1  }
.Ltmp5:
0x1f7: {  	(pc) =	sbr.rel @p0 .LBB2_12-.Ltmp5, $4  }
0x1f8: {  	_ = 	snop  }
0x1f9: {  	s31 =	sshra.s32 s29, $0x2;
	s29 =	smov.u32 s0;
	s0 =	smov.u32 s30;
	v0 =	vpack.i.f32.bf16 v0, v0  }
0x1fa: {  	s28 =	sadd.s32 $0x2, s28;
	[tilespmem:s31+$0x1A380] =	vst v0  }
0x1fb: {  	s30 =	sadd.s32 $0x40, s30;
	v1 =	vmov s28;
	v0 =	vld.idx.msk [tilespmem:v2+s26+$0x0], $0xffff  }
0x1fc: {  	v1 =	vshll.u32 v1, $0x7  }
0x1fd: {  	v1 =	vor.u32 v12, v1  }
0x1fe: {  	v1 =	vor.u32 v13, v1;
	_ =	sdelay $0x2  }
0x1ff: {  	s28 =	sshra.s32 s29, $0x2;
	v0 =	vpack.i.f32.bf16 v0, v0  }
0x200: {  	[tilespmem:s28+$0x1A380] =	vst v0  }
0x201: {  	v0 =	vld.idx.msk [tilespmem:v1+s26+$0x0], $0xffff  }
0x202: {  	v24 =	vld [tilespmem:$0x1FF50]  }
0x203: {  	v25 =	vld [tilespmem:$0x1FF40]  }
0x204: {  	v26 =	vld [tilespmem:$0x1FF30]  }
0x205: {  	v45 =	vld [tilespmem:$0x1FF20]  }
0x206: {  	s0 =	sshra.s32 s0, $0x2;
	v46 =	vld [tilespmem:$0x1FF60];
	v0 =	vpack.i.f32.bf16 v0, v0  }
0x207: {  	s29 =	simm.s32 $0x12480;
	v47 =	vld [tilespmem:$0x1FF70];
	[tilespmem:s0+$0x1A380] =	vst v0;
	s0 =	simm.s32 $0x1A390  }
.LBB2_14:
0x208: {  	s28 =	sshll.u32 s26, $0x4  }
0x209: {  	s30 =	sor.u32 s28, s9  }
0x20a: {  	v0 =	vor.u32 s30, v8  }
0x20b: {  	s30 =	sand.u32 $0x80, s28;
	vm0 =	vge.s32 v0, v24;
	vm1 =	vge.s32 v0, v25  }
0x20c: {  	s28 =	sand.u32 $0x70, s28;
	s30 =	sadd.s32 s30, s13;
	vm11 =	vge.s32 v0, v26;
	v1 =	vsel vm0, $0x1, v9;
	v2 =	vsel vm1, $0x1, v9  }
0x20d: {  	vm12 =	vge.s32 v0, v45;
	s28 =	sadd.s32 s28, s30;
	v57 =	vsel vm11, $0x1, v9;
	v1 =	vadd.s32 v2, v1  }
0x20e: {  	vm13 =	vge.s32 v0, v46;
	v58 =	vsel vm12, $0x1, v9;
	v3 =	vld [tilespmem:s28+$0x0];
	v1 =	vadd.s32 v57, v1  }
0x20f: {  	v59 =	vsel vm13, $0x1, v9;
	vm14 =	vge.s32 v0, v47;
	v1 =	vadd.s32 v58, v1  }
0x210: {  	vm15 =	vge.s32 v0, v27;
	v60 =	vsel vm14, $0x1, v9;
	v1 =	vadd.s32 v59, v1  }
0x211: {  	v62 =	vsel vm15, $0x1, v9;
	v61 =	vadd.s32 v60, v1  }
0x212: {  	v0 =	vadd.s32 v62, v61  }
0x213: {  	v63 =	vshll.u32 v3, $0x9;
	v0 =	vshll.u32 v0, $0x6  }
0x214: {  	s31 =	smov.u32 s29;
	s30 =	simm.s32 $0x0;
	s28 =	smov.u32 s0;
	v44 =	vadd.s32 v0, v63  }
.LBB2_15:
0x215: {  	v2 =	vld [tilespmem:s28+$0xFFFFFFF0];
	_ =	sdelay $0x2  }
0x216: {  	v0 =	vmov s30  }
0x217: {  	v3 =	vperm.xlane v44, v0  }
0x218: {  	v1 =	vbroadcast v2, $0x0;
	v4 =	vbroadcast v2, $0x1  }
0x219: {  	v6 =	vbroadcast v2, $0x2;
	v15 =	vbroadcast v2, $0x4  }
0x21a: {  	v17 =	vbroadcast v2, $0x3;
	v18 =	vbroadcast v2, $0x5  }
0x21b: {  	v20 =	vbroadcast v2, $0x6;
	v23 =	vbroadcast v2, $0x7  }
0x21c: {  	v5 =	vmul.bf16 v1, v28;
	v10 =	vmul.bf16 v1, v29  }
0x21d: {  	v0 =	vor.u32 $0x10, v8;
	v11 =	vmul.bf16 v4, v30;
	v14 =	vmul.bf16 v6, v32  }
0x21e: {  	v7 =	vadd.s32 v8, v3;
	v19 =	vmul.bf16 v15, v36;
	v15 =	vmul.bf16 v15, v37  }
0x21f: {  	v16 =	vadd.s32 v0, v3;
	v22 =	vmul.bf16 v18, v38;
	v49 =	vmul.bf16 v20, v40  }
0x220: {  	v2 =	vor.u32 $0x30, v8;
	v50 =	vmul.bf16 v23, v42;
	v4 =	vmul.bf16 v4, v31  }
0x221: {  	v1 =	vor.u32 $0x20, v8;
	v18 =	vmul.bf16 v18, v39;
	v6 =	vmul.bf16 v6, v33  }
0x222: {  	v51 =	vmul.bf16 v20, v41;
	v52 =	vmul.bf16 v23, v43;
	v21 =	vadd.s32 v1, v3  }
0x223: {  	v5 =	vadd.bf16 v19, v5;
	v10 =	vadd.bf16 v15, v10;
	v15 =	vmul.bf16 v17, v34  }
0x224: {  	v3 =	vadd.s32 v2, v3;
	v11 =	vadd.bf16 v22, v11;
	v14 =	vadd.bf16 v49, v14  }
0x225: {  	v17 =	vmul.bf16 v17, v35;
	v4 =	vadd.bf16 v18, v4;
	v15 =	vadd.bf16 v50, v15  }
0x226: {  	v6 =	vadd.bf16 v51, v6;
	v5 =	vadd.bf16 v11, v5  }
0x227: {  	v7 =	vld.idx.msk [tilespmem:v7+s23+$0x0], $0xffff;
	v11 =	vadd.bf16 v15, v14;
	v14 =	vadd.bf16 v52, v17  }
0x228: {  	v4 =	vadd.bf16 v4, v10;
	v15 =	vld.idx.msk [tilespmem:v16+s23+$0x0], $0xffff  }
0x229: {  	v5 =	vadd.bf16 v11, v5;
	v11 =	vld.idx.msk [tilespmem:v21+s23+$0x0], $0xffff;
	v6 =	vadd.bf16 v14, v6  }
0x22a: {  	v3 =	vld.idx.msk [tilespmem:v3+s23+$0x0], $0xffff  }
0x22b: {  	v10 =	vunpack.i.l.bf16.f32 v5;
	v4 =	vadd.bf16 v6, v4  }
0x22c: {  	v5 =	vunpack.i.u.bf16.f32 v5;
	v6 =	vadd.f32 v10, v7  }
0x22d: {  	v5 =	vadd.f32 v5, v15;
	v7 =	vunpack.i.l.bf16.f32 v4  }
0x22e: {  	v4 =	vunpack.i.u.bf16.f32 v4;
	[tilespmem:s31+$0xFFFFFF00] =	vst v6;
	v6 =	vadd.f32 v7, v11  }
0x22f: {  	[tilespmem:s31+$0xFFFFFF10] =	vst v5;
	v3 =	vadd.f32 v4, v3  }
0x230: {  	[tilespmem:s31+$0xFFFFFF20] =	vst v6  }
0x231: {  	[tilespmem:s31+$0xFFFFFF30] =	vst v3  }
0x232: {  	v3 =	vld [tilespmem:s28+$0xFFFFFFF8];
	_ =	sdelay $0x2  }
0x233: {  	s4 =	sadd.s32 $0x1, s30  }
0x234: {  	v53 =	vmov s4  }
0x235: {  	v4 =	vperm.xlane v44, v53;
	v54 =	vbroadcast v3, $0x0  }
0x236: {  	v6 =	vbroadcast v3, $0x1;
	v10 =	vbroadcast v3, $0x2  }
0x237: {  	v15 =	vbroadcast v3, $0x4;
	v55 =	vbroadcast v3, $0x3  }
0x238: {  	v56 =	vbroadcast v3, $0x5;
	v59 =	vbroadcast v3, $0x6  }
0x239: {  	v3 =	vbroadcast v3, $0x7;
	v7 =	vmul.bf16 v54, v28  }
0x23a: {  	v5 =	vmul.bf16 v54, v29;
	v11 =	vmul.bf16 v6, v30  }
0x23b: {  	v14 =	vmul.bf16 v10, v32;
	v58 =	vmul.bf16 v15, v36  }
0x23c: {  	v15 =	vmul.bf16 v15, v37;
	v61 =	vmul.bf16 v56, v38  }
0x23d: {  	v62 =	vmul.bf16 v59, v40;
	v63 =	vmul.bf16 v55, v34  }
0x23e: {  	v48 =	vmul.bf16 v3, v42;
	v6 =	vmul.bf16 v6, v31  }
0x23f: {  	v57 =	vadd.s32 v8, v4;
	v17 =	vmul.bf16 v56, v39;
	v10 =	vmul.bf16 v10, v33  }
0x240: {  	v60 =	vadd.s32 v0, v4;
	v16 =	vmul.bf16 v55, v35;
	v49 =	vmul.bf16 v59, v41  }
0x241: {  	v3 =	vmul.bf16 v3, v43;
	v7 =	vadd.bf16 v58, v7;
	v5 =	vadd.bf16 v15, v5  }
0x242: {  	v15 =	vadd.s32 v1, v4;
	v11 =	vadd.bf16 v61, v11;
	v14 =	vadd.bf16 v62, v14  }
0x243: {  	v4 =	vadd.s32 v2, v4;
	v19 =	vadd.bf16 v48, v63;
	v6 =	vadd.bf16 v17, v6  }
0x244: {  	v10 =	vadd.bf16 v49, v10;
	v3 =	vadd.bf16 v3, v16  }
0x245: {  	v7 =	vadd.bf16 v11, v7;
	v11 =	vadd.bf16 v19, v14;
	v14 =	vld.idx.msk [tilespmem:v57+s23+$0x0], $0xffff  }
0x246: {  	v50 =	vld.idx.msk [tilespmem:v60+s23+$0x0], $0xffff;
	v5 =	vadd.bf16 v6, v5  }
0x247: {  	v3 =	vadd.bf16 v3, v10;
	v7 =	vadd.bf16 v11, v7;
	v11 =	vld.idx.msk [tilespmem:v15+s23+$0x0], $0xffff  }
0x248: {  	v4 =	vld.idx.msk [tilespmem:v4+s23+$0x0], $0xffff  }
0x249: {  	v3 =	vadd.bf16 v3, v5;
	v6 =	vunpack.i.l.bf16.f32 v7  }
0x24a: {  	v51 =	vunpack.i.u.bf16.f32 v7;
	v6 =	vadd.f32 v6, v14  }
0x24b: {  	v7 =	vunpack.i.l.bf16.f32 v3;
	v5 =	vadd.f32 v51, v50  }
0x24c: {  	v3 =	vunpack.i.u.bf16.f32 v3;
	[tilespmem:s31+$0xFFFFFF80] =	vst v6;
	v6 =	vadd.f32 v7, v11  }
0x24d: {  	[tilespmem:s31+$0xFFFFFF90] =	vst v5;
	v3 =	vadd.f32 v3, v4  }
0x24e: {  	[tilespmem:s31+$0xFFFFFFA0] =	vst v6  }
0x24f: {  	[tilespmem:s31+$0xFFFFFFB0] =	vst v3  }
0x250: {  	v3 =	vld [tilespmem:s28+$0x0];
	_ =	sdelay $0x1  }
0x251: {  	s4 =	sadd.s32 $0x2, s30  }
0x252: {  	v53 =	vmov s4  }
0x253: {  	v5 =	vperm.xlane v44, v53  }
0x254: {  	v52 =	vbroadcast v3, $0x0;
	v7 =	vbroadcast v3, $0x1  }
0x255: {  	v10 =	vbroadcast v3, $0x2;
	v11 =	vbroadcast v3, $0x3  }
0x256: {  	v15 =	vbroadcast v3, $0x4;
	v57 =	vbroadcast v3, $0x5  }
0x257: {  	v58 =	vbroadcast v3, $0x6;
	v3 =	vbroadcast v3, $0x7  }
0x258: {  	v6 =	vmul.bf16 v52, v28;
	v4 =	vmul.bf16 v52, v29  }
0x259: {  	v14 =	vmul.bf16 v7, v30;
	v54 =	vmul.bf16 v10, v32  }
0x25a: {  	v55 =	vmul.bf16 v11, v34;
	v56 =	vmul.bf16 v15, v36  }
0x25b: {  	v15 =	vmul.bf16 v15, v37;
	v59 =	vmul.bf16 v57, v38  }
0x25c: {  	v60 =	vmul.bf16 v58, v40;
	v61 =	vmul.bf16 v3, v42  }
0x25d: {  	v7 =	vmul.bf16 v7, v31;
	v19 =	vmul.bf16 v57, v39  }
0x25e: {  	v62 =	vadd.s32 v0, v5;
	v10 =	vmul.bf16 v10, v33;
	v11 =	vmul.bf16 v11, v35  }
0x25f: {  	v63 =	vadd.s32 v1, v5;
	v22 =	vmul.bf16 v58, v41;
	v3 =	vmul.bf16 v3, v43  }
0x260: {  	v6 =	vadd.bf16 v56, v6;
	v4 =	vadd.bf16 v15, v4;
	v15 =	vadd.s32 v8, v5  }
0x261: {  	v14 =	vadd.bf16 v59, v14;
	v16 =	vadd.bf16 v60, v54;
	v5 =	vadd.s32 v2, v5  }
0x262: {  	v17 =	vadd.bf16 v61, v55;
	v7 =	vadd.bf16 v19, v7  }
0x263: {  	v10 =	vadd.bf16 v22, v10;
	v3 =	vadd.bf16 v3, v11  }
0x264: {  	v11 =	vld.idx.msk [tilespmem:v62+s23+$0x0], $0xffff;
	v6 =	vadd.bf16 v14, v6;
	v14 =	vadd.bf16 v17, v16  }
0x265: {  	v4 =	vadd.bf16 v7, v4;
	v15 =	vld.idx.msk [tilespmem:v15+s23+$0x0], $0xffff  }
0x266: {  	v3 =	vadd.bf16 v3, v10;
	v6 =	vadd.bf16 v14, v6;
	v5 =	vld.idx.msk [tilespmem:v5+s23+$0x0], $0xffff  }
0x267: {  	v14 =	vld.idx.msk [tilespmem:v63+s23+$0x0], $0xffff  }
0x268: {  	v3 =	vadd.bf16 v3, v4;
	v23 =	vunpack.i.u.bf16.f32 v6  }
0x269: {  	v7 =	vunpack.i.l.bf16.f32 v6;
	v4 =	vadd.f32 v23, v11  }
0x26a: {  	v6 =	vadd.f32 v7, v15;
	v7 =	vunpack.i.l.bf16.f32 v3;
	v3 =	vunpack.i.u.bf16.f32 v3  }
0x26b: {  	[tilespmem:s31+$0x10] =	vst v4;
	v3 =	vadd.f32 v3, v5  }
0x26c: {  	[tilespmem:s31+$0x0] =	vst v6;
	v6 =	vadd.f32 v7, v14  }
0x26d: {  	[tilespmem:s31+$0x30] =	vst v3  }
0x26e: {  	[tilespmem:s31+$0x20] =	vst v6  }
0x26f: {  	v3 =	vld [tilespmem:s28+$0x8];
	_ =	sdelay $0x1  }
0x270: {  	s4 =	sadd.s32 $0x3, s30  }
0x271: {  	v48 =	vmov s4  }
0x272: {  	v4 =	vperm.xlane v44, v48  }
0x273: {  	v49 =	vbroadcast v3, $0x0;
	v7 =	vbroadcast v3, $0x1  }
0x274: {  	v10 =	vbroadcast v3, $0x2;
	v14 =	vbroadcast v3, $0x4  }
0x275: {  	v51 =	vbroadcast v3, $0x3;
	v53 =	vbroadcast v3, $0x5  }
0x276: {  	v54 =	vbroadcast v3, $0x6;
	v3 =	vbroadcast v3, $0x7  }
0x277: {  	v6 =	vmul.bf16 v49, v28;
	v5 =	vmul.bf16 v49, v29  }
0x278: {  	v11 =	vmul.bf16 v7, v30;
	v7 =	vmul.bf16 v7, v31  }
0x279: {  	v50 =	vmul.bf16 v10, v32;
	v52 =	vmul.bf16 v14, v36  }
0x27a: {  	v15 =	vadd.s32 v8, v4;
	v14 =	vmul.bf16 v14, v37;
	v55 =	vmul.bf16 v51, v34  }
0x27b: {  	v0 =	vadd.s32 v0, v4;
	v56 =	vmul.bf16 v53, v38;
	v57 =	vmul.bf16 v3, v42  }
0x27c: {  	v1 =	vadd.s32 v1, v4;
	v10 =	vmul.bf16 v10, v33;
	v58 =	vmul.bf16 v53, v39  }
0x27d: {  	v2 =	vadd.s32 v2, v4;
	v17 =	vmul.bf16 v51, v35;
	v4 =	vmul.bf16 v54, v41  }
0x27e: {  	v3 =	vmul.bf16 v3, v43;
	v6 =	vadd.bf16 v52, v6;
	v5 =	vadd.bf16 v14, v5  }
0x27f: {  	v14 =	vmul.bf16 v54, v40;
	v11 =	vadd.bf16 v56, v11;
	v7 =	vadd.bf16 v58, v7  }
0x280: {  	v4 =	vadd.bf16 v4, v10;
	v3 =	vadd.bf16 v3, v17  }
0x281: {  	v59 =	vadd.bf16 v57, v55;
	v14 =	vadd.bf16 v14, v50  }
0x282: {  	v1 =	vld.idx.msk [tilespmem:v1+s23+$0x0], $0xffff;
	v5 =	vadd.bf16 v7, v5;
	v3 =	vadd.bf16 v3, v4  }
0x283: {  	v2 =	vld.idx.msk [tilespmem:v2+s23+$0x0], $0xffff;
	v6 =	vadd.bf16 v11, v6  }
0x284: {  	v11 =	vadd.bf16 v59, v14;
	v14 =	vld.idx.msk [tilespmem:v15+s23+$0x0], $0xffff;
	v3 =	vadd.bf16 v3, v5  }
0x285: {  	v0 =	vld.idx.msk [tilespmem:v0+s23+$0x0], $0xffff  }
0x286: {  	v6 =	vadd.bf16 v11, v6;
	v62 =	vunpack.i.l.bf16.f32 v3  }
0x287: {  	p0 =	sne.s32 s30, $0xC;
	v3 =	vunpack.i.u.bf16.f32 v3;
	v1 =	vadd.f32 v62, v1  }
.Ltmp6:
0x288: {  	v63 =	vadd.f32 v3, v2;
	v60 =	vunpack.i.l.bf16.f32 v6;
	(pc) =	sbr.rel @p0 .LBB2_15-.Ltmp6, $4  }
0x289: {  	v61 =	vunpack.i.u.bf16.f32 v6;
	v4 =	vadd.f32 v60, v14;
	[tilespmem:s31+$0xA0] =	vst v1  }
0x28a: {  	v0 =	vadd.f32 v61, v0;
	[tilespmem:s31+$0xB0] =	vst v63  }
0x28b: {  	[tilespmem:s31+$0x80] =	vst v4  }
0x28c: {  	s30 =	sadd.s32 $0x4, s30;
	s28 =	sadd.s32 $0x20, s28;
	[tilespmem:s31+$0x90] =	vst v0;
	s31 =	sadd.s32 $0x200, s31  }
0x28d: {  	s26 =	sadd.s32 $0x1, s26  }
0x28e: {  	p0 =	sne.s32 s26, $0x10  }
.Ltmp7:
0x28f: {  	_ = 	snop;
	(pc) =	sbr.rel @p0 .LBB2_14-.Ltmp7, $2  }
0x290: {  	_ =	sdelay $0x2  }
0x291: {  	s0 =	sadd.s32 $0x80, s0;
	s29 =	sadd.s32 $0x800, s29  }
0x292: {  	[hbm4b:s14+s6] =	stream.linear.scatter [tilespmem:s24], [sflag:$0x2], $0x8000, $0x38;
	[tilespmem:$0x1AC00] =	vst v63  }
0x293: {  	_ =	swait.ge [sflag:s21], $0x8000  }
0x294: {  	v15 =	vld [tilespmem:$0x1FF80]  }
0x295: {  	s25 =	sadd.s32 $0x1, s25;
	v16 =	vld [tilespmem:$0x1FF90]  }
0x296: {  	p0 =	sne.s32 s25, s15;
	v17 =	vld [tilespmem:$0x1FFA0]  }
.Ltmp8:
0x297: {  	v18 =	vld [tilespmem:$0x1FFB0];
	(pc) =	sbr.rel @p0 .LBB2_1-.Ltmp8, $4  }
0x298: {  	v19 =	vld [tilespmem:$0x1FFC0]  }
0x299: {  	v20 =	vld [tilespmem:$0x1FFD0]  }
0x29a: {  	[sflag:s21] =	ssyncset.done $0x0;
	v21 =	vld [tilespmem:$0x1FFE0]  }
0x29b: {  	v14 =	vimm.f32 $1.000000000e+00;
	v22 =	vld [tilespmem:$0x1FFF0];
	[sflag:s21] =	ssyncadd.s32 $0xFFFF8000  }
0x29c: {  	_ =	sfence.sel $0x180000  }
0x29d: {  	[bflag:$0x0] =	sbarrier.arrive $0xFFFF  }
0x29e: {  	_ =	strace $0x90000047  }
0x29f: {  	s0 =	stileid.u32;
	[bflag:$0x2] =	sbarrier.arrive $0xFFFF  }
0x2a0: {  	p0 =	sne.s32 s0, $0x0;
	s0 =	rddreg [dreg:$0x6]  }
0x2a1: {  	s0 =	sadd.s32 @!p0 $0x100000, s0  }
0x2a2: {  	[sflag:s0] =	ssyncadd.tile.s32 @!p0 $0x1;
	_ =	shalt  }
.Lfunc_end2:
_tile_overlayer_lowered:
.L_overlay_start_2:
0x2a3: {  	(tag) =	ssettag $0x2  }
0x2a4: {  	s0 =	rddreg [dreg:$0x0];
	s2 =	stileid.u32  }
0x2a5: {  	s1 =	rddreg [dreg:$0x1];
	p0 =	sne.s32 s2, $0x0  }
0x2a6: {  	s3 =	rddreg [dreg:$0x2];
	[bflag:$0x3] =	sbarrier.arrive $0xFFFF;
	s2 =	simm.s32 @!p0 $0x1C02  }
0x2a7: {  	[timem:s3], [sflag:s2] =	dma.local @!p0 [hbm:s0], s1  }
0x2a8: {  	s0 =	simm.s32 @!p0 $0x2  }
0x2a9: {  	_ =	swait.ge @!p0 [sflag:s0], s1  }
0x2aa: {  	s1 =	ssub.s32 @!p0 $0x0, s1;
	[sflag:s0] =	ssyncset.done @!p0 $0x0  }
0x2ab: {  	[sflag:s0] =	ssyncadd.s32 @!p0 s1  }
0x2ac: {  	[bflag:$0x3] =	sbarrier.arrive $0xFFFF  }
0x2ad: {  	_ =	shalt  }

</sc_bundles>
